<compile_context>
chip_gen: v7x
topology: tpu7x:2x2x1
jax: 0.10.2.dev20260603
libtpu: 0.0.44.dev20260713+nightly
codegen_flags: <defaults>
</compile_context>

<pallas_src>
import functools

import jax
import jax.numpy as jnp
from jax import lax
from jax.experimental import pallas as pl
from jax.experimental.pallas import tpu as pltpu
from jax.experimental.pallas import tpu_sc as plsc

M = 2048
H = 1024
I = 768
E = 8
K = 2
P = M * K
CH = 256
NCH = M // CH
BM = 256
CWL = 128
NB = P // BM
NT = NB + E - 1

NC, NS = 2, 16
NW = NC * NS
TPW = M // NW


def _router_body(x_ref, gate_ref, d1_ref, d2_ref, cw1_ref, cw2_ref,
                 tmeta_ref, xp_ref):
    x = x_ref[...]
    gate_w = gate_ref[...]
    logits = lax.dot_general(x, gate_w, (((1,), (1,)), ((), ())),
                             preferred_element_type=jnp.float32)
    idxE = lax.broadcasted_iota(jnp.int32, (M, E), 1)
    m1 = jnp.max(logits, axis=1, keepdims=True)
    id1 = jnp.min(jnp.where(logits == m1, idxE, E), axis=1, keepdims=True)
    masked = jnp.where(idxE == id1, -jnp.inf, logits)
    m2 = jnp.max(masked, axis=1, keepdims=True)
    id2 = jnp.min(jnp.where(masked == m2, idxE, E), axis=1, keepdims=True)
    r = jnp.exp(m2 - m1)
    t1 = 1.0 / (1.0 + r)
    t2 = r / (1.0 + r)

    nh1 = (idxE == id1).astype(jnp.float32)
    nh2 = (idxE == id2).astype(jnp.float32)
    a = nh1 + nh2

    inc = a
    sh = 1
    while sh < M:
        inc = inc + jnp.concatenate(
            [jnp.zeros((sh, E), jnp.float32), inc[:M - sh]], axis=0)
        sh *= 2
    c_excl = inc - a
    counts = inc[M - 1:M, :]
    off_inc = counts
    sh = 1
    while sh < E:
        off_inc = off_inc + jnp.concatenate(
            [jnp.zeros((1, sh), jnp.float32), off_inc[:, :E - sh]], axis=1)
        sh *= 2
    offsets = off_inc - counts

    dmat = c_excl + offsets
    d1_ref[...] = jnp.sum(nh1 * dmat, axis=1).astype(jnp.int32)
    d2_ref[...] = jnp.sum(nh2 * dmat, axis=1).astype(jnp.int32)

    b_lo = lax.broadcasted_iota(jnp.int32, (NB, 1), 0).astype(
        jnp.float32) * BM
    ends = offsets + counts
    present = ((offsets < b_lo + BM) & (ends > b_lo)
               & (counts > 0)).astype(jnp.float32)
    pe = present
    sh = 1
    while sh < E:
        pe = pe + jnp.concatenate(
            [jnp.zeros((NB, sh), jnp.float32), pe[:, :E - sh]], axis=1)
        sh *= 2
    nb_tiles = jnp.reshape(pe[:, E - 1], (1, NB))
    st = nb_tiles
    sh = 1
    while sh < NB:
        st = st + jnp.concatenate(
            [jnp.zeros((1, sh), jnp.float32), st[:, :NB - sh]], axis=1)
        sh *= 2
    st = st - nb_tiles
    total = st[:, NB - 1:NB] + nb_tiles[:, NB - 1:NB]

    t_col = lax.broadcasted_iota(jnp.int32, (NT, 1), 0).astype(
        jnp.float32)
    ge = (st <= t_col).astype(jnp.float32)
    bt = jnp.sum(ge, axis=1, keepdims=True) - 1.0
    bt = jnp.clip(bt, 0.0, NB - 1.0)
    oh_b = (lax.broadcasted_iota(jnp.int32, (NT, NB), 1).astype(jnp.float32)
            == bt).astype(jnp.float32)
    st_bt = jnp.sum(oh_b * st, axis=1, keepdims=True)
    r_t = t_col - st_bt
    pebt = lax.dot_general(oh_b, pe, (((1,), (0,)), ((), ())),
                           preferred_element_type=jnp.float32)
    et = jnp.sum((pebt <= r_t).astype(jnp.float32), axis=1,
                 keepdims=True)
    et = jnp.clip(et, 0.0, E - 1.0)
    valid = (t_col < total).astype(jnp.float32)
    bt_prev = jnp.concatenate([-jnp.ones((1, 1), jnp.float32),
                               bt[:NT - 1]], axis=0)
    first = (bt != bt_prev).astype(jnp.float32)
    tmeta_ref[0, :] = jnp.reshape(bt, (NT,)).astype(jnp.int32)
    tmeta_ref[1, :] = jnp.reshape(et, (NT,)).astype(jnp.int32)
    tmeta_ref[2, :] = jnp.reshape(valid, (NT,)).astype(jnp.int32)
    tmeta_ref[3, :] = jnp.reshape(first, (NT,)).astype(jnp.int32)

    zpad = jnp.zeros((M, CWL - E), dtype=jnp.float32)
    cw1_ref[...] = jnp.concatenate([nh1 * t1, zpad], axis=1)
    cw2_ref[...] = jnp.concatenate([nh2 * t2, zpad], axis=1)

    xbf = x.astype(jnp.bfloat16)
    lo = lax.bitcast_convert_type(xbf[:, :H // 2], jnp.uint16).astype(
        jnp.int32)
    hi = lax.bitcast_convert_type(xbf[:, H // 2:], jnp.uint16).astype(
        jnp.int32)
    xp_ref[...] = lax.shift_left(hi, 16) | lo


def _router_call(x, gate_w):
    return pl.pallas_call(
        _router_body,
        grid=(1,),
        in_specs=[
            pl.BlockSpec((M, H), lambda i: (0, 0)),
            pl.BlockSpec((E, H), lambda i: (0, 0)),
        ],
        out_specs=[
            pl.BlockSpec((M,), lambda i: (0,)),
            pl.BlockSpec((M,), lambda i: (0,)),
            pl.BlockSpec((M, CWL), lambda i: (0, 0)),
            pl.BlockSpec((M, CWL), lambda i: (0, 0)),
            pl.BlockSpec((4, NT), lambda i: (0, 0)),
            pl.BlockSpec((M, H // 2), lambda i: (0, 0)),
        ],
        out_shape=[
            jax.ShapeDtypeStruct((M,), jnp.int32),
            jax.ShapeDtypeStruct((M,), jnp.int32),
            jax.ShapeDtypeStruct((M, CWL), jnp.float32),
            jax.ShapeDtypeStruct((M, CWL), jnp.float32),
            jax.ShapeDtypeStruct((4, NT), jnp.int32),
            jax.ShapeDtypeStruct((M, H // 2), jnp.int32),
        ],
        compiler_params=pltpu.CompilerParams(
            vmem_limit_bytes=100 * 1024 * 1024,
        ),
    )(x, gate_w)


@functools.lru_cache(maxsize=None)
def _sc_mesh():
    return plsc.VectorSubcoreMesh(core_axis_name="c", subcore_axis_name="s",
                                  num_cores=NC, num_subcores=NS)


@functools.lru_cache(maxsize=None)
def _dispatch_fn():
    @functools.partial(
        pl.kernel,
        out_type=[
            jax.ShapeDtypeStruct((P, H // 2), jnp.int32),
            jax.ShapeDtypeStruct((P, CWL), jnp.float32),
        ],
        mesh=_sc_mesh(),
        scratch_types=[
            pltpu.VMEM((TPW, H // 2), jnp.int32),
            pltpu.VMEM((TPW, CWL), jnp.float32),
            pltpu.VMEM((TPW, CWL), jnp.float32),
            pltpu.VMEM((TPW,), jnp.int32),
            pltpu.VMEM((TPW,), jnp.int32),
        ] + [pltpu.SemaphoreType.DMA] * 9,
    )
    def _dispatch(x_hbm, d1_hbm, d2_hbm, cw1_hbm, cw2_hbm, xs_hbm, cws_hbm,
                  xrows, cwbuf, cwbuf2, idx1, idx2,
                  s1, s2, s3, s4, s5, s6, s7, s8, s9):
        wid = lax.axis_index("s") * NC + lax.axis_index("c")
        base = wid * TPW
        ci1 = pltpu.async_copy(d1_hbm.at[pl.ds(base, TPW)], idx1, s1)
        ci2 = pltpu.async_copy(d2_hbm.at[pl.ds(base, TPW)], idx2, s2)
        cx = pltpu.async_copy(x_hbm.at[pl.ds(base, TPW)], xrows, s3)
        cc1 = pltpu.async_copy(cw1_hbm.at[pl.ds(base, TPW)], cwbuf, s4)
        cc2 = pltpu.async_copy(cw2_hbm.at[pl.ds(base, TPW)], cwbuf2, s5)
        ci1.wait()
        cx.wait()
        o1 = pltpu.async_copy(xrows, xs_hbm.at[idx1], s6)
        ci2.wait()
        o2 = pltpu.async_copy(xrows, xs_hbm.at[idx2], s7)
        cc1.wait()
        o3 = pltpu.async_copy(cwbuf, cws_hbm.at[idx1], s8)
        cc2.wait()
        o4 = pltpu.async_copy(cwbuf2, cws_hbm.at[idx2], s9)
        o1.wait()
        o2.wait()
        o3.wait()
        o4.wait()

    return _dispatch


def _gmm_body(tm_ref, xs_ref, cw_ref, w13_ref, w2_ref, ys_ref):
    t = pl.program_id(0)
    e = tm_ref[1, t]
    valid = tm_ref[2, t]
    first = tm_ref[3, t]

    @pl.when(first == 1)
    def _():
        ys_ref[...] = jnp.zeros((BM, H), jnp.float32)

    @pl.when(valid == 1)
    def _():
        xi = xs_ref[...]
        lo = lax.bitcast_convert_type(
            (xi & 0xFFFF).astype(jnp.uint16), jnp.bfloat16)
        hi = lax.bitcast_convert_type(
            lax.shift_right_logical(xi, 16).astype(jnp.uint16), jnp.bfloat16)
        xb = jnp.concatenate([lo, hi], axis=1)
        li = lax.broadcasted_iota(jnp.int32, (BM, E), 1)
        sc = jnp.sum(cw_ref[:, :E] * (li == e), axis=1)
        gu = lax.dot_general(xb, w13_ref[0], (((1,), (1,)), ((), ())),
                             preferred_element_type=jnp.float32)
        g = gu[:, :I]
        u = gu[:, I:]
        h = (g * (1.0 / (1.0 + jnp.exp(-g)))) * u * sc[:, None]
        ys_ref[...] += lax.dot_general(
            h.astype(jnp.bfloat16), w2_ref[0], (((1,), (1,)), ((), ())),
            preferred_element_type=jnp.float32)


def _gmm_call(tmeta, xs, cws, w13b, w2b):
    grid_spec = pltpu.PrefetchScalarGridSpec(
        num_scalar_prefetch=1,
        grid=(NT,),
        in_specs=[
            pl.BlockSpec((BM, H // 2), lambda t, m: (m[0, t], 0)),
            pl.BlockSpec((BM, CWL), lambda t, m: (m[0, t], 0)),
            pl.BlockSpec((1, 2 * I, H), lambda t, m: (m[1, t], 0, 0)),
            pl.BlockSpec((1, H, I), lambda t, m: (m[1, t], 0, 0)),
        ],
        out_specs=pl.BlockSpec((BM, H), lambda t, m: (m[0, t], 0)),
    )
    return pl.pallas_call(
        _gmm_body,
        grid_spec=grid_spec,
        out_shape=jax.ShapeDtypeStruct((P, H), jnp.float32),
        compiler_params=pltpu.CompilerParams(
            vmem_limit_bytes=100 * 1024 * 1024,
        ),
    )(tmeta, xs, cws, w13b, w2b)


NQ = 4
TPQ = TPW // NQ


@functools.lru_cache(maxsize=None)
def _combine_fn():
    @functools.partial(
        pl.kernel,
        out_type=jax.ShapeDtypeStruct((M, H), jnp.float32),
        mesh=_sc_mesh(),
        scratch_types=[
            pltpu.VMEM((TPQ, H), jnp.float32),
            pltpu.VMEM((TPQ, H), jnp.float32),
            pltpu.VMEM((TPQ, H), jnp.float32),
            pltpu.VMEM((TPQ, H), jnp.float32),
            pltpu.VMEM((TPW,), jnp.int32),
            pltpu.VMEM((TPW,), jnp.int32),
            pltpu.SemaphoreType.DMA,
            pltpu.SemaphoreType.DMA,
            pltpu.SemaphoreType.DMA,
            pltpu.SemaphoreType.DMA,
            pltpu.SemaphoreType.DMA,
            pltpu.SemaphoreType.DMA,
        ],
    )
    def _combine(ys_hbm, d1_hbm, d2_hbm, out_hbm, acc0, acc1, buf0, buf1,
                 idx1, idx2, ga0, ga1, gb0, gb1, st0, st1):
        wid = lax.axis_index("s") * NC + lax.axis_index("c")
        base = wid * TPW
        pltpu.sync_copy(d1_hbm.at[pl.ds(base, TPW)], idx1)
        pltpu.sync_copy(d2_hbm.at[pl.ds(base, TPW)], idx2)
        accs, bufs = (acc0, acc1), (buf0, buf1)
        gsems, hsems, ssems = (ga0, ga1), (gb0, gb1), (st0, st1)

        def gathers(q):
            p = q & 1
            ia = idx1.at[pl.ds(q * TPQ, TPQ)]
            ib = idx2.at[pl.ds(q * TPQ, TPQ)]
            return (pltpu.async_copy(ys_hbm.at[ia], accs[p], gsems[p]),
                    pltpu.async_copy(ys_hbm.at[ib], bufs[p], hsems[p]))

        pend_g = {0: gathers(0)}
        pend_store = [None, None]
        for q in range(NQ):
            p = q & 1
            if q + 1 < NQ:
                pn = (q + 1) & 1
                if pend_store[pn] is not None:
                    pend_store[pn].wait()
                    pend_store[pn] = None
                pend_g[q + 1] = gathers(q + 1)
            for c in pend_g.pop(q):
                c.wait()

            def body(c, _, p=p):
                col = c * 16
                for r in range(TPQ):
                    accs[p][r, pl.ds(col, 16)] = (
                        accs[p][r, pl.ds(col, 16)]
                        + bufs[p][r, pl.ds(col, 16)])
                return 0

            lax.fori_loop(0, H // 16, body, 0)
            pend_store[p] = pltpu.async_copy(
                accs[p], out_hbm.at[pl.ds(base + q * TPQ, TPQ)], ssems[p])
        for p in range(2):
            if pend_store[p] is not None:
                pend_store[p].wait()

    return _combine


@jax.jit
def kernel(hidden_states, gate_w, w13, w2):
    x = hidden_states.reshape(-1, H)
    w13b = w13.astype(jnp.bfloat16)
    w2b = w2.astype(jnp.bfloat16)
    d1, d2, cw1, cw2, tmeta, xp = _router_call(x, gate_w)
    xs, cws = _dispatch_fn()(xp, d1, d2, cw1, cw2)
    ys = _gmm_call(tmeta, xs, cws, w13b, w2b)
    out = _combine_fn()(ys, d1, d2)
    return out.reshape(hidden_states.shape)

# --- scband reference (transcript-rebuilt; emitter-appended) ---
"""Pipeline reference for scband-qwen3-moe-decoder-layer-9225589752215 (READ-ONLY COPY).

The authoritative reference and input builder live on the scoring server;
editing this copy changes nothing except your own understanding.
"""

import jax, jax.numpy as jnp
import numpy as np

M = 2048      # tokens (batch 1 x seq 2048)
H = 1024      # hidden_size
I = 768       # moe_intermediate_size
E = 8         # num_experts
K = 2         # num_experts_per_tok


def setup_inputs(seed: int = 0) -> dict:
    key = jax.random.key(seed)
    k1, k2, k3, k4 = jax.random.split(key, 4)
    hidden_states = jax.random.normal(k1, (M, H), dtype=jnp.float32)
    gate_w = jax.random.normal(k2, (E, H), dtype=jnp.float32) * 0.02
    w13 = jax.random.normal(k3, (E, 2 * I, H), dtype=jnp.float32) * 0.02
    w2 = jax.random.normal(k4, (E, H, I), dtype=jnp.float32) * 0.02
    return {"hidden_states": hidden_states, "gate_w": gate_w, "w13": w13, "w2": w2}


def reference(hidden_states, gate_w, w13, w2):
    x = hidden_states.reshape(-1, H)
    # router
    router_logits = x @ gate_w.T                                  # [M, E]
    routing_weights = jax.nn.softmax(router_logits.astype(jnp.float32), axis=-1)
    topk_w, topk_ids = jax.lax.top_k(routing_weights, K)          # [M, K]
    topk_w = topk_w / jnp.sum(topk_w, axis=-1, keepdims=True)
    topk_w = topk_w.astype(x.dtype)
    # combine weights per (token, expert) via scatter-add (SparseCore-style)
    combine = jnp.zeros((x.shape[0], E), dtype=x.dtype)
    combine = combine.at[jnp.arange(x.shape[0])[:, None], topk_ids].add(topk_w)
    # expert MLPs (SiluAndMul), weighted accumulation == index_add_ in torch ref
    out = jnp.zeros_like(x)
    for e in range(E):
        w1 = w13[e, :I, :]    # gate_proj [I, H]
        w3 = w13[e, I:, :]    # up_proj   [I, H]
        g = x @ w1.T
        u = x @ w3.T
        h = jax.nn.silu(g) * u
        y = h @ w2[e].T       # down_proj [H, I]
        out = out + y * combine[:, e][:, None]
    return out.reshape(hidden_states.shape)

if __name__ == "__main__":
    import jax
    _d = setup_inputs()
    print(jax.jit(kernel)(*tuple(_d.values())))

</pallas_src>

<mosaic_0001>
#map = affine_map<(d0, d1) -> (0, 0)>
#map1 = affine_map<(d0, d1) -> (0)>
module attributes {stable_mosaic.version = 14 : i64} {
  func.func @_combine(%arg0: i32, %arg1: i32, %arg2: memref<4096x1024xf32, #tpu.memory_space<hbm>>, %arg3: memref<2048xi32, #tpu.memory_space<hbm>>, %arg4: memref<2048xi32, #tpu.memory_space<hbm>>, %arg5: memref<2048x1024xf32, #tpu.memory_space<hbm>>, %arg6: memref<16x1024xf32, #tpu.memory_space<vmem>>, %arg7: memref<16x1024xf32, #tpu.memory_space<vmem>>, %arg8: memref<16x1024xf32, #tpu.memory_space<vmem>>, %arg9: memref<16x1024xf32, #tpu.memory_space<vmem>>, %arg10: memref<64xi32, #tpu.memory_space<vmem>>, %arg11: memref<64xi32, #tpu.memory_space<vmem>>, %arg12: memref<!tpu.dma_semaphore, #tpu.memory_space<semaphore_mem>>, %arg13: memref<!tpu.dma_semaphore, #tpu.memory_space<semaphore_mem>>, %arg14: memref<!tpu.dma_semaphore, #tpu.memory_space<semaphore_mem>>, %arg15: memref<!tpu.dma_semaphore, #tpu.memory_space<semaphore_mem>>, %arg16: memref<!tpu.dma_semaphore, #tpu.memory_space<semaphore_mem>>, %arg17: memref<!tpu.dma_semaphore, #tpu.memory_space<semaphore_mem>>) attributes {dimension_semantics = [#tpu.dimension_semantics<core_parallel>, #tpu.dimension_semantics<subcore_parallel>], iteration_bounds = array<i64: 2, 16>, scalar_prefetch = 0 : i64, scratch_operands = 12 : i64, tpu.core_type = #tpu.core_type<sc_vector_subcore>, window_params = [{transform_indices = #map}, {transform_indices = #map1}, {transform_indices = #map1}, {transform_indices = #map}]} {
    %mul3A = arith.constant 2 : i32
    %mul3A_0 = arith.muli %arg1, %mul3A : i32
    %add3A = arith.addi %mul3A_0, %arg0 : i32
    %mul3A_1 = arith.constant 64 : i32
    %mul3A_2 = arith.muli %add3A, %mul3A_1 : i32
    "tpu.region"() ({
      %run_scoped3A = tpu.sem_alloc : memref<!tpu.dma_semaphore, #tpu.memory_space<semaphore_mem>>
      %dma_start3A_148 = tpu.memref_slice %arg3[%mul3A_2] : memref<2048xi32, #tpu.memory_space<hbm>> -> memref<64xi32, #tpu.memory_space<hbm>>
      %dma_start3A_149 = tpu.memref_slice %arg3[%mul3A_2] : memref<2048xi32, #tpu.memory_space<hbm>> -> memref<64xi32, #tpu.memory_space<hbm>>
      tpu.enqueue_dma source(%dma_start3A_149 : memref<64xi32, #tpu.memory_space<hbm>>) target(%arg10 : memref<64xi32, #tpu.memory_space<vmem>>) target_semaphore(%run_scoped3A : memref<!tpu.dma_semaphore, #tpu.memory_space<semaphore_mem>>)
      %dma_wait3A_150 = tpu.memref_slice %arg3[%mul3A_2] : memref<2048xi32, #tpu.memory_space<hbm>> -> memref<64xi32, #tpu.memory_space<hbm>>
      %dma_wait3A_151 = tpu.memref_slice %arg3[%mul3A_2] : memref<2048xi32, #tpu.memory_space<hbm>> -> memref<64xi32, #tpu.memory_space<hbm>>
      tpu.wait_dma2 semaphore(%run_scoped3A : memref<!tpu.dma_semaphore, #tpu.memory_space<semaphore_mem>>) src(%dma_wait3A_151 : memref<64xi32, #tpu.memory_space<hbm>>) dst(%arg10 : memref<64xi32, #tpu.memory_space<vmem>>)
      tpu.yield
    }) : () -> ()
    "tpu.region"() ({
      %run_scoped3A = tpu.sem_alloc : memref<!tpu.dma_semaphore, #tpu.memory_space<semaphore_mem>>
      %dma_start3A_148 = tpu.memref_slice %arg4[%mul3A_2] : memref<2048xi32, #tpu.memory_space<hbm>> -> memref<64xi32, #tpu.memory_space<hbm>>
      %dma_start3A_149 = tpu.memref_slice %arg4[%mul3A_2] : memref<2048xi32, #tpu.memory_space<hbm>> -> memref<64xi32, #tpu.memory_space<hbm>>
      tpu.enqueue_dma source(%dma_start3A_149 : memref<64xi32, #tpu.memory_space<hbm>>) target(%arg11 : memref<64xi32, #tpu.memory_space<vmem>>) target_semaphore(%run_scoped3A : memref<!tpu.dma_semaphore, #tpu.memory_space<semaphore_mem>>)
      %dma_wait3A_150 = tpu.memref_slice %arg4[%mul3A_2] : memref<2048xi32, #tpu.memory_space<hbm>> -> memref<64xi32, #tpu.memory_space<hbm>>
      %dma_wait3A_151 = tpu.memref_slice %arg4[%mul3A_2] : memref<2048xi32, #tpu.memory_space<hbm>> -> memref<64xi32, #tpu.memory_space<hbm>>
      tpu.wait_dma2 semaphore(%run_scoped3A : memref<!tpu.dma_semaphore, #tpu.memory_space<semaphore_mem>>) src(%dma_wait3A_151 : memref<64xi32, #tpu.memory_space<hbm>>) dst(%arg11 : memref<64xi32, #tpu.memory_space<vmem>>)
      tpu.yield
    }) : () -> ()
    %dma_start3A = arith.constant 0 : i32
    %dma_start3A_3 = tpu.memref_slice %arg10[%dma_start3A] : memref<64xi32, #tpu.memory_space<vmem>> -> memref<16xi32, #tpu.memory_space<vmem>>
    %dma_start3A_4 = arith.constant 0 : i32
    %dma_start3A_5 = arith.constant 0 : i32
    %dma_start3A_6 = tpu.memref_slice %arg2[%dma_start3A_4, %dma_start3A_5] : memref<4096x1024xf32, #tpu.memory_space<hbm>> -> memref<4096x1024xf32, #tpu.memory_space<hbm>>
    tpu.enqueue_indirect_dma source(%dma_start3A_6 : memref<4096x1024xf32, #tpu.memory_space<hbm>>) target(%arg6 : memref<16x1024xf32, #tpu.memory_space<vmem>>) offsets(%dma_start3A_3 : memref<16xi32, #tpu.memory_space<vmem>>) semaphore(%arg12 : memref<!tpu.dma_semaphore, #tpu.memory_space<semaphore_mem>>)
    %dma_start3A_7 = arith.constant 0 : i32
    %dma_start3A_8 = tpu.memref_slice %arg11[%dma_start3A_7] : memref<64xi32, #tpu.memory_space<vmem>> -> memref<16xi32, #tpu.memory_space<vmem>>
    %dma_start3A_9 = arith.constant 0 : i32
    %dma_start3A_10 = arith.constant 0 : i32
    %dma_start3A_11 = tpu.memref_slice %arg2[%dma_start3A_9, %dma_start3A_10] : memref<4096x1024xf32, #tpu.memory_space<hbm>> -> memref<4096x1024xf32, #tpu.memory_space<hbm>>
    tpu.enqueue_indirect_dma source(%dma_start3A_11 : memref<4096x1024xf32, #tpu.memory_space<hbm>>) target(%arg8 : memref<16x1024xf32, #tpu.memory_space<vmem>>) offsets(%dma_start3A_8 : memref<16xi32, #tpu.memory_space<vmem>>) semaphore(%arg14 : memref<!tpu.dma_semaphore, #tpu.memory_space<semaphore_mem>>)
    %dma_start3A_12 = arith.constant 16 : i32
    %dma_start3A_13 = tpu.memref_slice %arg10[%dma_start3A_12] : memref<64xi32, #tpu.memory_space<vmem>> -> memref<16xi32, #tpu.memory_space<vmem>>
    %dma_start3A_14 = arith.constant 0 : i32
    %dma_start3A_15 = arith.constant 0 : i32
    %dma_start3A_16 = tpu.memref_slice %arg2[%dma_start3A_14, %dma_start3A_15] : memref<4096x1024xf32, #tpu.memory_space<hbm>> -> memref<4096x1024xf32, #tpu.memory_space<hbm>>
    tpu.enqueue_indirect_dma source(%dma_start3A_16 : memref<4096x1024xf32, #tpu.memory_space<hbm>>) target(%arg7 : memref<16x1024xf32, #tpu.memory_space<vmem>>) offsets(%dma_start3A_13 : memref<16xi32, #tpu.memory_space<vmem>>) semaphore(%arg13 : memref<!tpu.dma_semaphore, #tpu.memory_space<semaphore_mem>>)
    %dma_start3A_17 = arith.constant 16 : i32
    %dma_start3A_18 = tpu.memref_slice %arg11[%dma_start3A_17] : memref<64xi32, #tpu.memory_space<vmem>> -> memref<16xi32, #tpu.memory_space<vmem>>
    %dma_start3A_19 = arith.constant 0 : i32
    %dma_start3A_20 = arith.constant 0 : i32
    %dma_start3A_21 = tpu.memref_slice %arg2[%dma_start3A_19, %dma_start3A_20] : memref<4096x1024xf32, #tpu.memory_space<hbm>> -> memref<4096x1024xf32, #tpu.memory_space<hbm>>
    tpu.enqueue_indirect_dma source(%dma_start3A_21 : memref<4096x1024xf32, #tpu.memory_space<hbm>>) target(%arg9 : memref<16x1024xf32, #tpu.memory_space<vmem>>) offsets(%dma_start3A_18 : memref<16xi32, #tpu.memory_space<vmem>>) semaphore(%arg15 : memref<!tpu.dma_semaphore, #tpu.memory_space<semaphore_mem>>)
    %dma_wait3A = arith.constant 0 : i32
    %dma_wait3A_22 = tpu.memref_slice %arg10[%dma_wait3A] : memref<64xi32, #tpu.memory_space<vmem>> -> memref<16xi32, #tpu.memory_space<vmem>>
    %dma_wait3A_23 = arith.constant 0 : i32
    %dma_wait3A_24 = arith.constant 0 : i32
    %dma_wait3A_25 = tpu.memref_slice %arg2[%dma_wait3A_23, %dma_wait3A_24] : memref<4096x1024xf32, #tpu.memory_space<hbm>> -> memref<4096x1024xf32, #tpu.memory_space<hbm>>
    tpu.wait_indirect_dma semaphore(%arg12 : memref<!tpu.dma_semaphore, #tpu.memory_space<semaphore_mem>>) src(%dma_wait3A_25 : memref<4096x1024xf32, #tpu.memory_space<hbm>>) dst(%arg6 : memref<16x1024xf32, #tpu.memory_space<vmem>>)
    %dma_wait3A_26 = arith.constant 0 : i32
    %dma_wait3A_27 = tpu.memref_slice %arg11[%dma_wait3A_26] : memref<64xi32, #tpu.memory_space<vmem>> -> memref<16xi32, #tpu.memory_space<vmem>>
    %dma_wait3A_28 = arith.constant 0 : i32
    %dma_wait3A_29 = arith.constant 0 : i32
    %dma_wait3A_30 = tpu.memref_slice %arg2[%dma_wait3A_28, %dma_wait3A_29] : memref<4096x1024xf32, #tpu.memory_space<hbm>> -> memref<4096x1024xf32, #tpu.memory_space<hbm>>
    tpu.wait_indirect_dma semaphore(%arg14 : memref<!tpu.dma_semaphore, #tpu.memory_space<semaphore_mem>>) src(%dma_wait3A_30 : memref<4096x1024xf32, #tpu.memory_space<hbm>>) dst(%arg8 : memref<16x1024xf32, #tpu.memory_space<vmem>>)
    %scan3A = arith.constant 0 : i32
    %scan3A_31 = arith.constant 0 : i32
    %scan3A_32 = arith.constant 64 : i32
    %scan3A_33 = arith.addi %scan3A_31, %scan3A_32 : i32
    %scan3A_34 = arith.constant 1 : i32
    %scan3A_35 = scf.for %scan3A_148 = %scan3A_31 to %scan3A_33 step %scan3A_34 iter_args(%scan3A_149 = %scan3A) -> (i32)  : i32 {
      %mul3A_150 = arith.constant 16 : i32
      %mul3A_151 = arith.muli %scan3A_148, %mul3A_150 : i32
      %get3A = arith.constant 0 : i32
      %get3A_152 = arith.index_cast %get3A : i32 to index
      %get3A_153 = arith.index_cast %mul3A_151 : i32 to index
      %get3A_154 = tpu.vector_load %arg6[%get3A_152, %get3A_153] {strides = array<i32>} : memref<16x1024xf32, #tpu.memory_space<vmem>>, vector<1x16xf32>,
      %get3A_155 = vector.shape_cast %get3A_154 : vector<1x16xf32> to vector<16xf32>
      %get3A_156 = arith.constant 0 : i32
      %get3A_157 = arith.index_cast %get3A_156 : i32 to index
      %get3A_158 = arith.index_cast %mul3A_151 : i32 to index
      %get3A_159 = tpu.vector_load %arg8[%get3A_157, %get3A_158] {strides = array<i32>} : memref<16x1024xf32, #tpu.memory_space<vmem>>, vector<1x16xf32>,
      %get3A_160 = vector.shape_cast %get3A_159 : vector<1x16xf32> to vector<16xf32>
      %add3A_161 = arith.addf %get3A_155, %get3A_160 : vector<16xf32>
      %swap3A = arith.constant 0 : i32
      %swap3A_162 = arith.index_cast %swap3A : i32 to index
      %swap3A_163 = arith.index_cast %mul3A_151 : i32 to index
      %swap3A_164 = tpu.vector_load %arg6[%swap3A_162, %swap3A_163] {strides = array<i32>} : memref<16x1024xf32, #tpu.memory_space<vmem>>, vector<1x16xf32>,
      %swap3A_165 = vector.shape_cast %swap3A_164 : vector<1x16xf32> to vector<16xf32>
      %swap3A_166 = vector.shape_cast %add3A_161 : vector<16xf32> to vector<1x16xf32>
      tpu.vector_store %arg6[%swap3A_162, %swap3A_163], %swap3A_166 {strides = array<i32>} : memref<16x1024xf32, #tpu.memory_space<vmem>>, vector<1x16xf32>,
      %get3A_167 = arith.constant 1 : i32
      %get3A_168 = arith.index_cast %get3A_167 : i32 to index
      %get3A_169 = arith.index_cast %mul3A_151 : i32 to index
      %get3A_170 = tpu.vector_load %arg6[%get3A_168, %get3A_169] {strides = array<i32>} : memref<16x1024xf32, #tpu.memory_space<vmem>>, vector<1x16xf32>,
      %get3A_171 = vector.shape_cast %get3A_170 : vector<1x16xf32> to vector<16xf32>
      %get3A_172 = arith.constant 1 : i32
      %get3A_173 = arith.index_cast %get3A_172 : i32 to index
      %get3A_174 = arith.index_cast %mul3A_151 : i32 to index
      %get3A_175 = tpu.vector_load %arg8[%get3A_173, %get3A_174] {strides = array<i32>} : memref<16x1024xf32, #tpu.memory_space<vmem>>, vector<1x16xf32>,
      %get3A_176 = vector.shape_cast %get3A_175 : vector<1x16xf32> to vector<16xf32>
      %add3A_177 = arith.addf %get3A_171, %get3A_176 : vector<16xf32>
      %swap3A_178 = arith.constant 1 : i32
      %swap3A_179 = arith.index_cast %swap3A_178 : i32 to index
      %swap3A_180 = arith.index_cast %mul3A_151 : i32 to index
      %swap3A_181 = tpu.vector_load %arg6[%swap3A_179, %swap3A_180] {strides = array<i32>} : memref<16x1024xf32, #tpu.memory_space<vmem>>, vector<1x16xf32>,
      %swap3A_182 = vector.shape_cast %swap3A_181 : vector<1x16xf32> to vector<16xf32>
      %swap3A_183 = vector.shape_cast %add3A_177 : vector<16xf32> to vector<1x16xf32>
      tpu.vector_store %arg6[%swap3A_179, %swap3A_180], %swap3A_183 {strides = array<i32>} : memref<16x1024xf32, #tpu.memory_space<vmem>>, vector<1x16xf32>,
      %get3A_184 = arith.constant 2 : i32
      %get3A_185 = arith.index_cast %get3A_184 : i32 to index
      %get3A_186 = arith.index_cast %mul3A_151 : i32 to index
      %get3A_187 = tpu.vector_load %arg6[%get3A_185, %get3A_186] {strides = array<i32>} : memref<16x1024xf32, #tpu.memory_space<vmem>>, vector<1x16xf32>,
      %get3A_188 = vector.shape_cast %get3A_187 : vector<1x16xf32> to vector<16xf32>
      %get3A_189 = arith.constant 2 : i32
      %get3A_190 = arith.index_cast %get3A_189 : i32 to index
      %get3A_191 = arith.index_cast %mul3A_151 : i32 to index
      %get3A_192 = tpu.vector_load %arg8[%get3A_190, %get3A_191] {strides = array<i32>} : memref<16x1024xf32, #tpu.memory_space<vmem>>, vector<1x16xf32>,
      %get3A_193 = vector.shape_cast %get3A_192 : vector<1x16xf32> to vector<16xf32>
      %add3A_194 = arith.addf %get3A_188, %get3A_193 : vector<16xf32>
      %swap3A_195 = arith.constant 2 : i32
      %swap3A_196 = arith.index_cast %swap3A_195 : i32 to index
      %swap3A_197 = arith.index_cast %mul3A_151 : i32 to index
      %swap3A_198 = tpu.vector_load %arg6[%swap3A_196, %swap3A_197] {strides = array<i32>} : memref<16x1024xf32, #tpu.memory_space<vmem>>, vector<1x16xf32>,
      %swap3A_199 = vector.shape_cast %swap3A_198 : vector<1x16xf32> to vector<16xf32>
      %swap3A_200 = vector.shape_cast %add3A_194 : vector<16xf32> to vector<1x16xf32>
      tpu.vector_store %arg6[%swap3A_196, %swap3A_197], %swap3A_200 {strides = array<i32>} : memref<16x1024xf32, #tpu.memory_space<vmem>>, vector<1x16xf32>,
      %get3A_201 = arith.constant 3 : i32
      %get3A_202 = arith.index_cast %get3A_201 : i32 to index
      %get3A_203 = arith.index_cast %mul3A_151 : i32 to index
      %get3A_204 = tpu.vector_load %arg6[%get3A_202, %get3A_203] {strides = array<i32>} : memref<16x1024xf32, #tpu.memory_space<vmem>>, vector<1x16xf32>,
      %get3A_205 = vector.shape_cast %get3A_204 : vector<1x16xf32> to vector<16xf32>
      %get3A_206 = arith.constant 3 : i32
      %get3A_207 = arith.index_cast %get3A_206 : i32 to index
      %get3A_208 = arith.index_cast %mul3A_151 : i32 to index
      %get3A_209 = tpu.vector_load %arg8[%get3A_207, %get3A_208] {strides = array<i32>} : memref<16x1024xf32, #tpu.memory_space<vmem>>, vector<1x16xf32>,
      %get3A_210 = vector.shape_cast %get3A_209 : vector<1x16xf32> to vector<16xf32>
      %add3A_211 = arith.addf %get3A_205, %get3A_210 : vector<16xf32>
      %swap3A_212 = arith.constant 3 : i32
      %swap3A_213 = arith.index_cast %swap3A_212 : i32 to index
      %swap3A_214 = arith.index_cast %mul3A_151 : i32 to index
      %swap3A_215 = tpu.vector_load %arg6[%swap3A_213, %swap3A_214] {strides = array<i32>} : memref<16x1024xf32, #tpu.memory_space<vmem>>, vector<1x16xf32>,
      %swap3A_216 = vector.shape_cast %swap3A_215 : vector<1x16xf32> to vector<16xf32>
      %swap3A_217 = vector.shape_cast %add3A_211 : vector<16xf32> to vector<1x16xf32>
      tpu.vector_store %arg6[%swap3A_213, %swap3A_214], %swap3A_217 {strides = array<i32>} : memref<16x1024xf32, #tpu.memory_space<vmem>>, vector<1x16xf32>,
      %get3A_218 = arith.constant 4 : i32
      %get3A_219 = arith.index_cast %get3A_218 : i32 to index
      %get3A_220 = arith.index_cast %mul3A_151 : i32 to index
      %get3A_221 = tpu.vector_load %arg6[%get3A_219, %get3A_220] {strides = array<i32>} : memref<16x1024xf32, #tpu.memory_space<vmem>>, vector<1x16xf32>,
      %get3A_222 = vector.shape_cast %get3A_221 : vector<1x16xf32> to vector<16xf32>
      %get3A_223 = arith.constant 4 : i32
      %get3A_224 = arith.index_cast %get3A_223 : i32 to index
      %get3A_225 = arith.index_cast %mul3A_151 : i32 to index
      %get3A_226 = tpu.vector_load %arg8[%get3A_224, %get3A_225] {strides = array<i32>} : memref<16x1024xf32, #tpu.memory_space<vmem>>, vector<1x16xf32>,
      %get3A_227 = vector.shape_cast %get3A_226 : vector<1x16xf32> to vector<16xf32>
      %add3A_228 = arith.addf %get3A_222, %get3A_227 : vector<16xf32>
      %swap3A_229 = arith.constant 4 : i32
      %swap3A_230 = arith.index_cast %swap3A_229 : i32 to index
      %swap3A_231 = arith.index_cast %mul3A_151 : i32 to index
      %swap3A_232 = tpu.vector_load %arg6[%swap3A_230, %swap3A_231] {strides = array<i32>} : memref<16x1024xf32, #tpu.memory_space<vmem>>, vector<1x16xf32>,
      %swap3A_233 = vector.shape_cast %swap3A_232 : vector<1x16xf32> to vector<16xf32>
      %swap3A_234 = vector.shape_cast %add3A_228 : vector<16xf32> to vector<1x16xf32>
      tpu.vector_store %arg6[%swap3A_230, %swap3A_231], %swap3A_234 {strides = array<i32>} : memref<16x1024xf32, #tpu.memory_space<vmem>>, vector<1x16xf32>,
      %get3A_235 = arith.constant 5 : i32
      %get3A_236 = arith.index_cast %get3A_235 : i32 to index
      %get3A_237 = arith.index_cast %mul3A_151 : i32 to index
      %get3A_238 = tpu.vector_load %arg6[%get3A_236, %get3A_237] {strides = array<i32>} : memref<16x1024xf32, #tpu.memory_space<vmem>>, vector<1x16xf32>,
      %get3A_239 = vector.shape_cast %get3A_238 : vector<1x16xf32> to vector<16xf32>
      %get3A_240 = arith.constant 5 : i32
      %get3A_241 = arith.index_cast %get3A_240 : i32 to index
      %get3A_242 = arith.index_cast %mul3A_151 : i32 to index
      %get3A_243 = tpu.vector_load %arg8[%get3A_241, %get3A_242] {strides = array<i32>} : memref<16x1024xf32, #tpu.memory_space<vmem>>, vector<1x16xf32>,
      %get3A_244 = vector.shape_cast %get3A_243 : vector<1x16xf32> to vector<16xf32>
      %add3A_245 = arith.addf %get3A_239, %get3A_244 : vector<16xf32>
      %swap3A_246 = arith.constant 5 : i32
      %swap3A_247 = arith.index_cast %swap3A_246 : i32 to index
      %swap3A_248 = arith.index_cast %mul3A_151 : i32 to index
      %swap3A_249 = tpu.vector_load %arg6[%swap3A_247, %swap3A_248] {strides = array<i32>} : memref<16x1024xf32, #tpu.memory_space<vmem>>, vector<1x16xf32>,
      %swap3A_250 = vector.shape_cast %swap3A_249 : vector<1x16xf32> to vector<16xf32>
      %swap3A_251 = vector.shape_cast %add3A_245 : vector<16xf32> to vector<1x16xf32>
      tpu.vector_store %arg6[%swap3A_247, %swap3A_248], %swap3A_251 {strides = array<i32>} : memref<16x1024xf32, #tpu.memory_space<vmem>>, vector<1x16xf32>,
      %get3A_252 = arith.constant 6 : i32
      %get3A_253 = arith.index_cast %get3A_252 : i32 to index
      %get3A_254 = arith.index_cast %mul3A_151 : i32 to index
      %get3A_255 = tpu.vector_load %arg6[%get3A_253, %get3A_254] {strides = array<i32>} : memref<16x1024xf32, #tpu.memory_space<vmem>>, vector<1x16xf32>,
      %get3A_256 = vector.shape_cast %get3A_255 : vector<1x16xf32> to vector<16xf32>
      %get3A_257 = arith.constant 6 : i32
      %get3A_258 = arith.index_cast %get3A_257 : i32 to index
      %get3A_259 = arith.index_cast %mul3A_151 : i32 to index
      %get3A_260 = tpu.vector_load %arg8[%get3A_258, %get3A_259] {strides = array<i32>} : memref<16x1024xf32, #tpu.memory_space<vmem>>, vector<1x16xf32>,
      %get3A_261 = vector.shape_cast %get3A_260 : vector<1x16xf32> to vector<16xf32>
      %add3A_262 = arith.addf %get3A_256, %get3A_261 : vector<16xf32>
      %swap3A_263 = arith.constant 6 : i32
      %swap3A_264 = arith.index_cast %swap3A_263 : i32 to index
      %swap3A_265 = arith.index_cast %mul3A_151 : i32 to index
      %swap3A_266 = tpu.vector_load %arg6[%swap3A_264, %swap3A_265] {strides = array<i32>} : memref<16x1024xf32, #tpu.memory_space<vmem>>, vector<1x16xf32>,
      %swap3A_267 = vector.shape_cast %swap3A_266 : vector<1x16xf32> to vector<16xf32>
      %swap3A_268 = vector.shape_cast %add3A_262 : vector<16xf32> to vector<1x16xf32>
      tpu.vector_store %arg6[%swap3A_264, %swap3A_265], %swap3A_268 {strides = array<i32>} : memref<16x1024xf32, #tpu.memory_space<vmem>>, vector<1x16xf32>,
      %get3A_269 = arith.constant 7 : i32
      %get3A_270 = arith.index_cast %get3A_269 : i32 to index
      %get3A_271 = arith.index_cast %mul3A_151 : i32 to index
      %get3A_272 = tpu.vector_load %arg6[%get3A_270, %get3A_271] {strides = array<i32>} : memref<16x1024xf32, #tpu.memory_space<vmem>>, vector<1x16xf32>,
      %get3A_273 = vector.shape_cast %get3A_272 : vector<1x16xf32> to vector<16xf32>
      %get3A_274 = arith.constant 7 : i32
      %get3A_275 = arith.index_cast %get3A_274 : i32 to index
      %get3A_276 = arith.index_cast %mul3A_151 : i32 to index
      %get3A_277 = tpu.vector_load %arg8[%get3A_275, %get3A_276] {strides = array<i32>} : memref<16x1024xf32, #tpu.memory_space<vmem>>, vector<1x16xf32>,
      %get3A_278 = vector.shape_cast %get3A_277 : vector<1x16xf32> to vector<16xf32>
      %add3A_279 = arith.addf %get3A_273, %get3A_278 : vector<16xf32>
      %swap3A_280 = arith.constant 7 : i32
      %swap3A_281 = arith.index_cast %swap3A_280 : i32 to index
      %swap3A_282 = arith.index_cast %mul3A_151 : i32 to index
      %swap3A_283 = tpu.vector_load %arg6[%swap3A_281, %swap3A_282] {strides = array<i32>} : memref<16x1024xf32, #tpu.memory_space<vmem>>, vector<1x16xf32>,
      %swap3A_284 = vector.shape_cast %swap3A_283 : vector<1x16xf32> to vector<16xf32>
      %swap3A_285 = vector.shape_cast %add3A_279 : vector<16xf32> to vector<1x16xf32>
      tpu.vector_store %arg6[%swap3A_281, %swap3A_282], %swap3A_285 {strides = array<i32>} : memref<16x1024xf32, #tpu.memory_space<vmem>>, vector<1x16xf32>,
      %get3A_286 = arith.constant 8 : i32
      %get3A_287 = arith.index_cast %get3A_286 : i32 to index
      %get3A_288 = arith.index_cast %mul3A_151 : i32 to index
      %get3A_289 = tpu.vector_load %arg6[%get3A_287, %get3A_288] {strides = array<i32>} : memref<16x1024xf32, #tpu.memory_space<vmem>>, vector<1x16xf32>,
      %get3A_290 = vector.shape_cast %get3A_289 : vector<1x16xf32> to vector<16xf32>
      %get3A_291 = arith.constant 8 : i32
      %get3A_292 = arith.index_cast %get3A_291 : i32 to index
      %get3A_293 = arith.index_cast %mul3A_151 : i32 to index
      %get3A_294 = tpu.vector_load %arg8[%get3A_292, %get3A_293] {strides = array<i32>} : memref<16x1024xf32, #tpu.memory_space<vmem>>, vector<1x16xf32>,
      %get3A_295 = vector.shape_cast %get3A_294 : vector<1x16xf32> to vector<16xf32>
      %add3A_296 = arith.addf %get3A_290, %get3A_295 : vector<16xf32>
      %swap3A_297 = arith.constant 8 : i32
      %swap3A_298 = arith.index_cast %swap3A_297 : i32 to index
      %swap3A_299 = arith.index_cast %mul3A_151 : i32 to index
      %swap3A_300 = tpu.vector_load %arg6[%swap3A_298, %swap3A_299] {strides = array<i32>} : memref<16x1024xf32, #tpu.memory_space<vmem>>, vector<1x16xf32>,
      %swap3A_301 = vector.shape_cast %swap3A_300 : vector<1x16xf32> to vector<16xf32>
      %swap3A_302 = vector.shape_cast %add3A_296 : vector<16xf32> to vector<1x16xf32>
      tpu.vector_store %arg6[%swap3A_298, %swap3A_299], %swap3A_302 {strides = array<i32>} : memref<16x1024xf32, #tpu.memory_space<vmem>>, vector<1x16xf32>,
      %get3A_303 = arith.constant 9 : i32
      %get3A_304 = arith.index_cast %get3A_303 : i32 to index
      %get3A_305 = arith.index_cast %mul3A_151 : i32 to index
      %get3A_306 = tpu.vector_load %arg6[%get3A_304, %get3A_305] {strides = array<i32>} : memref<16x1024xf32, #tpu.memory_space<vmem>>, vector<1x16xf32>,
      %get3A_307 = vector.shape_cast %get3A_306 : vector<1x16xf32> to vector<16xf32>
      %get3A_308 = arith.constant 9 : i32
      %get3A_309 = arith.index_cast %get3A_308 : i32 to index
      %get3A_310 = arith.index_cast %mul3A_151 : i32 to index
      %get3A_311 = tpu.vector_load %arg8[%get3A_309, %get3A_310] {strides = array<i32>} : memref<16x1024xf32, #tpu.memory_space<vmem>>, vector<1x16xf32>,
      %get3A_312 = vector.shape_cast %get3A_311 : vector<1x16xf32> to vector<16xf32>
      %add3A_313 = arith.addf %get3A_307, %get3A_312 : vector<16xf32>
      %swap3A_314 = arith.constant 9 : i32
      %swap3A_315 = arith.index_cast %swap3A_314 : i32 to index
      %swap3A_316 = arith.index_cast %mul3A_151 : i32 to index
      %swap3A_317 = tpu.vector_load %arg6[%swap3A_315, %swap3A_316] {strides = array<i32>} : memref<16x1024xf32, #tpu.memory_space<vmem>>, vector<1x16xf32>,
      %swap3A_318 = vector.shape_cast %swap3A_317 : vector<1x16xf32> to vector<16xf32>
      %swap3A_319 = vector.shape_cast %add3A_313 : vector<16xf32> to vector<1x16xf32>
      tpu.vector_store %arg6[%swap3A_315, %swap3A_316], %swap3A_319 {strides = array<i32>} : memref<16x1024xf32, #tpu.memory_space<vmem>>, vector<1x16xf32>,
      %get3A_320 = arith.constant 10 : i32
      %get3A_321 = arith.index_cast %get3A_320 : i32 to index
      %get3A_322 = arith.index_cast %mul3A_151 : i32 to index
      %get3A_323 = tpu.vector_load %arg6[%get3A_321, %get3A_322] {strides = array<i32>} : memref<16x1024xf32, #tpu.memory_space<vmem>>, vector<1x16xf32>,
      %get3A_324 = vector.shape_cast %get3A_323 : vector<1x16xf32> to vector<16xf32>
      %get3A_325 = arith.constant 10 : i32
      %get3A_326 = arith.index_cast %get3A_325 : i32 to index
      %get3A_327 = arith.index_cast %mul3A_151 : i32 to index
      %get3A_328 = tpu.vector_load %arg8[%get3A_326, %get3A_327] {strides = array<i32>} : memref<16x1024xf32, #tpu.memory_space<vmem>>, vector<1x16xf32>,
      %get3A_329 = vector.shape_cast %get3A_328 : vector<1x16xf32> to vector<16xf32>
      %add3A_330 = arith.addf %get3A_324, %get3A_329 : vector<16xf32>
      %swap3A_331 = arith.constant 10 : i32
      %swap3A_332 = arith.index_cast %swap3A_331 : i32 to index
      %swap3A_333 = arith.index_cast %mul3A_151 : i32 to index
      %swap3A_334 = tpu.vector_load %arg6[%swap3A_332, %swap3A_333] {strides = array<i32>} : memref<16x1024xf32, #tpu.memory_space<vmem>>, vector<1x16xf32>,
      %swap3A_335 = vector.shape_cast %swap3A_334 : vector<1x16xf32> to vector<16xf32>
      %swap3A_336 = vector.shape_cast %add3A_330 : vector<16xf32> to vector<1x16xf32>
      tpu.vector_store %arg6[%swap3A_332, %swap3A_333], %swap3A_336 {strides = array<i32>} : memref<16x1024xf32, #tpu.memory_space<vmem>>, vector<1x16xf32>,
      %get3A_337 = arith.constant 11 : i32
      %get3A_338 = arith.index_cast %get3A_337 : i32 to index
      %get3A_339 = arith.index_cast %mul3A_151 : i32 to index
      %get3A_340 = tpu.vector_load %arg6[%get3A_338, %get3A_339] {strides = array<i32>} : memref<16x1024xf32, #tpu.memory_space<vmem>>, vector<1x16xf32>,
      %get3A_341 = vector.shape_cast %get3A_340 : vector<1x16xf32> to vector<16xf32>
      %get3A_342 = arith.constant 11 : i32
      %get3A_343 = arith.index_cast %get3A_342 : i32 to index
      %get3A_344 = arith.index_cast %mul3A_151 : i32 to index
      %get3A_345 = tpu.vector_load %arg8[%get3A_343, %get3A_344] {strides = array<i32>} : memref<16x1024xf32, #tpu.memory_space<vmem>>, vector<1x16xf32>,
      %get3A_346 = vector.shape_cast %get3A_345 : vector<1x16xf32> to vector<16xf32>
      %add3A_347 = arith.addf %get3A_341, %get3A_346 : vector<16xf32>
      %swap3A_348 = arith.constant 11 : i32
      %swap3A_349 = arith.index_cast %swap3A_348 : i32 to index
      %swap3A_350 = arith.index_cast %mul3A_151 : i32 to index
      %swap3A_351 = tpu.vector_load %arg6[%swap3A_349, %swap3A_350] {strides = array<i32>} : memref<16x1024xf32, #tpu.memory_space<vmem>>, vector<1x16xf32>,
      %swap3A_352 = vector.shape_cast %swap3A_351 : vector<1x16xf32> to vector<16xf32>
      %swap3A_353 = vector.shape_cast %add3A_347 : vector<16xf32> to vector<1x16xf32>
      tpu.vector_store %arg6[%swap3A_349, %swap3A_350], %swap3A_353 {strides = array<i32>} : memref<16x1024xf32, #tpu.memory_space<vmem>>, vector<1x16xf32>,
      %get3A_354 = arith.constant 12 : i32
      %get3A_355 = arith.index_cast %get3A_354 : i32 to index
      %get3A_356 = arith.index_cast %mul3A_151 : i32 to index
      %get3A_357 = tpu.vector_load %arg6[%get3A_355, %get3A_356] {strides = array<i32>} : memref<16x1024xf32, #tpu.memory_space<vmem>>, vector<1x16xf32>,
      %get3A_358 = vector.shape_cast %get3A_357 : vector<1x16xf32> to vector<16xf32>
      %get3A_359 = arith.constant 12 : i32
      %get3A_360 = arith.index_cast %get3A_359 : i32 to index
      %get3A_361 = arith.index_cast %mul3A_151 : i32 to index
      %get3A_362 = tpu.vector_load %arg8[%get3A_360, %get3A_361] {strides = array<i32>} : memref<16x1024xf32, #tpu.memory_space<vmem>>, vector<1x16xf32>,
      %get3A_363 = vector.shape_cast %get3A_362 : vector<1x16xf32> to vector<16xf32>
      %add3A_364 = arith.addf %get3A_358, %get3A_363 : vector<16xf32>
      %swap3A_365 = arith.constant 12 : i32
      %swap3A_366 = arith.index_cast %swap3A_365 : i32 to index
      %swap3A_367 = arith.index_cast %mul3A_151 : i32 to index
      %swap3A_368 = tpu.vector_load %arg6[%swap3A_366, %swap3A_367] {strides = array<i32>} : memref<16x1024xf32, #tpu.memory_space<vmem>>, vector<1x16xf32>,
      %swap3A_369 = vector.shape_cast %swap3A_368 : vector<1x16xf32> to vector<16xf32>
      %swap3A_370 = vector.shape_cast %add3A_364 : vector<16xf32> to vector<1x16xf32>
      tpu.vector_store %arg6[%swap3A_366, %swap3A_367], %swap3A_370 {strides = array<i32>} : memref<16x1024xf32, #tpu.memory_space<vmem>>, vector<1x16xf32>,
      %get3A_371 = arith.constant 13 : i32
      %get3A_372 = arith.index_cast %get3A_371 : i32 to index
      %get3A_373 = arith.index_cast %mul3A_151 : i32 to index
      %get3A_374 = tpu.vector_load %arg6[%get3A_372, %get3A_373] {strides = array<i32>} : memref<16x1024xf32, #tpu.memory_space<vmem>>, vector<1x16xf32>,
      %get3A_375 = vector.shape_cast %get3A_374 : vector<1x16xf32> to vector<16xf32>
      %get3A_376 = arith.constant 13 : i32
      %get3A_377 = arith.index_cast %get3A_376 : i32 to index
      %get3A_378 = arith.index_cast %mul3A_151 : i32 to index
      %get3A_379 = tpu.vector_load %arg8[%get3A_377, %get3A_378] {strides = array<i32>} : memref<16x1024xf32, #tpu.memory_space<vmem>>, vector<1x16xf32>,
      %get3A_380 = vector.shape_cast %get3A_379 : vector<1x16xf32> to vector<16xf32>
      %add3A_381 = arith.addf %get3A_375, %get3A_380 : vector<16xf32>
      %swap3A_382 = arith.constant 13 : i32
      %swap3A_383 = arith.index_cast %swap3A_382 : i32 to index
      %swap3A_384 = arith.index_cast %mul3A_151 : i32 to index
      %swap3A_385 = tpu.vector_load %arg6[%swap3A_383, %swap3A_384] {strides = array<i32>} : memref<16x1024xf32, #tpu.memory_space<vmem>>, vector<1x16xf32>,
      %swap3A_386 = vector.shape_cast %swap3A_385 : vector<1x16xf32> to vector<16xf32>
      %swap3A_387 = vector.shape_cast %add3A_381 : vector<16xf32> to vector<1x16xf32>
      tpu.vector_store %arg6[%swap3A_383, %swap3A_384], %swap3A_387 {strides = array<i32>} : memref<16x1024xf32, #tpu.memory_space<vmem>>, vector<1x16xf32>,
      %get3A_388 = arith.constant 14 : i32
      %get3A_389 = arith.index_cast %get3A_388 : i32 to index
      %get3A_390 = arith.index_cast %mul3A_151 : i32 to index
      %get3A_391 = tpu.vector_load %arg6[%get3A_389, %get3A_390] {strides = array<i32>} : memref<16x1024xf32, #tpu.memory_space<vmem>>, vector<1x16xf32>,
      %get3A_392 = vector.shape_cast %get3A_391 : vector<1x16xf32> to vector<16xf32>
      %get3A_393 = arith.constant 14 : i32
      %get3A_394 = arith.index_cast %get3A_393 : i32 to index
      %get3A_395 = arith.index_cast %mul3A_151 : i32 to index
      %get3A_396 = tpu.vector_load %arg8[%get3A_394, %get3A_395] {strides = array<i32>} : memref<16x1024xf32, #tpu.memory_space<vmem>>, vector<1x16xf32>,
      %get3A_397 = vector.shape_cast %get3A_396 : vector<1x16xf32> to vector<16xf32>
      %add3A_398 = arith.addf %get3A_392, %get3A_397 : vector<16xf32>
      %swap3A_399 = arith.constant 14 : i32
      %swap3A_400 = arith.index_cast %swap3A_399 : i32 to index
      %swap3A_401 = arith.index_cast %mul3A_151 : i32 to index
      %swap3A_402 = tpu.vector_load %arg6[%swap3A_400, %swap3A_401] {strides = array<i32>} : memref<16x1024xf32, #tpu.memory_space<vmem>>, vector<1x16xf32>,
      %swap3A_403 = vector.shape_cast %swap3A_402 : vector<1x16xf32> to vector<16xf32>
      %swap3A_404 = vector.shape_cast %add3A_398 : vector<16xf32> to vector<1x16xf32>
      tpu.vector_store %arg6[%swap3A_400, %swap3A_401], %swap3A_404 {strides = array<i32>} : memref<16x1024xf32, #tpu.memory_space<vmem>>, vector<1x16xf32>,
      %get3A_405 = arith.constant 15 : i32
      %get3A_406 = arith.index_cast %get3A_405 : i32 to index
      %get3A_407 = arith.index_cast %mul3A_151 : i32 to index
      %get3A_408 = tpu.vector_load %arg6[%get3A_406, %get3A_407] {strides = array<i32>} : memref<16x1024xf32, #tpu.memory_space<vmem>>, vector<1x16xf32>,
      %get3A_409 = vector.shape_cast %get3A_408 : vector<1x16xf32> to vector<16xf32>
      %get3A_410 = arith.constant 15 : i32
      %get3A_411 = arith.index_cast %get3A_410 : i32 to index
      %get3A_412 = arith.index_cast %mul3A_151 : i32 to index
      %get3A_413 = tpu.vector_load %arg8[%get3A_411, %get3A_412] {strides = array<i32>} : memref<16x1024xf32, #tpu.memory_space<vmem>>, vector<1x16xf32>,
      %get3A_414 = vector.shape_cast %get3A_413 : vector<1x16xf32> to vector<16xf32>
      %add3A_415 = arith.addf %get3A_409, %get3A_414 : vector<16xf32>
      %swap3A_416 = arith.constant 15 : i32
      %swap3A_417 = arith.index_cast %swap3A_416 : i32 to index
      %swap3A_418 = arith.index_cast %mul3A_151 : i32 to index
      %swap3A_419 = tpu.vector_load %arg6[%swap3A_417, %swap3A_418] {strides = array<i32>} : memref<16x1024xf32, #tpu.memory_space<vmem>>, vector<1x16xf32>,
      %swap3A_420 = vector.shape_cast %swap3A_419 : vector<1x16xf32> to vector<16xf32>
      %swap3A_421 = vector.shape_cast %add3A_415 : vector<16xf32> to vector<1x16xf32>
      tpu.vector_store %arg6[%swap3A_417, %swap3A_418], %swap3A_421 {strides = array<i32>} : memref<16x1024xf32, #tpu.memory_space<vmem>>, vector<1x16xf32>,
      %scan3A_422 = arith.constant 0 : i32
      scf.yield %scan3A_422 : i32
    }
    %scan3A_36 = arith.constant 64 : i32
    %add3A_37 = arith.constant 0 : i32
    %add3A_38 = arith.addi %mul3A_2, %add3A_37 : i32
    %dma_start3A_39 = arith.constant 0 : i32
    %dma_start3A_40 = tpu.memref_slice %arg5[%add3A_38, %dma_start3A_39] : memref<2048x1024xf32, #tpu.memory_space<hbm>> -> memref<16x1024xf32, #tpu.memory_space<hbm>>
    %dma_start3A_41 = arith.constant 0 : i32
    %dma_start3A_42 = tpu.memref_slice %arg5[%add3A_38, %dma_start3A_41] : memref<2048x1024xf32, #tpu.memory_space<hbm>> -> memref<16x1024xf32, #tpu.memory_space<hbm>>
    tpu.enqueue_dma source(%arg6 : memref<16x1024xf32, #tpu.memory_space<vmem>>) target(%dma_start3A_42 : memref<16x1024xf32, #tpu.memory_space<hbm>>) target_semaphore(%arg16 : memref<!tpu.dma_semaphore, #tpu.memory_space<semaphore_mem>>)
    %dma_wait3A_43 = arith.constant 0 : i32
    %dma_wait3A_44 = tpu.memref_slice %arg5[%add3A_38, %dma_wait3A_43] : memref<2048x1024xf32, #tpu.memory_space<hbm>> -> memref<16x1024xf32, #tpu.memory_space<hbm>>
    %dma_wait3A_45 = arith.constant 0 : i32
    %dma_wait3A_46 = tpu.memref_slice %arg5[%add3A_38, %dma_wait3A_45] : memref<2048x1024xf32, #tpu.memory_space<hbm>> -> memref<16x1024xf32, #tpu.memory_space<hbm>>
    tpu.wait_dma2 semaphore(%arg16 : memref<!tpu.dma_semaphore, #tpu.memory_space<semaphore_mem>>) src(%arg6 : memref<16x1024xf32, #tpu.memory_space<vmem>>) dst(%dma_wait3A_46 : memref<16x1024xf32, #tpu.memory_space<hbm>>)
    %dma_start3A_47 = arith.constant 32 : i32
    %dma_start3A_48 = tpu.memref_slice %arg10[%dma_start3A_47] : memref<64xi32, #tpu.memory_space<vmem>> -> memref<16xi32, #tpu.memory_space<vmem>>
    %dma_start3A_49 = arith.constant 0 : i32
    %dma_start3A_50 = arith.constant 0 : i32
    %dma_start3A_51 = tpu.memref_slice %arg2[%dma_start3A_49, %dma_start3A_50] : memref<4096x1024xf32, #tpu.memory_space<hbm>> -> memref<4096x1024xf32, #tpu.memory_space<hbm>>
    tpu.enqueue_indirect_dma source(%dma_start3A_51 : memref<4096x1024xf32, #tpu.memory_space<hbm>>) target(%arg6 : memref<16x1024xf32, #tpu.memory_space<vmem>>) offsets(%dma_start3A_48 : memref<16xi32, #tpu.memory_space<vmem>>) semaphore(%arg12 : memref<!tpu.dma_semaphore, #tpu.memory_space<semaphore_mem>>)
    %dma_start3A_52 = arith.constant 32 : i32
    %dma_start3A_53 = tpu.memref_slice %arg11[%dma_start3A_52] : memref<64xi32, #tpu.memory_space<vmem>> -> memref<16xi32, #tpu.memory_space<vmem>>
    %dma_start3A_54 = arith.constant 0 : i32
    %dma_start3A_55 = arith.constant 0 : i32
    %dma_start3A_56 = tpu.memref_slice %arg2[%dma_start3A_54, %dma_start3A_55] : memref<4096x1024xf32, #tpu.memory_space<hbm>> -> memref<4096x1024xf32, #tpu.memory_space<hbm>>
    tpu.enqueue_indirect_dma source(%dma_start3A_56 : memref<4096x1024xf32, #tpu.memory_space<hbm>>) target(%arg8 : memref<16x1024xf32, #tpu.memory_space<vmem>>) offsets(%dma_start3A_53 : memref<16xi32, #tpu.memory_space<vmem>>) semaphore(%arg14 : memref<!tpu.dma_semaphore, #tpu.memory_space<semaphore_mem>>)
    %dma_wait3A_57 = arith.constant 16 : i32
    %dma_wait3A_58 = tpu.memref_slice %arg10[%dma_wait3A_57] : memref<64xi32, #tpu.memory_space<vmem>> -> memref<16xi32, #tpu.memory_space<vmem>>
    %dma_wait3A_59 = arith.constant 0 : i32
    %dma_wait3A_60 = arith.constant 0 : i32
    %dma_wait3A_61 = tpu.memref_slice %arg2[%dma_wait3A_59, %dma_wait3A_60] : memref<4096x1024xf32, #tpu.memory_space<hbm>> -> memref<4096x1024xf32, #tpu.memory_space<hbm>>
    tpu.wait_indirect_dma semaphore(%arg13 : memref<!tpu.dma_semaphore, #tpu.memory_space<semaphore_mem>>) src(%dma_wait3A_61 : memref<4096x1024xf32, #tpu.memory_space<hbm>>) dst(%arg7 : memref<16x1024xf32, #tpu.memory_space<vmem>>)
    %dma_wait3A_62 = arith.constant 16 : i32
    %dma_wait3A_63 = tpu.memref_slice %arg11[%dma_wait3A_62] : memref<64xi32, #tpu.memory_space<vmem>> -> memref<16xi32, #tpu.memory_space<vmem>>
    %dma_wait3A_64 = arith.constant 0 : i32
    %dma_wait3A_65 = arith.constant 0 : i32
    %dma_wait3A_66 = tpu.memref_slice %arg2[%dma_wait3A_64, %dma_wait3A_65] : memref<4096x1024xf32, #tpu.memory_space<hbm>> -> memref<4096x1024xf32, #tpu.memory_space<hbm>>
    tpu.wait_indirect_dma semaphore(%arg15 : memref<!tpu.dma_semaphore, #tpu.memory_space<semaphore_mem>>) src(%dma_wait3A_66 : memref<4096x1024xf32, #tpu.memory_space<hbm>>) dst(%arg9 : memref<16x1024xf32, #tpu.memory_space<vmem>>)
    %scan3A_67 = arith.constant 0 : i32
    %scan3A_68 = arith.constant 0 : i32
    %scan3A_69 = arith.constant 64 : i32
    %scan3A_70 = arith.addi %scan3A_68, %scan3A_69 : i32
    %scan3A_71 = arith.constant 1 : i32
    %scan3A_72 = scf.for %scan3A_148 = %scan3A_68 to %scan3A_70 step %scan3A_71 iter_args(%scan3A_149 = %scan3A_67) -> (i32)  : i32 {
      %mul3A_150 = arith.constant 16 : i32
      %mul3A_151 = arith.muli %scan3A_148, %mul3A_150 : i32
      %get3A = arith.constant 0 : i32
      %get3A_152 = arith.index_cast %get3A : i32 to index
      %get3A_153 = arith.index_cast %mul3A_151 : i32 to index
      %get3A_154 = tpu.vector_load %arg7[%get3A_152, %get3A_153] {strides = array<i32>} : memref<16x1024xf32, #tpu.memory_space<vmem>>, vector<1x16xf32>,
      %get3A_155 = vector.shape_cast %get3A_154 : vector<1x16xf32> to vector<16xf32>
      %get3A_156 = arith.constant 0 : i32
      %get3A_157 = arith.index_cast %get3A_156 : i32 to index
      %get3A_158 = arith.index_cast %mul3A_151 : i32 to index
      %get3A_159 = tpu.vector_load %arg9[%get3A_157, %get3A_158] {strides = array<i32>} : memref<16x1024xf32, #tpu.memory_space<vmem>>, vector<1x16xf32>,
      %get3A_160 = vector.shape_cast %get3A_159 : vector<1x16xf32> to vector<16xf32>
      %add3A_161 = arith.addf %get3A_155, %get3A_160 : vector<16xf32>
      %swap3A = arith.constant 0 : i32
      %swap3A_162 = arith.index_cast %swap3A : i32 to index
      %swap3A_163 = arith.index_cast %mul3A_151 : i32 to index
      %swap3A_164 = tpu.vector_load %arg7[%swap3A_162, %swap3A_163] {strides = array<i32>} : memref<16x1024xf32, #tpu.memory_space<vmem>>, vector<1x16xf32>,
      %swap3A_165 = vector.shape_cast %swap3A_164 : vector<1x16xf32> to vector<16xf32>
      %swap3A_166 = vector.shape_cast %add3A_161 : vector<16xf32> to vector<1x16xf32>
      tpu.vector_store %arg7[%swap3A_162, %swap3A_163], %swap3A_166 {strides = array<i32>} : memref<16x1024xf32, #tpu.memory_space<vmem>>, vector<1x16xf32>,
      %get3A_167 = arith.constant 1 : i32
      %get3A_168 = arith.index_cast %get3A_167 : i32 to index
      %get3A_169 = arith.index_cast %mul3A_151 : i32 to index
      %get3A_170 = tpu.vector_load %arg7[%get3A_168, %get3A_169] {strides = array<i32>} : memref<16x1024xf32, #tpu.memory_space<vmem>>, vector<1x16xf32>,
      %get3A_171 = vector.shape_cast %get3A_170 : vector<1x16xf32> to vector<16xf32>
      %get3A_172 = arith.constant 1 : i32
      %get3A_173 = arith.index_cast %get3A_172 : i32 to index
      %get3A_174 = arith.index_cast %mul3A_151 : i32 to index
      %get3A_175 = tpu.vector_load %arg9[%get3A_173, %get3A_174] {strides = array<i32>} : memref<16x1024xf32, #tpu.memory_space<vmem>>, vector<1x16xf32>,
      %get3A_176 = vector.shape_cast %get3A_175 : vector<1x16xf32> to vector<16xf32>
      %add3A_177 = arith.addf %get3A_171, %get3A_176 : vector<16xf32>
      %swap3A_178 = arith.constant 1 : i32
      %swap3A_179 = arith.index_cast %swap3A_178 : i32 to index
      %swap3A_180 = arith.index_cast %mul3A_151 : i32 to index
      %swap3A_181 = tpu.vector_load %arg7[%swap3A_179, %swap3A_180] {strides = array<i32>} : memref<16x1024xf32, #tpu.memory_space<vmem>>, vector<1x16xf32>,
      %swap3A_182 = vector.shape_cast %swap3A_181 : vector<1x16xf32> to vector<16xf32>
      %swap3A_183 = vector.shape_cast %add3A_177 : vector<16xf32> to vector<1x16xf32>
      tpu.vector_store %arg7[%swap3A_179, %swap3A_180], %swap3A_183 {strides = array<i32>} : memref<16x1024xf32, #tpu.memory_space<vmem>>, vector<1x16xf32>,
      %get3A_184 = arith.constant 2 : i32
      %get3A_185 = arith.index_cast %get3A_184 : i32 to index
      %get3A_186 = arith.index_cast %mul3A_151 : i32 to index
      %get3A_187 = tpu.vector_load %arg7[%get3A_185, %get3A_186] {strides = array<i32>} : memref<16x1024xf32, #tpu.memory_space<vmem>>, vector<1x16xf32>,
      %get3A_188 = vector.shape_cast %get3A_187 : vector<1x16xf32> to vector<16xf32>
      %get3A_189 = arith.constant 2 : i32
      %get3A_190 = arith.index_cast %get3A_189 : i32 to index
      %get3A_191 = arith.index_cast %mul3A_151 : i32 to index
      %get3A_192 = tpu.vector_load %arg9[%get3A_190, %get3A_191] {strides = array<i32>} : memref<16x1024xf32, #tpu.memory_space<vmem>>, vector<1x16xf32>,
      %get3A_193 = vector.shape_cast %get3A_192 : vector<1x16xf32> to vector<16xf32>
      %add3A_194 = arith.addf %get3A_188, %get3A_193 : vector<16xf32>
      %swap3A_195 = arith.constant 2 : i32
      %swap3A_196 = arith.index_cast %swap3A_195 : i32 to index
      %swap3A_197 = arith.index_cast %mul3A_151 : i32 to index
      %swap3A_198 = tpu.vector_load %arg7[%swap3A_196, %swap3A_197] {strides = array<i32>} : memref<16x1024xf32, #tpu.memory_space<vmem>>, vector<1x16xf32>,
      %swap3A_199 = vector.shape_cast %swap3A_198 : vector<1x16xf32> to vector<16xf32>
      %swap3A_200 = vector.shape_cast %add3A_194 : vector<16xf32> to vector<1x16xf32>
      tpu.vector_store %arg7[%swap3A_196, %swap3A_197], %swap3A_200 {strides = array<i32>} : memref<16x1024xf32, #tpu.memory_space<vmem>>, vector<1x16xf32>,
      %get3A_201 = arith.constant 3 : i32
      %get3A_202 = arith.index_cast %get3A_201 : i32 to index
      %get3A_203 = arith.index_cast %mul3A_151 : i32 to index
      %get3A_204 = tpu.vector_load %arg7[%get3A_202, %get3A_203] {strides = array<i32>} : memref<16x1024xf32, #tpu.memory_space<vmem>>, vector<1x16xf32>,
      %get3A_205 = vector.shape_cast %get3A_204 : vector<1x16xf32> to vector<16xf32>
      %get3A_206 = arith.constant 3 : i32
      %get3A_207 = arith.index_cast %get3A_206 : i32 to index
      %get3A_208 = arith.index_cast %mul3A_151 : i32 to index
      %get3A_209 = tpu.vector_load %arg9[%get3A_207, %get3A_208] {strides = array<i32>} : memref<16x1024xf32, #tpu.memory_space<vmem>>, vector<1x16xf32>,
      %get3A_210 = vector.shape_cast %get3A_209 : vector<1x16xf32> to vector<16xf32>
      %add3A_211 = arith.addf %get3A_205, %get3A_210 : vector<16xf32>
      %swap3A_212 = arith.constant 3 : i32
      %swap3A_213 = arith.index_cast %swap3A_212 : i32 to index
      %swap3A_214 = arith.index_cast %mul3A_151 : i32 to index
      %swap3A_215 = tpu.vector_load %arg7[%swap3A_213, %swap3A_214] {strides = array<i32>} : memref<16x1024xf32, #tpu.memory_space<vmem>>, vector<1x16xf32>,
      %swap3A_216 = vector.shape_cast %swap3A_215 : vector<1x16xf32> to vector<16xf32>
      %swap3A_217 = vector.shape_cast %add3A_211 : vector<16xf32> to vector<1x16xf32>
      tpu.vector_store %arg7[%swap3A_213, %swap3A_214], %swap3A_217 {strides = array<i32>} : memref<16x1024xf32, #tpu.memory_space<vmem>>, vector<1x16xf32>,
      %get3A_218 = arith.constant 4 : i32
      %get3A_219 = arith.index_cast %get3A_218 : i32 to index
      %get3A_220 = arith.index_cast %mul3A_151 : i32 to index
      %get3A_221 = tpu.vector_load %arg7[%get3A_219, %get3A_220] {strides = array<i32>} : memref<16x1024xf32, #tpu.memory_space<vmem>>, vector<1x16xf32>,
      %get3A_222 = vector.shape_cast %get3A_221 : vector<1x16xf32> to vector<16xf32>
      %get3A_223 = arith.constant 4 : i32
      %get3A_224 = arith.index_cast %get3A_223 : i32 to index
      %get3A_225 = arith.index_cast %mul3A_151 : i32 to index
      %get3A_226 = tpu.vector_load %arg9[%get3A_224, %get3A_225] {strides = array<i32>} : memref<16x1024xf32, #tpu.memory_space<vmem>>, vector<1x16xf32>,
      %get3A_227 = vector.shape_cast %get3A_226 : vector<1x16xf32> to vector<16xf32>
      %add3A_228 = arith.addf %get3A_222, %get3A_227 : vector<16xf32>
      %swap3A_229 = arith.constant 4 : i32
      %swap3A_230 = arith.index_cast %swap3A_229 : i32 to index
      %swap3A_231 = arith.index_cast %mul3A_151 : i32 to index
      %swap3A_232 = tpu.vector_load %arg7[%swap3A_230, %swap3A_231] {strides = array<i32>} : memref<16x1024xf32, #tpu.memory_space<vmem>>, vector<1x16xf32>,
      %swap3A_233 = vector.shape_cast %swap3A_232 : vector<1x16xf32> to vector<16xf32>
      %swap3A_234 = vector.shape_cast %add3A_228 : vector<16xf32> to vector<1x16xf32>
      tpu.vector_store %arg7[%swap3A_230, %swap3A_231], %swap3A_234 {strides = array<i32>} : memref<16x1024xf32, #tpu.memory_space<vmem>>, vector<1x16xf32>,
      %get3A_235 = arith.constant 5 : i32
      %get3A_236 = arith.index_cast %get3A_235 : i32 to index
      %get3A_237 = arith.index_cast %mul3A_151 : i32 to index
      %get3A_238 = tpu.vector_load %arg7[%get3A_236, %get3A_237] {strides = array<i32>} : memref<16x1024xf32, #tpu.memory_space<vmem>>, vector<1x16xf32>,
      %get3A_239 = vector.shape_cast %get3A_238 : vector<1x16xf32> to vector<16xf32>
      %get3A_240 = arith.constant 5 : i32
      %get3A_241 = arith.index_cast %get3A_240 : i32 to index
      %get3A_242 = arith.index_cast %mul3A_151 : i32 to index
      %get3A_243 = tpu.vector_load %arg9[%get3A_241, %get3A_242] {strides = array<i32>} : memref<16x1024xf32, #tpu.memory_space<vmem>>, vector<1x16xf32>,
      %get3A_244 = vector.shape_cast %get3A_243 : vector<1x16xf32> to vector<16xf32>
      %add3A_245 = arith.addf %get3A_239, %get3A_244 : vector<16xf32>
      %swap3A_246 = arith.constant 5 : i32
      %swap3A_247 = arith.index_cast %swap3A_246 : i32 to index
      %swap3A_248 = arith.index_cast %mul3A_151 : i32 to index
      %swap3A_249 = tpu.vector_load %arg7[%swap3A_247, %swap3A_248] {strides = array<i32>} : memref<16x1024xf32, #tpu.memory_space<vmem>>, vector<1x16xf32>,
      %swap3A_250 = vector.shape_cast %swap3A_249 : vector<1x16xf32> to vector<16xf32>
      %swap3A_251 = vector.shape_cast %add3A_245 : vector<16xf32> to vector<1x16xf32>
      tpu.vector_store %arg7[%swap3A_247, %swap3A_248], %swap3A_251 {strides = array<i32>} : memref<16x1024xf32, #tpu.memory_space<vmem>>, vector<1x16xf32>,
      %get3A_252 = arith.constant 6 : i32
      %get3A_253 = arith.index_cast %get3A_252 : i32 to index
      %get3A_254 = arith.index_cast %mul3A_151 : i32 to index
      %get3A_255 = tpu.vector_load %arg7[%get3A_253, %get3A_254] {strides = array<i32>} : memref<16x1024xf32, #tpu.memory_space<vmem>>, vector<1x16xf32>,
      %get3A_256 = vector.shape_cast %get3A_255 : vector<1x16xf32> to vector<16xf32>
      %get3A_257 = arith.constant 6 : i32
      %get3A_258 = arith.index_cast %get3A_257 : i32 to index
      %get3A_259 = arith.index_cast %mul3A_151 : i32 to index
      %get3A_260 = tpu.vector_load %arg9[%get3A_258, %get3A_259] {strides = array<i32>} : memref<16x1024xf32, #tpu.memory_space<vmem>>, vector<1x16xf32>,
      %get3A_261 = vector.shape_cast %get3A_260 : vector<1x16xf32> to vector<16xf32>
      %add3A_262 = arith.addf %get3A_256, %get3A_261 : vector<16xf32>
      %swap3A_263 = arith.constant 6 : i32
      %swap3A_264 = arith.index_cast %swap3A_263 : i32 to index
      %swap3A_265 = arith.index_cast %mul3A_151 : i32 to index
      %swap3A_266 = tpu.vector_load %arg7[%swap3A_264, %swap3A_265] {strides = array<i32>} : memref<16x1024xf32, #tpu.memory_space<vmem>>, vector<1x16xf32>,
      %swap3A_267 = vector.shape_cast %swap3A_266 : vector<1x16xf32> to vector<16xf32>
      %swap3A_268 = vector.shape_cast %add3A_262 : vector<16xf32> to vector<1x16xf32>
      tpu.vector_store %arg7[%swap3A_264, %swap3A_265], %swap3A_268 {strides = array<i32>} : memref<16x1024xf32, #tpu.memory_space<vmem>>, vector<1x16xf32>,
      %get3A_269 = arith.constant 7 : i32
      %get3A_270 = arith.index_cast %get3A_269 : i32 to index
      %get3A_271 = arith.index_cast %mul3A_151 : i32 to index
      %get3A_272 = tpu.vector_load %arg7[%get3A_270, %get3A_271] {strides = array<i32>} : memref<16x1024xf32, #tpu.memory_space<vmem>>, vector<1x16xf32>,
      %get3A_273 = vector.shape_cast %get3A_272 : vector<1x16xf32> to vector<16xf32>
      %get3A_274 = arith.constant 7 : i32
      %get3A_275 = arith.index_cast %get3A_274 : i32 to index
      %get3A_276 = arith.index_cast %mul3A_151 : i32 to index
      %get3A_277 = tpu.vector_load %arg9[%get3A_275, %get3A_276] {strides = array<i32>} : memref<16x1024xf32, #tpu.memory_space<vmem>>, vector<1x16xf32>,
      %get3A_278 = vector.shape_cast %get3A_277 : vector<1x16xf32> to vector<16xf32>
      %add3A_279 = arith.addf %get3A_273, %get3A_278 : vector<16xf32>
      %swap3A_280 = arith.constant 7 : i32
      %swap3A_281 = arith.index_cast %swap3A_280 : i32 to index
      %swap3A_282 = arith.index_cast %mul3A_151 : i32 to index
      %swap3A_283 = tpu.vector_load %arg7[%swap3A_281, %swap3A_282] {strides = array<i32>} : memref<16x1024xf32, #tpu.memory_space<vmem>>, vector<1x16xf32>,
      %swap3A_284 = vector.shape_cast %swap3A_283 : vector<1x16xf32> to vector<16xf32>
      %swap3A_285 = vector.shape_cast %add3A_279 : vector<16xf32> to vector<1x16xf32>
      tpu.vector_store %arg7[%swap3A_281, %swap3A_282], %swap3A_285 {strides = array<i32>} : memref<16x1024xf32, #tpu.memory_space<vmem>>, vector<1x16xf32>,
      %get3A_286 = arith.constant 8 : i32
      %get3A_287 = arith.index_cast %get3A_286 : i32 to index
      %get3A_288 = arith.index_cast %mul3A_151 : i32 to index
      %get3A_289 = tpu.vector_load %arg7[%get3A_287, %get3A_288] {strides = array<i32>} : memref<16x1024xf32, #tpu.memory_space<vmem>>, vector<1x16xf32>,
      %get3A_290 = vector.shape_cast %get3A_289 : vector<1x16xf32> to vector<16xf32>
      %get3A_291 = arith.constant 8 : i32
      %get3A_292 = arith.index_cast %get3A_291 : i32 to index
      %get3A_293 = arith.index_cast %mul3A_151 : i32 to index
      %get3A_294 = tpu.vector_load %arg9[%get3A_292, %get3A_293] {strides = array<i32>} : memref<16x1024xf32, #tpu.memory_space<vmem>>, vector<1x16xf32>,
      %get3A_295 = vector.shape_cast %get3A_294 : vector<1x16xf32> to vector<16xf32>
      %add3A_296 = arith.addf %get3A_290, %get3A_295 : vector<16xf32>
      %swap3A_297 = arith.constant 8 : i32
      %swap3A_298 = arith.index_cast %swap3A_297 : i32 to index
      %swap3A_299 = arith.index_cast %mul3A_151 : i32 to index
      %swap3A_300 = tpu.vector_load %arg7[%swap3A_298, %swap3A_299] {strides = array<i32>} : memref<16x1024xf32, #tpu.memory_space<vmem>>, vector<1x16xf32>,
      %swap3A_301 = vector.shape_cast %swap3A_300 : vector<1x16xf32> to vector<16xf32>
      %swap3A_302 = vector.shape_cast %add3A_296 : vector<16xf32> to vector<1x16xf32>
      tpu.vector_store %arg7[%swap3A_298, %swap3A_299], %swap3A_302 {strides = array<i32>} : memref<16x1024xf32, #tpu.memory_space<vmem>>, vector<1x16xf32>,
      %get3A_303 = arith.constant 9 : i32
      %get3A_304 = arith.index_cast %get3A_303 : i32 to index
      %get3A_305 = arith.index_cast %mul3A_151 : i32 to index
      %get3A_306 = tpu.vector_load %arg7[%get3A_304, %get3A_305] {strides = array<i32>} : memref<16x1024xf32, #tpu.memory_space<vmem>>, vector<1x16xf32>,
      %get3A_307 = vector.shape_cast %get3A_306 : vector<1x16xf32> to vector<16xf32>
      %get3A_308 = arith.constant 9 : i32
      %get3A_309 = arith.index_cast %get3A_308 : i32 to index
      %get3A_310 = arith.index_cast %mul3A_151 : i32 to index
      %get3A_311 = tpu.vector_load %arg9[%get3A_309, %get3A_310] {strides = array<i32>} : memref<16x1024xf32, #tpu.memory_space<vmem>>, vector<1x16xf32>,
      %get3A_312 = vector.shape_cast %get3A_311 : vector<1x16xf32> to vector<16xf32>
      %add3A_313 = arith.addf %get3A_307, %get3A_312 : vector<16xf32>
      %swap3A_314 = arith.constant 9 : i32
      %swap3A_315 = arith.index_cast %swap3A_314 : i32 to index
      %swap3A_316 = arith.index_cast %mul3A_151 : i32 to index
      %swap3A_317 = tpu.vector_load %arg7[%swap3A_315, %swap3A_316] {strides = array<i32>} : memref<16x1024xf32, #tpu.memory_space<vmem>>, vector<1x16xf32>,
      %swap3A_318 = vector.shape_cast %swap3A_317 : vector<1x16xf32> to vector<16xf32>
      %swap3A_319 = vector.shape_cast %add3A_313 : vector<16xf32> to vector<1x16xf32>
      tpu.vector_store %arg7[%swap3A_315, %swap3A_316], %swap3A_319 {strides = array<i32>} : memref<16x1024xf32, #tpu.memory_space<vmem>>, vector<1x16xf32>,
      %get3A_320 = arith.constant 10 : i32
      %get3A_321 = arith.index_cast %get3A_320 : i32 to index
      %get3A_322 = arith.index_cast %mul3A_151 : i32 to index
      %get3A_323 = tpu.vector_load %arg7[%get3A_321, %get3A_322] {strides = array<i32>} : memref<16x1024xf32, #tpu.memory_space<vmem>>, vector<1x16xf32>,
      %get3A_324 = vector.shape_cast %get3A_323 : vector<1x16xf32> to vector<16xf32>
      %get3A_325 = arith.constant 10 : i32
      %get3A_326 = arith.index_cast %get3A_325 : i32 to index
      %get3A_327 = arith.index_cast %mul3A_151 : i32 to index
      %get3A_328 = tpu.vector_load %arg9[%get3A_326, %get3A_327] {strides = array<i32>} : memref<16x1024xf32, #tpu.memory_space<vmem>>, vector<1x16xf32>,
      %get3A_329 = vector.shape_cast %get3A_328 : vector<1x16xf32> to vector<16xf32>
      %add3A_330 = arith.addf %get3A_324, %get3A_329 : vector<16xf32>
      %swap3A_331 = arith.constant 10 : i32
      %swap3A_332 = arith.index_cast %swap3A_331 : i32 to index
      %swap3A_333 = arith.index_cast %mul3A_151 : i32 to index
      %swap3A_334 = tpu.vector_load %arg7[%swap3A_332, %swap3A_333] {strides = array<i32>} : memref<16x1024xf32, #tpu.memory_space<vmem>>, vector<1x16xf32>,
      %swap3A_335 = vector.shape_cast %swap3A_334 : vector<1x16xf32> to vector<16xf32>
      %swap3A_336 = vector.shape_cast %add3A_330 : vector<16xf32> to vector<1x16xf32>
      tpu.vector_store %arg7[%swap3A_332, %swap3A_333], %swap3A_336 {strides = array<i32>} : memref<16x1024xf32, #tpu.memory_space<vmem>>, vector<1x16xf32>,
      %get3A_337 = arith.constant 11 : i32
      %get3A_338 = arith.index_cast %get3A_337 : i32 to index
      %get3A_339 = arith.index_cast %mul3A_151 : i32 to index
      %get3A_340 = tpu.vector_load %arg7[%get3A_338, %get3A_339] {strides = array<i32>} : memref<16x1024xf32, #tpu.memory_space<vmem>>, vector<1x16xf32>,
      %get3A_341 = vector.shape_cast %get3A_340 : vector<1x16xf32> to vector<16xf32>
      %get3A_342 = arith.constant 11 : i32
      %get3A_343 = arith.index_cast %get3A_342 : i32 to index
      %get3A_344 = arith.index_cast %mul3A_151 : i32 to index
      %get3A_345 = tpu.vector_load %arg9[%get3A_343, %get3A_344] {strides = array<i32>} : memref<16x1024xf32, #tpu.memory_space<vmem>>, vector<1x16xf32>,
      %get3A_346 = vector.shape_cast %get3A_345 : vector<1x16xf32> to vector<16xf32>
      %add3A_347 = arith.addf %get3A_341, %get3A_346 : vector<16xf32>
      %swap3A_348 = arith.constant 11 : i32
      %swap3A_349 = arith.index_cast %swap3A_348 : i32 to index
      %swap3A_350 = arith.index_cast %mul3A_151 : i32 to index
      %swap3A_351 = tpu.vector_load %arg7[%swap3A_349, %swap3A_350] {strides = array<i32>} : memref<16x1024xf32, #tpu.memory_space<vmem>>, vector<1x16xf32>,
      %swap3A_352 = vector.shape_cast %swap3A_351 : vector<1x16xf32> to vector<16xf32>
      %swap3A_353 = vector.shape_cast %add3A_347 : vector<16xf32> to vector<1x16xf32>
      tpu.vector_store %arg7[%swap3A_349, %swap3A_350], %swap3A_353 {strides = array<i32>} : memref<16x1024xf32, #tpu.memory_space<vmem>>, vector<1x16xf32>,
      %get3A_354 = arith.constant 12 : i32
      %get3A_355 = arith.index_cast %get3A_354 : i32 to index
      %get3A_356 = arith.index_cast %mul3A_151 : i32 to index
      %get3A_357 = tpu.vector_load %arg7[%get3A_355, %get3A_356] {strides = array<i32>} : memref<16x1024xf32, #tpu.memory_space<vmem>>, vector<1x16xf32>,
      %get3A_358 = vector.shape_cast %get3A_357 : vector<1x16xf32> to vector<16xf32>
      %get3A_359 = arith.constant 12 : i32
      %get3A_360 = arith.index_cast %get3A_359 : i32 to index
      %get3A_361 = arith.index_cast %mul3A_151 : i32 to index
      %get3A_362 = tpu.vector_load %arg9[%get3A_360, %get3A_361] {strides = array<i32>} : memref<16x1024xf32, #tpu.memory_space<vmem>>, vector<1x16xf32>,
      %get3A_363 = vector.shape_cast %get3A_362 : vector<1x16xf32> to vector<16xf32>
      %add3A_364 = arith.addf %get3A_358, %get3A_363 : vector<16xf32>
      %swap3A_365 = arith.constant 12 : i32
      %swap3A_366 = arith.index_cast %swap3A_365 : i32 to index
      %swap3A_367 = arith.index_cast %mul3A_151 : i32 to index
      %swap3A_368 = tpu.vector_load %arg7[%swap3A_366, %swap3A_367] {strides = array<i32>} : memref<16x1024xf32, #tpu.memory_space<vmem>>, vector<1x16xf32>,
      %swap3A_369 = vector.shape_cast %swap3A_368 : vector<1x16xf32> to vector<16xf32>
      %swap3A_370 = vector.shape_cast %add3A_364 : vector<16xf32> to vector<1x16xf32>
      tpu.vector_store %arg7[%swap3A_366, %swap3A_367], %swap3A_370 {strides = array<i32>} : memref<16x1024xf32, #tpu.memory_space<vmem>>, vector<1x16xf32>,
      %get3A_371 = arith.constant 13 : i32
      %get3A_372 = arith.index_cast %get3A_371 : i32 to index
      %get3A_373 = arith.index_cast %mul3A_151 : i32 to index
      %get3A_374 = tpu.vector_load %arg7[%get3A_372, %get3A_373] {strides = array<i32>} : memref<16x1024xf32, #tpu.memory_space<vmem>>, vector<1x16xf32>,
      %get3A_375 = vector.shape_cast %get3A_374 : vector<1x16xf32> to vector<16xf32>
      %get3A_376 = arith.constant 13 : i32
      %get3A_377 = arith.index_cast %get3A_376 : i32 to index
      %get3A_378 = arith.index_cast %mul3A_151 : i32 to index
      %get3A_379 = tpu.vector_load %arg9[%get3A_377, %get3A_378] {strides = array<i32>} : memref<16x1024xf32, #tpu.memory_space<vmem>>, vector<1x16xf32>,
      %get3A_380 = vector.shape_cast %get3A_379 : vector<1x16xf32> to vector<16xf32>
      %add3A_381 = arith.addf %get3A_375, %get3A_380 : vector<16xf32>
      %swap3A_382 = arith.constant 13 : i32
      %swap3A_383 = arith.index_cast %swap3A_382 : i32 to index
      %swap3A_384 = arith.index_cast %mul3A_151 : i32 to index
      %swap3A_385 = tpu.vector_load %arg7[%swap3A_383, %swap3A_384] {strides = array<i32>} : memref<16x1024xf32, #tpu.memory_space<vmem>>, vector<1x16xf32>,
      %swap3A_386 = vector.shape_cast %swap3A_385 : vector<1x16xf32> to vector<16xf32>
      %swap3A_387 = vector.shape_cast %add3A_381 : vector<16xf32> to vector<1x16xf32>
      tpu.vector_store %arg7[%swap3A_383, %swap3A_384], %swap3A_387 {strides = array<i32>} : memref<16x1024xf32, #tpu.memory_space<vmem>>, vector<1x16xf32>,
      %get3A_388 = arith.constant 14 : i32
      %get3A_389 = arith.index_cast %get3A_388 : i32 to index
      %get3A_390 = arith.index_cast %mul3A_151 : i32 to index
      %get3A_391 = tpu.vector_load %arg7[%get3A_389, %get3A_390] {strides = array<i32>} : memref<16x1024xf32, #tpu.memory_space<vmem>>, vector<1x16xf32>,
      %get3A_392 = vector.shape_cast %get3A_391 : vector<1x16xf32> to vector<16xf32>
      %get3A_393 = arith.constant 14 : i32
      %get3A_394 = arith.index_cast %get3A_393 : i32 to index
      %get3A_395 = arith.index_cast %mul3A_151 : i32 to index
      %get3A_396 = tpu.vector_load %arg9[%get3A_394, %get3A_395] {strides = array<i32>} : memref<16x1024xf32, #tpu.memory_space<vmem>>, vector<1x16xf32>,
      %get3A_397 = vector.shape_cast %get3A_396 : vector<1x16xf32> to vector<16xf32>
      %add3A_398 = arith.addf %get3A_392, %get3A_397 : vector<16xf32>
      %swap3A_399 = arith.constant 14 : i32
      %swap3A_400 = arith.index_cast %swap3A_399 : i32 to index
      %swap3A_401 = arith.index_cast %mul3A_151 : i32 to index
      %swap3A_402 = tpu.vector_load %arg7[%swap3A_400, %swap3A_401] {strides = array<i32>} : memref<16x1024xf32, #tpu.memory_space<vmem>>, vector<1x16xf32>,
      %swap3A_403 = vector.shape_cast %swap3A_402 : vector<1x16xf32> to vector<16xf32>
      %swap3A_404 = vector.shape_cast %add3A_398 : vector<16xf32> to vector<1x16xf32>
      tpu.vector_store %arg7[%swap3A_400, %swap3A_401], %swap3A_404 {strides = array<i32>} : memref<16x1024xf32, #tpu.memory_space<vmem>>, vector<1x16xf32>,
      %get3A_405 = arith.constant 15 : i32
      %get3A_406 = arith.index_cast %get3A_405 : i32 to index
      %get3A_407 = arith.index_cast %mul3A_151 : i32 to index
      %get3A_408 = tpu.vector_load %arg7[%get3A_406, %get3A_407] {strides = array<i32>} : memref<16x1024xf32, #tpu.memory_space<vmem>>, vector<1x16xf32>,
      %get3A_409 = vector.shape_cast %get3A_408 : vector<1x16xf32> to vector<16xf32>
      %get3A_410 = arith.constant 15 : i32
      %get3A_411 = arith.index_cast %get3A_410 : i32 to index
      %get3A_412 = arith.index_cast %mul3A_151 : i32 to index
      %get3A_413 = tpu.vector_load %arg9[%get3A_411, %get3A_412] {strides = array<i32>} : memref<16x1024xf32, #tpu.memory_space<vmem>>, vector<1x16xf32>,
      %get3A_414 = vector.shape_cast %get3A_413 : vector<1x16xf32> to vector<16xf32>
      %add3A_415 = arith.addf %get3A_409, %get3A_414 : vector<16xf32>
      %swap3A_416 = arith.constant 15 : i32
      %swap3A_417 = arith.index_cast %swap3A_416 : i32 to index
      %swap3A_418 = arith.index_cast %mul3A_151 : i32 to index
      %swap3A_419 = tpu.vector_load %arg7[%swap3A_417, %swap3A_418] {strides = array<i32>} : memref<16x1024xf32, #tpu.memory_space<vmem>>, vector<1x16xf32>,
      %swap3A_420 = vector.shape_cast %swap3A_419 : vector<1x16xf32> to vector<16xf32>
      %swap3A_421 = vector.shape_cast %add3A_415 : vector<16xf32> to vector<1x16xf32>
      tpu.vector_store %arg7[%swap3A_417, %swap3A_418], %swap3A_421 {strides = array<i32>} : memref<16x1024xf32, #tpu.memory_space<vmem>>, vector<1x16xf32>,
      %scan3A_422 = arith.constant 0 : i32
      scf.yield %scan3A_422 : i32
    }
    %scan3A_73 = arith.constant 64 : i32
    %add3A_74 = arith.constant 16 : i32
    %add3A_75 = arith.addi %mul3A_2, %add3A_74 : i32
    %dma_start3A_76 = arith.constant 0 : i32
    %dma_start3A_77 = tpu.memref_slice %arg5[%add3A_75, %dma_start3A_76] : memref<2048x1024xf32, #tpu.memory_space<hbm>> -> memref<16x1024xf32, #tpu.memory_space<hbm>>
    %dma_start3A_78 = arith.constant 0 : i32
    %dma_start3A_79 = tpu.memref_slice %arg5[%add3A_75, %dma_start3A_78] : memref<2048x1024xf32, #tpu.memory_space<hbm>> -> memref<16x1024xf32, #tpu.memory_space<hbm>>
    tpu.enqueue_dma source(%arg7 : memref<16x1024xf32, #tpu.memory_space<vmem>>) target(%dma_start3A_79 : memref<16x1024xf32, #tpu.memory_space<hbm>>) target_semaphore(%arg17 : memref<!tpu.dma_semaphore, #tpu.memory_space<semaphore_mem>>)
    %dma_wait3A_80 = arith.constant 0 : i32
    %dma_wait3A_81 = tpu.memref_slice %arg5[%add3A_75, %dma_wait3A_80] : memref<2048x1024xf32, #tpu.memory_space<hbm>> -> memref<16x1024xf32, #tpu.memory_space<hbm>>
    %dma_wait3A_82 = arith.constant 0 : i32
    %dma_wait3A_83 = tpu.memref_slice %arg5[%add3A_75, %dma_wait3A_82] : memref<2048x1024xf32, #tpu.memory_space<hbm>> -> memref<16x1024xf32, #tpu.memory_space<hbm>>
    tpu.wait_dma2 semaphore(%arg17 : memref<!tpu.dma_semaphore, #tpu.memory_space<semaphore_mem>>) src(%arg7 : memref<16x1024xf32, #tpu.memory_space<vmem>>) dst(%dma_wait3A_83 : memref<16x1024xf32, #tpu.memory_space<hbm>>)
    %dma_start3A_84 = arith.constant 48 : i32
    %dma_start3A_85 = tpu.memref_slice %arg10[%dma_start3A_84] : memref<64xi32, #tpu.memory_space<vmem>> -> memref<16xi32, #tpu.memory_space<vmem>>
    %dma_start3A_86 = arith.constant 0 : i32
    %dma_start3A_87 = arith.constant 0 : i32
    %dma_start3A_88 = tpu.memref_slice %arg2[%dma_start3A_86, %dma_start3A_87] : memref<4096x1024xf32, #tpu.memory_space<hbm>> -> memref<4096x1024xf32, #tpu.memory_space<hbm>>
    tpu.enqueue_indirect_dma source(%dma_start3A_88 : memref<4096x1024xf32, #tpu.memory_space<hbm>>) target(%arg7 : memref<16x1024xf32, #tpu.memory_space<vmem>>) offsets(%dma_start3A_85 : memref<16xi32, #tpu.memory_space<vmem>>) semaphore(%arg13 : memref<!tpu.dma_semaphore, #tpu.memory_space<semaphore_mem>>)
    %dma_start3A_89 = arith.constant 48 : i32
    %dma_start3A_90 = tpu.memref_slice %arg11[%dma_start3A_89] : memref<64xi32, #tpu.memory_space<vmem>> -> memref<16xi32, #tpu.memory_space<vmem>>
    %dma_start3A_91 = arith.constant 0 : i32
    %dma_start3A_92 = arith.constant 0 : i32
    %dma_start3A_93 = tpu.memref_slice %arg2[%dma_start3A_91, %dma_start3A_92] : memref<4096x1024xf32, #tpu.memory_space<hbm>> -> memref<4096x1024xf32, #tpu.memory_space<hbm>>
    tpu.enqueue_indirect_dma source(%dma_start3A_93 : memref<4096x1024xf32, #tpu.memory_space<hbm>>) target(%arg9 : memref<16x1024xf32, #tpu.memory_space<vmem>>) offsets(%dma_start3A_90 : memref<16xi32, #tpu.memory_space<vmem>>) semaphore(%arg15 : memref<!tpu.dma_semaphore, #tpu.memory_space<semaphore_mem>>)
    %dma_wait3A_94 = arith.constant 32 : i32
    %dma_wait3A_95 = tpu.memref_slice %arg10[%dma_wait3A_94] : memref<64xi32, #tpu.memory_space<vmem>> -> memref<16xi32, #tpu.memory_space<vmem>>
    %dma_wait3A_96 = arith.constant 0 : i32
    %dma_wait3A_97 = arith.constant 0 : i32
    %dma_wait3A_98 = tpu.memref_slice %arg2[%dma_wait3A_96, %dma_wait3A_97] : memref<4096x1024xf32, #tpu.memory_space<hbm>> -> memref<4096x1024xf32, #tpu.memory_space<hbm>>
    tpu.wait_indirect_dma semaphore(%arg12 : memref<!tpu.dma_semaphore, #tpu.memory_space<semaphore_mem>>) src(%dma_wait3A_98 : memref<4096x1024xf32, #tpu.memory_space<hbm>>) dst(%arg6 : memref<16x1024xf32, #tpu.memory_space<vmem>>)
    %dma_wait3A_99 = arith.constant 32 : i32
    %dma_wait3A_100 = tpu.memref_slice %arg11[%dma_wait3A_99] : memref<64xi32, #tpu.memory_space<vmem>> -> memref<16xi32, #tpu.memory_space<vmem>>
    %dma_wait3A_101 = arith.constant 0 : i32
    %dma_wait3A_102 = arith.constant 0 : i32
    %dma_wait3A_103 = tpu.memref_slice %arg2[%dma_wait3A_101, %dma_wait3A_102] : memref<4096x1024xf32, #tpu.memory_space<hbm>> -> memref<4096x1024xf32, #tpu.memory_space<hbm>>
    tpu.wait_indirect_dma semaphore(%arg14 : memref<!tpu.dma_semaphore, #tpu.memory_space<semaphore_mem>>) src(%dma_wait3A_103 : memref<4096x1024xf32, #tpu.memory_space<hbm>>) dst(%arg8 : memref<16x1024xf32, #tpu.memory_space<vmem>>)
    %scan3A_104 = arith.constant 0 : i32
    %scan3A_105 = arith.constant 0 : i32
    %scan3A_106 = arith.constant 64 : i32
    %scan3A_107 = arith.addi %scan3A_105, %scan3A_106 : i32
    %scan3A_108 = arith.constant 1 : i32
    %scan3A_109 = scf.for %scan3A_148 = %scan3A_105 to %scan3A_107 step %scan3A_108 iter_args(%scan3A_149 = %scan3A_104) -> (i32)  : i32 {
      %mul3A_150 = arith.constant 16 : i32
      %mul3A_151 = arith.muli %scan3A_148, %mul3A_150 : i32
      %get3A = arith.constant 0 : i32
      %get3A_152 = arith.index_cast %get3A : i32 to index
      %get3A_153 = arith.index_cast %mul3A_151 : i32 to index
      %get3A_154 = tpu.vector_load %arg6[%get3A_152, %get3A_153] {strides = array<i32>} : memref<16x1024xf32, #tpu.memory_space<vmem>>, vector<1x16xf32>,
      %get3A_155 = vector.shape_cast %get3A_154 : vector<1x16xf32> to vector<16xf32>
      %get3A_156 = arith.constant 0 : i32
      %get3A_157 = arith.index_cast %get3A_156 : i32 to index
      %get3A_158 = arith.index_cast %mul3A_151 : i32 to index
      %get3A_159 = tpu.vector_load %arg8[%get3A_157, %get3A_158] {strides = array<i32>} : memref<16x1024xf32, #tpu.memory_space<vmem>>, vector<1x16xf32>,
      %get3A_160 = vector.shape_cast %get3A_159 : vector<1x16xf32> to vector<16xf32>
      %add3A_161 = arith.addf %get3A_155, %get3A_160 : vector<16xf32>
      %swap3A = arith.constant 0 : i32
      %swap3A_162 = arith.index_cast %swap3A : i32 to index
      %swap3A_163 = arith.index_cast %mul3A_151 : i32 to index
      %swap3A_164 = tpu.vector_load %arg6[%swap3A_162, %swap3A_163] {strides = array<i32>} : memref<16x1024xf32, #tpu.memory_space<vmem>>, vector<1x16xf32>,
      %swap3A_165 = vector.shape_cast %swap3A_164 : vector<1x16xf32> to vector<16xf32>
      %swap3A_166 = vector.shape_cast %add3A_161 : vector<16xf32> to vector<1x16xf32>
      tpu.vector_store %arg6[%swap3A_162, %swap3A_163], %swap3A_166 {strides = array<i32>} : memref<16x1024xf32, #tpu.memory_space<vmem>>, vector<1x16xf32>,
      %get3A_167 = arith.constant 1 : i32
      %get3A_168 = arith.index_cast %get3A_167 : i32 to index
      %get3A_169 = arith.index_cast %mul3A_151 : i32 to index
      %get3A_170 = tpu.vector_load %arg6[%get3A_168, %get3A_169] {strides = array<i32>} : memref<16x1024xf32, #tpu.memory_space<vmem>>, vector<1x16xf32>,
      %get3A_171 = vector.shape_cast %get3A_170 : vector<1x16xf32> to vector<16xf32>
      %get3A_172 = arith.constant 1 : i32
      %get3A_173 = arith.index_cast %get3A_172 : i32 to index
      %get3A_174 = arith.index_cast %mul3A_151 : i32 to index
      %get3A_175 = tpu.vector_load %arg8[%get3A_173, %get3A_174] {strides = array<i32>} : memref<16x1024xf32, #tpu.memory_space<vmem>>, vector<1x16xf32>,
      %get3A_176 = vector.shape_cast %get3A_175 : vector<1x16xf32> to vector<16xf32>
      %add3A_177 = arith.addf %get3A_171, %get3A_176 : vector<16xf32>
      %swap3A_178 = arith.constant 1 : i32
      %swap3A_179 = arith.index_cast %swap3A_178 : i32 to index
      %swap3A_180 = arith.index_cast %mul3A_151 : i32 to index
      %swap3A_181 = tpu.vector_load %arg6[%swap3A_179, %swap3A_180] {strides = array<i32>} : memref<16x1024xf32, #tpu.memory_space<vmem>>, vector<1x16xf32>,
      %swap3A_182 = vector.shape_cast %swap3A_181 : vector<1x16xf32> to vector<16xf32>
      %swap3A_183 = vector.shape_cast %add3A_177 : vector<16xf32> to vector<1x16xf32>
      tpu.vector_store %arg6[%swap3A_179, %swap3A_180], %swap3A_183 {strides = array<i32>} : memref<16x1024xf32, #tpu.memory_space<vmem>>, vector<1x16xf32>,
      %get3A_184 = arith.constant 2 : i32
      %get3A_185 = arith.index_cast %get3A_184 : i32 to index
      %get3A_186 = arith.index_cast %mul3A_151 : i32 to index
      %get3A_187 = tpu.vector_load %arg6[%get3A_185, %get3A_186] {strides = array<i32>} : memref<16x1024xf32, #tpu.memory_space<vmem>>, vector<1x16xf32>,
      %get3A_188 = vector.shape_cast %get3A_187 : vector<1x16xf32> to vector<16xf32>
      %get3A_189 = arith.constant 2 : i32
      %get3A_190 = arith.index_cast %get3A_189 : i32 to index
      %get3A_191 = arith.index_cast %mul3A_151 : i32 to index
      %get3A_192 = tpu.vector_load %arg8[%get3A_190, %get3A_191] {strides = array<i32>} : memref<16x1024xf32, #tpu.memory_space<vmem>>, vector<1x16xf32>,
      %get3A_193 = vector.shape_cast %get3A_192 : vector<1x16xf32> to vector<16xf32>
      %add3A_194 = arith.addf %get3A_188, %get3A_193 : vector<16xf32>
      %swap3A_195 = arith.constant 2 : i32
      %swap3A_196 = arith.index_cast %swap3A_195 : i32 to index
      %swap3A_197 = arith.index_cast %mul3A_151 : i32 to index
      %swap3A_198 = tpu.vector_load %arg6[%swap3A_196, %swap3A_197] {strides = array<i32>} : memref<16x1024xf32, #tpu.memory_space<vmem>>, vector<1x16xf32>,
      %swap3A_199 = vector.shape_cast %swap3A_198 : vector<1x16xf32> to vector<16xf32>
      %swap3A_200 = vector.shape_cast %add3A_194 : vector<16xf32> to vector<1x16xf32>
      tpu.vector_store %arg6[%swap3A_196, %swap3A_197], %swap3A_200 {strides = array<i32>} : memref<16x1024xf32, #tpu.memory_space<vmem>>, vector<1x16xf32>,
      %get3A_201 = arith.constant 3 : i32
      %get3A_202 = arith.index_cast %get3A_201 : i32 to index
      %get3A_203 = arith.index_cast %mul3A_151 : i32 to index
      %get3A_204 = tpu.vector_load %arg6[%get3A_202, %get3A_203] {strides = array<i32>} : memref<16x1024xf32, #tpu.memory_space<vmem>>, vector<1x16xf32>,
      %get3A_205 = vector.shape_cast %get3A_204 : vector<1x16xf32> to vector<16xf32>
      %get3A_206 = arith.constant 3 : i32
      %get3A_207 = arith.index_cast %get3A_206 : i32 to index
      %get3A_208 = arith.index_cast %mul3A_151 : i32 to index
      %get3A_209 = tpu.vector_load %arg8[%get3A_207, %get3A_208] {strides = array<i32>} : memref<16x1024xf32, #tpu.memory_space<vmem>>, vector<1x16xf32>,
      %get3A_210 = vector.shape_cast %get3A_209 : vector<1x16xf32> to vector<16xf32>
      %add3A_211 = arith.addf %get3A_205, %get3A_210 : vector<16xf32>
      %swap3A_212 = arith.constant 3 : i32
      %swap3A_213 = arith.index_cast %swap3A_212 : i32 to index
      %swap3A_214 = arith.index_cast %mul3A_151 : i32 to index
      %swap3A_215 = tpu.vector_load %arg6[%swap3A_213, %swap3A_214] {strides = array<i32>} : memref<16x1024xf32, #tpu.memory_space<vmem>>, vector<1x16xf32>,
      %swap3A_216 = vector.shape_cast %swap3A_215 : vector<1x16xf32> to vector<16xf32>
      %swap3A_217 = vector.shape_cast %add3A_211 : vector<16xf32> to vector<1x16xf32>
      tpu.vector_store %arg6[%swap3A_213, %swap3A_214], %swap3A_217 {strides = array<i32>} : memref<16x1024xf32, #tpu.memory_space<vmem>>, vector<1x16xf32>,
      %get3A_218 = arith.constant 4 : i32
      %get3A_219 = arith.index_cast %get3A_218 : i32 to index
      %get3A_220 = arith.index_cast %mul3A_151 : i32 to index
      %get3A_221 = tpu.vector_load %arg6[%get3A_219, %get3A_220] {strides = array<i32>} : memref<16x1024xf32, #tpu.memory_space<vmem>>, vector<1x16xf32>,
      %get3A_222 = vector.shape_cast %get3A_221 : vector<1x16xf32> to vector<16xf32>
      %get3A_223 = arith.constant 4 : i32
      %get3A_224 = arith.index_cast %get3A_223 : i32 to index
      %get3A_225 = arith.index_cast %mul3A_151 : i32 to index
      %get3A_226 = tpu.vector_load %arg8[%get3A_224, %get3A_225] {strides = array<i32>} : memref<16x1024xf32, #tpu.memory_space<vmem>>, vector<1x16xf32>,
      %get3A_227 = vector.shape_cast %get3A_226 : vector<1x16xf32> to vector<16xf32>
      %add3A_228 = arith.addf %get3A_222, %get3A_227 : vector<16xf32>
      %swap3A_229 = arith.constant 4 : i32
      %swap3A_230 = arith.index_cast %swap3A_229 : i32 to index
      %swap3A_231 = arith.index_cast %mul3A_151 : i32 to index
      %swap3A_232 = tpu.vector_load %arg6[%swap3A_230, %swap3A_231] {strides = array<i32>} : memref<16x1024xf32, #tpu.memory_space<vmem>>, vector<1x16xf32>,
      %swap3A_233 = vector.shape_cast %swap3A_232 : vector<1x16xf32> to vector<16xf32>
      %swap3A_234 = vector.shape_cast %add3A_228 : vector<16xf32> to vector<1x16xf32>
      tpu.vector_store %arg6[%swap3A_230, %swap3A_231], %swap3A_234 {strides = array<i32>} : memref<16x1024xf32, #tpu.memory_space<vmem>>, vector<1x16xf32>,
      %get3A_235 = arith.constant 5 : i32
      %get3A_236 = arith.index_cast %get3A_235 : i32 to index
      %get3A_237 = arith.index_cast %mul3A_151 : i32 to index
      %get3A_238 = tpu.vector_load %arg6[%get3A_236, %get3A_237] {strides = array<i32>} : memref<16x1024xf32, #tpu.memory_space<vmem>>, vector<1x16xf32>,
      %get3A_239 = vector.shape_cast %get3A_238 : vector<1x16xf32> to vector<16xf32>
      %get3A_240 = arith.constant 5 : i32
      %get3A_241 = arith.index_cast %get3A_240 : i32 to index
      %get3A_242 = arith.index_cast %mul3A_151 : i32 to index
      %get3A_243 = tpu.vector_load %arg8[%get3A_241, %get3A_242] {strides = array<i32>} : memref<16x1024xf32, #tpu.memory_space<vmem>>, vector<1x16xf32>,
      %get3A_244 = vector.shape_cast %get3A_243 : vector<1x16xf32> to vector<16xf32>
      %add3A_245 = arith.addf %get3A_239, %get3A_244 : vector<16xf32>
      %swap3A_246 = arith.constant 5 : i32
      %swap3A_247 = arith.index_cast %swap3A_246 : i32 to index
      %swap3A_248 = arith.index_cast %mul3A_151 : i32 to index
      %swap3A_249 = tpu.vector_load %arg6[%swap3A_247, %swap3A_248] {strides = array<i32>} : memref<16x1024xf32, #tpu.memory_space<vmem>>, vector<1x16xf32>,
      %swap3A_250 = vector.shape_cast %swap3A_249 : vector<1x16xf32> to vector<16xf32>
      %swap3A_251 = vector.shape_cast %add3A_245 : vector<16xf32> to vector<1x16xf32>
      tpu.vector_store %arg6[%swap3A_247, %swap3A_248], %swap3A_251 {strides = array<i32>} : memref<16x1024xf32, #tpu.memory_space<vmem>>, vector<1x16xf32>,
      %get3A_252 = arith.constant 6 : i32
      %get3A_253 = arith.index_cast %get3A_252 : i32 to index
      %get3A_254 = arith.index_cast %mul3A_151 : i32 to index
      %get3A_255 = tpu.vector_load %arg6[%get3A_253, %get3A_254] {strides = array<i32>} : memref<16x1024xf32, #tpu.memory_space<vmem>>, vector<1x16xf32>,
      %get3A_256 = vector.shape_cast %get3A_255 : vector<1x16xf32> to vector<16xf32>
      %get3A_257 = arith.constant 6 : i32
      %get3A_258 = arith.index_cast %get3A_257 : i32 to index
      %get3A_259 = arith.index_cast %mul3A_151 : i32 to index
      %get3A_260 = tpu.vector_load %arg8[%get3A_258, %get3A_259] {strides = array<i32>} : memref<16x1024xf32, #tpu.memory_space<vmem>>, vector<1x16xf32>,
      %get3A_261 = vector.shape_cast %get3A_260 : vector<1x16xf32> to vector<16xf32>
      %add3A_262 = arith.addf %get3A_256, %get3A_261 : vector<16xf32>
      %swap3A_263 = arith.constant 6 : i32
      %swap3A_264 = arith.index_cast %swap3A_263 : i32 to index
      %swap3A_265 = arith.index_cast %mul3A_151 : i32 to index
      %swap3A_266 = tpu.vector_load %arg6[%swap3A_264, %swap3A_265] {strides = array<i32>} : memref<16x1024xf32, #tpu.memory_space<vmem>>, vector<1x16xf32>,
      %swap3A_267 = vector.shape_cast %swap3A_266 : vector<1x16xf32> to vector<16xf32>
      %swap3A_268 = vector.shape_cast %add3A_262 : vector<16xf32> to vector<1x16xf32>
      tpu.vector_store %arg6[%swap3A_264, %swap3A_265], %swap3A_268 {strides = array<i32>} : memref<16x1024xf32, #tpu.memory_space<vmem>>, vector<1x16xf32>,
      %get3A_269 = arith.constant 7 : i32
      %get3A_270 = arith.index_cast %get3A_269 : i32 to index
      %get3A_271 = arith.index_cast %mul3A_151 : i32 to index
      %get3A_272 = tpu.vector_load %arg6[%get3A_270, %get3A_271] {strides = array<i32>} : memref<16x1024xf32, #tpu.memory_space<vmem>>, vector<1x16xf32>,
      %get3A_273 = vector.shape_cast %get3A_272 : vector<1x16xf32> to vector<16xf32>
      %get3A_274 = arith.constant 7 : i32
      %get3A_275 = arith.index_cast %get3A_274 : i32 to index
      %get3A_276 = arith.index_cast %mul3A_151 : i32 to index
      %get3A_277 = tpu.vector_load %arg8[%get3A_275, %get3A_276] {strides = array<i32>} : memref<16x1024xf32, #tpu.memory_space<vmem>>, vector<1x16xf32>,
      %get3A_278 = vector.shape_cast %get3A_277 : vector<1x16xf32> to vector<16xf32>
      %add3A_279 = arith.addf %get3A_273, %get3A_278 : vector<16xf32>
      %swap3A_280 = arith.constant 7 : i32
      %swap3A_281 = arith.index_cast %swap3A_280 : i32 to index
      %swap3A_282 = arith.index_cast %mul3A_151 : i32 to index
      %swap3A_283 = tpu.vector_load %arg6[%swap3A_281, %swap3A_282] {strides = array<i32>} : memref<16x1024xf32, #tpu.memory_space<vmem>>, vector<1x16xf32>,
      %swap3A_284 = vector.shape_cast %swap3A_283 : vector<1x16xf32> to vector<16xf32>
      %swap3A_285 = vector.shape_cast %add3A_279 : vector<16xf32> to vector<1x16xf32>
      tpu.vector_store %arg6[%swap3A_281, %swap3A_282], %swap3A_285 {strides = array<i32>} : memref<16x1024xf32, #tpu.memory_space<vmem>>, vector<1x16xf32>,
      %get3A_286 = arith.constant 8 : i32
      %get3A_287 = arith.index_cast %get3A_286 : i32 to index
      %get3A_288 = arith.index_cast %mul3A_151 : i32 to index
      %get3A_289 = tpu.vector_load %arg6[%get3A_287, %get3A_288] {strides = array<i32>} : memref<16x1024xf32, #tpu.memory_space<vmem>>, vector<1x16xf32>,
      %get3A_290 = vector.shape_cast %get3A_289 : vector<1x16xf32> to vector<16xf32>
      %get3A_291 = arith.constant 8 : i32
      %get3A_292 = arith.index_cast %get3A_291 : i32 to index
      %get3A_293 = arith.index_cast %mul3A_151 : i32 to index
      %get3A_294 = tpu.vector_load %arg8[%get3A_292, %get3A_293] {strides = array<i32>} : memref<16x1024xf32, #tpu.memory_space<vmem>>, vector<1x16xf32>,
      %get3A_295 = vector.shape_cast %get3A_294 : vector<1x16xf32> to vector<16xf32>
      %add3A_296 = arith.addf %get3A_290, %get3A_295 : vector<16xf32>
      %swap3A_297 = arith.constant 8 : i32
      %swap3A_298 = arith.index_cast %swap3A_297 : i32 to index
      %swap3A_299 = arith.index_cast %mul3A_151 : i32 to index
      %swap3A_300 = tpu.vector_load %arg6[%swap3A_298, %swap3A_299] {strides = array<i32>} : memref<16x1024xf32, #tpu.memory_space<vmem>>, vector<1x16xf32>,
      %swap3A_301 = vector.shape_cast %swap3A_300 : vector<1x16xf32> to vector<16xf32>
      %swap3A_302 = vector.shape_cast %add3A_296 : vector<16xf32> to vector<1x16xf32>
      tpu.vector_store %arg6[%swap3A_298, %swap3A_299], %swap3A_302 {strides = array<i32>} : memref<16x1024xf32, #tpu.memory_space<vmem>>, vector<1x16xf32>,
      %get3A_303 = arith.constant 9 : i32
      %get3A_304 = arith.index_cast %get3A_303 : i32 to index
      %get3A_305 = arith.index_cast %mul3A_151 : i32 to index
      %get3A_306 = tpu.vector_load %arg6[%get3A_304, %get3A_305] {strides = array<i32>} : memref<16x1024xf32, #tpu.memory_space<vmem>>, vector<1x16xf32>,
      %get3A_307 = vector.shape_cast %get3A_306 : vector<1x16xf32> to vector<16xf32>
      %get3A_308 = arith.constant 9 : i32
      %get3A_309 = arith.index_cast %get3A_308 : i32 to index
      %get3A_310 = arith.index_cast %mul3A_151 : i32 to index
      %get3A_311 = tpu.vector_load %arg8[%get3A_309, %get3A_310] {strides = array<i32>} : memref<16x1024xf32, #tpu.memory_space<vmem>>, vector<1x16xf32>,
      %get3A_312 = vector.shape_cast %get3A_311 : vector<1x16xf32> to vector<16xf32>
      %add3A_313 = arith.addf %get3A_307, %get3A_312 : vector<16xf32>
      %swap3A_314 = arith.constant 9 : i32
      %swap3A_315 = arith.index_cast %swap3A_314 : i32 to index
      %swap3A_316 = arith.index_cast %mul3A_151 : i32 to index
      %swap3A_317 = tpu.vector_load %arg6[%swap3A_315, %swap3A_316] {strides = array<i32>} : memref<16x1024xf32, #tpu.memory_space<vmem>>, vector<1x16xf32>,
      %swap3A_318 = vector.shape_cast %swap3A_317 : vector<1x16xf32> to vector<16xf32>
      %swap3A_319 = vector.shape_cast %add3A_313 : vector<16xf32> to vector<1x16xf32>
      tpu.vector_store %arg6[%swap3A_315, %swap3A_316], %swap3A_319 {strides = array<i32>} : memref<16x1024xf32, #tpu.memory_space<vmem>>, vector<1x16xf32>,
      %get3A_320 = arith.constant 10 : i32
      %get3A_321 = arith.index_cast %get3A_320 : i32 to index
      %get3A_322 = arith.index_cast %mul3A_151 : i32 to index
      %get3A_323 = tpu.vector_load %arg6[%get3A_321, %get3A_322] {strides = array<i32>} : memref<16x1024xf32, #tpu.memory_space<vmem>>, vector<1x16xf32>,
      %get3A_324 = vector.shape_cast %get3A_323 : vector<1x16xf32> to vector<16xf32>
      %get3A_325 = arith.constant 10 : i32
      %get3A_326 = arith.index_cast %get3A_325 : i32 to index
      %get3A_327 = arith.index_cast %mul3A_151 : i32 to index
      %get3A_328 = tpu.vector_load %arg8[%get3A_326, %get3A_327] {strides = array<i32>} : memref<16x1024xf32, #tpu.memory_space<vmem>>, vector<1x16xf32>,
      %get3A_329 = vector.shape_cast %get3A_328 : vector<1x16xf32> to vector<16xf32>
      %add3A_330 = arith.addf %get3A_324, %get3A_329 : vector<16xf32>
      %swap3A_331 = arith.constant 10 : i32
      %swap3A_332 = arith.index_cast %swap3A_331 : i32 to index
      %swap3A_333 = arith.index_cast %mul3A_151 : i32 to index
      %swap3A_334 = tpu.vector_load %arg6[%swap3A_332, %swap3A_333] {strides = array<i32>} : memref<16x1024xf32, #tpu.memory_space<vmem>>, vector<1x16xf32>,
      %swap3A_335 = vector.shape_cast %swap3A_334 : vector<1x16xf32> to vector<16xf32>
      %swap3A_336 = vector.shape_cast %add3A_330 : vector<16xf32> to vector<1x16xf32>
      tpu.vector_store %arg6[%swap3A_332, %swap3A_333], %swap3A_336 {strides = array<i32>} : memref<16x1024xf32, #tpu.memory_space<vmem>>, vector<1x16xf32>,
      %get3A_337 = arith.constant 11 : i32
      %get3A_338 = arith.index_cast %get3A_337 : i32 to index
      %get3A_339 = arith.index_cast %mul3A_151 : i32 to index
      %get3A_340 = tpu.vector_load %arg6[%get3A_338, %get3A_339] {strides = array<i32>} : memref<16x1024xf32, #tpu.memory_space<vmem>>, vector<1x16xf32>,
      %get3A_341 = vector.shape_cast %get3A_340 : vector<1x16xf32> to vector<16xf32>
      %get3A_342 = arith.constant 11 : i32
      %get3A_343 = arith.index_cast %get3A_342 : i32 to index
      %get3A_344 = arith.index_cast %mul3A_151 : i32 to index
      %get3A_345 = tpu.vector_load %arg8[%get3A_343, %get3A_344] {strides = array<i32>} : memref<16x1024xf32, #tpu.memory_space<vmem>>, vector<1x16xf32>,
      %get3A_346 = vector.shape_cast %get3A_345 : vector<1x16xf32> to vector<16xf32>
      %add3A_347 = arith.addf %get3A_341, %get3A_346 : vector<16xf32>
      %swap3A_348 = arith.constant 11 : i32
      %swap3A_349 = arith.index_cast %swap3A_348 : i32 to index
      %swap3A_350 = arith.index_cast %mul3A_151 : i32 to index
      %swap3A_351 = tpu.vector_load %arg6[%swap3A_349, %swap3A_350] {strides = array<i32>} : memref<16x1024xf32, #tpu.memory_space<vmem>>, vector<1x16xf32>,
      %swap3A_352 = vector.shape_cast %swap3A_351 : vector<1x16xf32> to vector<16xf32>
      %swap3A_353 = vector.shape_cast %add3A_347 : vector<16xf32> to vector<1x16xf32>
      tpu.vector_store %arg6[%swap3A_349, %swap3A_350], %swap3A_353 {strides = array<i32>} : memref<16x1024xf32, #tpu.memory_space<vmem>>, vector<1x16xf32>,
      %get3A_354 = arith.constant 12 : i32
      %get3A_355 = arith.index_cast %get3A_354 : i32 to index
      %get3A_356 = arith.index_cast %mul3A_151 : i32 to index
      %get3A_357 = tpu.vector_load %arg6[%get3A_355, %get3A_356] {strides = array<i32>} : memref<16x1024xf32, #tpu.memory_space<vmem>>, vector<1x16xf32>,
      %get3A_358 = vector.shape_cast %get3A_357 : vector<1x16xf32> to vector<16xf32>
      %get3A_359 = arith.constant 12 : i32
      %get3A_360 = arith.index_cast %get3A_359 : i32 to index
      %get3A_361 = arith.index_cast %mul3A_151 : i32 to index
      %get3A_362 = tpu.vector_load %arg8[%get3A_360, %get3A_361] {strides = array<i32>} : memref<16x1024xf32, #tpu.memory_space<vmem>>, vector<1x16xf32>,
      %get3A_363 = vector.shape_cast %get3A_362 : vector<1x16xf32> to vector<16xf32>
      %add3A_364 = arith.addf %get3A_358, %get3A_363 : vector<16xf32>
      %swap3A_365 = arith.constant 12 : i32
      %swap3A_366 = arith.index_cast %swap3A_365 : i32 to index
      %swap3A_367 = arith.index_cast %mul3A_151 : i32 to index
      %swap3A_368 = tpu.vector_load %arg6[%swap3A_366, %swap3A_367] {strides = array<i32>} : memref<16x1024xf32, #tpu.memory_space<vmem>>, vector<1x16xf32>,
      %swap3A_369 = vector.shape_cast %swap3A_368 : vector<1x16xf32> to vector<16xf32>
      %swap3A_370 = vector.shape_cast %add3A_364 : vector<16xf32> to vector<1x16xf32>
      tpu.vector_store %arg6[%swap3A_366, %swap3A_367], %swap3A_370 {strides = array<i32>} : memref<16x1024xf32, #tpu.memory_space<vmem>>, vector<1x16xf32>,
      %get3A_371 = arith.constant 13 : i32
      %get3A_372 = arith.index_cast %get3A_371 : i32 to index
      %get3A_373 = arith.index_cast %mul3A_151 : i32 to index
      %get3A_374 = tpu.vector_load %arg6[%get3A_372, %get3A_373] {strides = array<i32>} : memref<16x1024xf32, #tpu.memory_space<vmem>>, vector<1x16xf32>,
      %get3A_375 = vector.shape_cast %get3A_374 : vector<1x16xf32> to vector<16xf32>
      %get3A_376 = arith.constant 13 : i32
      %get3A_377 = arith.index_cast %get3A_376 : i32 to index
      %get3A_378 = arith.index_cast %mul3A_151 : i32 to index
      %get3A_379 = tpu.vector_load %arg8[%get3A_377, %get3A_378] {strides = array<i32>} : memref<16x1024xf32, #tpu.memory_space<vmem>>, vector<1x16xf32>,
      %get3A_380 = vector.shape_cast %get3A_379 : vector<1x16xf32> to vector<16xf32>
      %add3A_381 = arith.addf %get3A_375, %get3A_380 : vector<16xf32>
      %swap3A_382 = arith.constant 13 : i32
      %swap3A_383 = arith.index_cast %swap3A_382 : i32 to index
      %swap3A_384 = arith.index_cast %mul3A_151 : i32 to index
      %swap3A_385 = tpu.vector_load %arg6[%swap3A_383, %swap3A_384] {strides = array<i32>} : memref<16x1024xf32, #tpu.memory_space<vmem>>, vector<1x16xf32>,
      %swap3A_386 = vector.shape_cast %swap3A_385 : vector<1x16xf32> to vector<16xf32>
      %swap3A_387 = vector.shape_cast %add3A_381 : vector<16xf32> to vector<1x16xf32>
      tpu.vector_store %arg6[%swap3A_383, %swap3A_384], %swap3A_387 {strides = array<i32>} : memref<16x1024xf32, #tpu.memory_space<vmem>>, vector<1x16xf32>,
      %get3A_388 = arith.constant 14 : i32
      %get3A_389 = arith.index_cast %get3A_388 : i32 to index
      %get3A_390 = arith.index_cast %mul3A_151 : i32 to index
      %get3A_391 = tpu.vector_load %arg6[%get3A_389, %get3A_390] {strides = array<i32>} : memref<16x1024xf32, #tpu.memory_space<vmem>>, vector<1x16xf32>,
      %get3A_392 = vector.shape_cast %get3A_391 : vector<1x16xf32> to vector<16xf32>
      %get3A_393 = arith.constant 14 : i32
      %get3A_394 = arith.index_cast %get3A_393 : i32 to index
      %get3A_395 = arith.index_cast %mul3A_151 : i32 to index
      %get3A_396 = tpu.vector_load %arg8[%get3A_394, %get3A_395] {strides = array<i32>} : memref<16x1024xf32, #tpu.memory_space<vmem>>, vector<1x16xf32>,
      %get3A_397 = vector.shape_cast %get3A_396 : vector<1x16xf32> to vector<16xf32>
      %add3A_398 = arith.addf %get3A_392, %get3A_397 : vector<16xf32>
      %swap3A_399 = arith.constant 14 : i32
      %swap3A_400 = arith.index_cast %swap3A_399 : i32 to index
      %swap3A_401 = arith.index_cast %mul3A_151 : i32 to index
      %swap3A_402 = tpu.vector_load %arg6[%swap3A_400, %swap3A_401] {strides = array<i32>} : memref<16x1024xf32, #tpu.memory_space<vmem>>, vector<1x16xf32>,
      %swap3A_403 = vector.shape_cast %swap3A_402 : vector<1x16xf32> to vector<16xf32>
      %swap3A_404 = vector.shape_cast %add3A_398 : vector<16xf32> to vector<1x16xf32>
      tpu.vector_store %arg6[%swap3A_400, %swap3A_401], %swap3A_404 {strides = array<i32>} : memref<16x1024xf32, #tpu.memory_space<vmem>>, vector<1x16xf32>,
      %get3A_405 = arith.constant 15 : i32
      %get3A_406 = arith.index_cast %get3A_405 : i32 to index
      %get3A_407 = arith.index_cast %mul3A_151 : i32 to index
      %get3A_408 = tpu.vector_load %arg6[%get3A_406, %get3A_407] {strides = array<i32>} : memref<16x1024xf32, #tpu.memory_space<vmem>>, vector<1x16xf32>,
      %get3A_409 = vector.shape_cast %get3A_408 : vector<1x16xf32> to vector<16xf32>
      %get3A_410 = arith.constant 15 : i32
      %get3A_411 = arith.index_cast %get3A_410 : i32 to index
      %get3A_412 = arith.index_cast %mul3A_151 : i32 to index
      %get3A_413 = tpu.vector_load %arg8[%get3A_411, %get3A_412] {strides = array<i32>} : memref<16x1024xf32, #tpu.memory_space<vmem>>, vector<1x16xf32>,
      %get3A_414 = vector.shape_cast %get3A_413 : vector<1x16xf32> to vector<16xf32>
      %add3A_415 = arith.addf %get3A_409, %get3A_414 : vector<16xf32>
      %swap3A_416 = arith.constant 15 : i32
      %swap3A_417 = arith.index_cast %swap3A_416 : i32 to index
      %swap3A_418 = arith.index_cast %mul3A_151 : i32 to index
      %swap3A_419 = tpu.vector_load %arg6[%swap3A_417, %swap3A_418] {strides = array<i32>} : memref<16x1024xf32, #tpu.memory_space<vmem>>, vector<1x16xf32>,
      %swap3A_420 = vector.shape_cast %swap3A_419 : vector<1x16xf32> to vector<16xf32>
      %swap3A_421 = vector.shape_cast %add3A_415 : vector<16xf32> to vector<1x16xf32>
      tpu.vector_store %arg6[%swap3A_417, %swap3A_418], %swap3A_421 {strides = array<i32>} : memref<16x1024xf32, #tpu.memory_space<vmem>>, vector<1x16xf32>,
      %scan3A_422 = arith.constant 0 : i32
      scf.yield %scan3A_422 : i32
    }
    %scan3A_110 = arith.constant 64 : i32
    %add3A_111 = arith.constant 32 : i32
    %add3A_112 = arith.addi %mul3A_2, %add3A_111 : i32
    %dma_start3A_113 = arith.constant 0 : i32
    %dma_start3A_114 = tpu.memref_slice %arg5[%add3A_112, %dma_start3A_113] : memref<2048x1024xf32, #tpu.memory_space<hbm>> -> memref<16x1024xf32, #tpu.memory_space<hbm>>
    %dma_start3A_115 = arith.constant 0 : i32
    %dma_start3A_116 = tpu.memref_slice %arg5[%add3A_112, %dma_start3A_115] : memref<2048x1024xf32, #tpu.memory_space<hbm>> -> memref<16x1024xf32, #tpu.memory_space<hbm>>
    tpu.enqueue_dma source(%arg6 : memref<16x1024xf32, #tpu.memory_space<vmem>>) target(%dma_start3A_116 : memref<16x1024xf32, #tpu.memory_space<hbm>>) target_semaphore(%arg16 : memref<!tpu.dma_semaphore, #tpu.memory_space<semaphore_mem>>)
    %dma_wait3A_117 = arith.constant 48 : i32
    %dma_wait3A_118 = tpu.memref_slice %arg10[%dma_wait3A_117] : memref<64xi32, #tpu.memory_space<vmem>> -> memref<16xi32, #tpu.memory_space<vmem>>
    %dma_wait3A_119 = arith.constant 0 : i32
    %dma_wait3A_120 = arith.constant 0 : i32
    %dma_wait3A_121 = tpu.memref_slice %arg2[%dma_wait3A_119, %dma_wait3A_120] : memref<4096x1024xf32, #tpu.memory_space<hbm>> -> memref<4096x1024xf32, #tpu.memory_space<hbm>>
    tpu.wait_indirect_dma semaphore(%arg13 : memref<!tpu.dma_semaphore, #tpu.memory_space<semaphore_mem>>) src(%dma_wait3A_121 : memref<4096x1024xf32, #tpu.memory_space<hbm>>) dst(%arg7 : memref<16x1024xf32, #tpu.memory_space<vmem>>)
    %dma_wait3A_122 = arith.constant 48 : i32
    %dma_wait3A_123 = tpu.memref_slice %arg11[%dma_wait3A_122] : memref<64xi32, #tpu.memory_space<vmem>> -> memref<16xi32, #tpu.memory_space<vmem>>
    %dma_wait3A_124 = arith.constant 0 : i32
    %dma_wait3A_125 = arith.constant 0 : i32
    %dma_wait3A_126 = tpu.memref_slice %arg2[%dma_wait3A_124, %dma_wait3A_125] : memref<4096x1024xf32, #tpu.memory_space<hbm>> -> memref<4096x1024xf32, #tpu.memory_space<hbm>>
    tpu.wait_indirect_dma semaphore(%arg15 : memref<!tpu.dma_semaphore, #tpu.memory_space<semaphore_mem>>) src(%dma_wait3A_126 : memref<4096x1024xf32, #tpu.memory_space<hbm>>) dst(%arg9 : memref<16x1024xf32, #tpu.memory_space<vmem>>)
    %scan3A_127 = arith.constant 0 : i32
    %scan3A_128 = arith.constant 0 : i32
    %scan3A_129 = arith.constant 64 : i32
    %scan3A_130 = arith.addi %scan3A_128, %scan3A_129 : i32
    %scan3A_131 = arith.constant 1 : i32
    %scan3A_132 = scf.for %scan3A_148 = %scan3A_128 to %scan3A_130 step %scan3A_131 iter_args(%scan3A_149 = %scan3A_127) -> (i32)  : i32 {
      %mul3A_150 = arith.constant 16 : i32
      %mul3A_151 = arith.muli %scan3A_148, %mul3A_150 : i32
      %get3A = arith.constant 0 : i32
      %get3A_152 = arith.index_cast %get3A : i32 to index
      %get3A_153 = arith.index_cast %mul3A_151 : i32 to index
      %get3A_154 = tpu.vector_load %arg7[%get3A_152, %get3A_153] {strides = array<i32>} : memref<16x1024xf32, #tpu.memory_space<vmem>>, vector<1x16xf32>,
      %get3A_155 = vector.shape_cast %get3A_154 : vector<1x16xf32> to vector<16xf32>
      %get3A_156 = arith.constant 0 : i32
      %get3A_157 = arith.index_cast %get3A_156 : i32 to index
      %get3A_158 = arith.index_cast %mul3A_151 : i32 to index
      %get3A_159 = tpu.vector_load %arg9[%get3A_157, %get3A_158] {strides = array<i32>} : memref<16x1024xf32, #tpu.memory_space<vmem>>, vector<1x16xf32>,
      %get3A_160 = vector.shape_cast %get3A_159 : vector<1x16xf32> to vector<16xf32>
      %add3A_161 = arith.addf %get3A_155, %get3A_160 : vector<16xf32>
      %swap3A = arith.constant 0 : i32
      %swap3A_162 = arith.index_cast %swap3A : i32 to index
      %swap3A_163 = arith.index_cast %mul3A_151 : i32 to index
      %swap3A_164 = tpu.vector_load %arg7[%swap3A_162, %swap3A_163] {strides = array<i32>} : memref<16x1024xf32, #tpu.memory_space<vmem>>, vector<1x16xf32>,
      %swap3A_165 = vector.shape_cast %swap3A_164 : vector<1x16xf32> to vector<16xf32>
      %swap3A_166 = vector.shape_cast %add3A_161 : vector<16xf32> to vector<1x16xf32>
      tpu.vector_store %arg7[%swap3A_162, %swap3A_163], %swap3A_166 {strides = array<i32>} : memref<16x1024xf32, #tpu.memory_space<vmem>>, vector<1x16xf32>,
      %get3A_167 = arith.constant 1 : i32
      %get3A_168 = arith.index_cast %get3A_167 : i32 to index
      %get3A_169 = arith.index_cast %mul3A_151 : i32 to index
      %get3A_170 = tpu.vector_load %arg7[%get3A_168, %get3A_169] {strides = array<i32>} : memref<16x1024xf32, #tpu.memory_space<vmem>>, vector<1x16xf32>,
      %get3A_171 = vector.shape_cast %get3A_170 : vector<1x16xf32> to vector<16xf32>
      %get3A_172 = arith.constant 1 : i32
      %get3A_173 = arith.index_cast %get3A_172 : i32 to index
      %get3A_174 = arith.index_cast %mul3A_151 : i32 to index
      %get3A_175 = tpu.vector_load %arg9[%get3A_173, %get3A_174] {strides = array<i32>} : memref<16x1024xf32, #tpu.memory_space<vmem>>, vector<1x16xf32>,
      %get3A_176 = vector.shape_cast %get3A_175 : vector<1x16xf32> to vector<16xf32>
      %add3A_177 = arith.addf %get3A_171, %get3A_176 : vector<16xf32>
      %swap3A_178 = arith.constant 1 : i32
      %swap3A_179 = arith.index_cast %swap3A_178 : i32 to index
      %swap3A_180 = arith.index_cast %mul3A_151 : i32 to index
      %swap3A_181 = tpu.vector_load %arg7[%swap3A_179, %swap3A_180] {strides = array<i32>} : memref<16x1024xf32, #tpu.memory_space<vmem>>, vector<1x16xf32>,
      %swap3A_182 = vector.shape_cast %swap3A_181 : vector<1x16xf32> to vector<16xf32>
      %swap3A_183 = vector.shape_cast %add3A_177 : vector<16xf32> to vector<1x16xf32>
      tpu.vector_store %arg7[%swap3A_179, %swap3A_180], %swap3A_183 {strides = array<i32>} : memref<16x1024xf32, #tpu.memory_space<vmem>>, vector<1x16xf32>,
      %get3A_184 = arith.constant 2 : i32
      %get3A_185 = arith.index_cast %get3A_184 : i32 to index
      %get3A_186 = arith.index_cast %mul3A_151 : i32 to index
      %get3A_187 = tpu.vector_load %arg7[%get3A_185, %get3A_186] {strides = array<i32>} : memref<16x1024xf32, #tpu.memory_space<vmem>>, vector<1x16xf32>,
      %get3A_188 = vector.shape_cast %get3A_187 : vector<1x16xf32> to vector<16xf32>
      %get3A_189 = arith.constant 2 : i32
      %get3A_190 = arith.index_cast %get3A_189 : i32 to index
      %get3A_191 = arith.index_cast %mul3A_151 : i32 to index
      %get3A_192 = tpu.vector_load %arg9[%get3A_190, %get3A_191] {strides = array<i32>} : memref<16x1024xf32, #tpu.memory_space<vmem>>, vector<1x16xf32>,
      %get3A_193 = vector.shape_cast %get3A_192 : vector<1x16xf32> to vector<16xf32>
      %add3A_194 = arith.addf %get3A_188, %get3A_193 : vector<16xf32>
      %swap3A_195 = arith.constant 2 : i32
      %swap3A_196 = arith.index_cast %swap3A_195 : i32 to index
      %swap3A_197 = arith.index_cast %mul3A_151 : i32 to index
      %swap3A_198 = tpu.vector_load %arg7[%swap3A_196, %swap3A_197] {strides = array<i32>} : memref<16x1024xf32, #tpu.memory_space<vmem>>, vector<1x16xf32>,
      %swap3A_199 = vector.shape_cast %swap3A_198 : vector<1x16xf32> to vector<16xf32>
      %swap3A_200 = vector.shape_cast %add3A_194 : vector<16xf32> to vector<1x16xf32>
      tpu.vector_store %arg7[%swap3A_196, %swap3A_197], %swap3A_200 {strides = array<i32>} : memref<16x1024xf32, #tpu.memory_space<vmem>>, vector<1x16xf32>,
      %get3A_201 = arith.constant 3 : i32
      %get3A_202 = arith.index_cast %get3A_201 : i32 to index
      %get3A_203 = arith.index_cast %mul3A_151 : i32 to index
      %get3A_204 = tpu.vector_load %arg7[%get3A_202, %get3A_203] {strides = array<i32>} : memref<16x1024xf32, #tpu.memory_space<vmem>>, vector<1x16xf32>,
      %get3A_205 = vector.shape_cast %get3A_204 : vector<1x16xf32> to vector<16xf32>
      %get3A_206 = arith.constant 3 : i32
      %get3A_207 = arith.index_cast %get3A_206 : i32 to index
      %get3A_208 = arith.index_cast %mul3A_151 : i32 to index
      %get3A_209 = tpu.vector_load %arg9[%get3A_207, %get3A_208] {strides = array<i32>} : memref<16x1024xf32, #tpu.memory_space<vmem>>, vector<1x16xf32>,
      %get3A_210 = vector.shape_cast %get3A_209 : vector<1x16xf32> to vector<16xf32>
      %add3A_211 = arith.addf %get3A_205, %get3A_210 : vector<16xf32>
      %swap3A_212 = arith.constant 3 : i32
      %swap3A_213 = arith.index_cast %swap3A_212 : i32 to index
      %swap3A_214 = arith.index_cast %mul3A_151 : i32 to index
      %swap3A_215 = tpu.vector_load %arg7[%swap3A_213, %swap3A_214] {strides = array<i32>} : memref<16x1024xf32, #tpu.memory_space<vmem>>, vector<1x16xf32>,
      %swap3A_216 = vector.shape_cast %swap3A_215 : vector<1x16xf32> to vector<16xf32>
      %swap3A_217 = vector.shape_cast %add3A_211 : vector<16xf32> to vector<1x16xf32>
      tpu.vector_store %arg7[%swap3A_213, %swap3A_214], %swap3A_217 {strides = array<i32>} : memref<16x1024xf32, #tpu.memory_space<vmem>>, vector<1x16xf32>,
      %get3A_218 = arith.constant 4 : i32
      %get3A_219 = arith.index_cast %get3A_218 : i32 to index
      %get3A_220 = arith.index_cast %mul3A_151 : i32 to index
      %get3A_221 = tpu.vector_load %arg7[%get3A_219, %get3A_220] {strides = array<i32>} : memref<16x1024xf32, #tpu.memory_space<vmem>>, vector<1x16xf32>,
      %get3A_222 = vector.shape_cast %get3A_221 : vector<1x16xf32> to vector<16xf32>
      %get3A_223 = arith.constant 4 : i32
      %get3A_224 = arith.index_cast %get3A_223 : i32 to index
      %get3A_225 = arith.index_cast %mul3A_151 : i32 to index
      %get3A_226 = tpu.vector_load %arg9[%get3A_224, %get3A_225] {strides = array<i32>} : memref<16x1024xf32, #tpu.memory_space<vmem>>, vector<1x16xf32>,
      %get3A_227 = vector.shape_cast %get3A_226 : vector<1x16xf32> to vector<16xf32>
      %add3A_228 = arith.addf %get3A_222, %get3A_227 : vector<16xf32>
      %swap3A_229 = arith.constant 4 : i32
      %swap3A_230 = arith.index_cast %swap3A_229 : i32 to index
      %swap3A_231 = arith.index_cast %mul3A_151 : i32 to index
      %swap3A_232 = tpu.vector_load %arg7[%swap3A_230, %swap3A_231] {strides = array<i32>} : memref<16x1024xf32, #tpu.memory_space<vmem>>, vector<1x16xf32>,
      %swap3A_233 = vector.shape_cast %swap3A_232 : vector<1x16xf32> to vector<16xf32>
      %swap3A_234 = vector.shape_cast %add3A_228 : vector<16xf32> to vector<1x16xf32>
      tpu.vector_store %arg7[%swap3A_230, %swap3A_231], %swap3A_234 {strides = array<i32>} : memref<16x1024xf32, #tpu.memory_space<vmem>>, vector<1x16xf32>,
      %get3A_235 = arith.constant 5 : i32
      %get3A_236 = arith.index_cast %get3A_235 : i32 to index
      %get3A_237 = arith.index_cast %mul3A_151 : i32 to index
      %get3A_238 = tpu.vector_load %arg7[%get3A_236, %get3A_237] {strides = array<i32>} : memref<16x1024xf32, #tpu.memory_space<vmem>>, vector<1x16xf32>,
      %get3A_239 = vector.shape_cast %get3A_238 : vector<1x16xf32> to vector<16xf32>
      %get3A_240 = arith.constant 5 : i32
      %get3A_241 = arith.index_cast %get3A_240 : i32 to index
      %get3A_242 = arith.index_cast %mul3A_151 : i32 to index
      %get3A_243 = tpu.vector_load %arg9[%get3A_241, %get3A_242] {strides = array<i32>} : memref<16x1024xf32, #tpu.memory_space<vmem>>, vector<1x16xf32>,
      %get3A_244 = vector.shape_cast %get3A_243 : vector<1x16xf32> to vector<16xf32>
      %add3A_245 = arith.addf %get3A_239, %get3A_244 : vector<16xf32>
      %swap3A_246 = arith.constant 5 : i32
      %swap3A_247 = arith.index_cast %swap3A_246 : i32 to index
      %swap3A_248 = arith.index_cast %mul3A_151 : i32 to index
      %swap3A_249 = tpu.vector_load %arg7[%swap3A_247, %swap3A_248] {strides = array<i32>} : memref<16x1024xf32, #tpu.memory_space<vmem>>, vector<1x16xf32>,
      %swap3A_250 = vector.shape_cast %swap3A_249 : vector<1x16xf32> to vector<16xf32>
      %swap3A_251 = vector.shape_cast %add3A_245 : vector<16xf32> to vector<1x16xf32>
      tpu.vector_store %arg7[%swap3A_247, %swap3A_248], %swap3A_251 {strides = array<i32>} : memref<16x1024xf32, #tpu.memory_space<vmem>>, vector<1x16xf32>,
      %get3A_252 = arith.constant 6 : i32
      %get3A_253 = arith.index_cast %get3A_252 : i32 to index
      %get3A_254 = arith.index_cast %mul3A_151 : i32 to index
      %get3A_255 = tpu.vector_load %arg7[%get3A_253, %get3A_254] {strides = array<i32>} : memref<16x1024xf32, #tpu.memory_space<vmem>>, vector<1x16xf32>,
      %get3A_256 = vector.shape_cast %get3A_255 : vector<1x16xf32> to vector<16xf32>
      %get3A_257 = arith.constant 6 : i32
      %get3A_258 = arith.index_cast %get3A_257 : i32 to index
      %get3A_259 = arith.index_cast %mul3A_151 : i32 to index
      %get3A_260 = tpu.vector_load %arg9[%get3A_258, %get3A_259] {strides = array<i32>} : memref<16x1024xf32, #tpu.memory_space<vmem>>, vector<1x16xf32>,
      %get3A_261 = vector.shape_cast %get3A_260 : vector<1x16xf32> to vector<16xf32>
      %add3A_262 = arith.addf %get3A_256, %get3A_261 : vector<16xf32>
      %swap3A_263 = arith.constant 6 : i32
      %swap3A_264 = arith.index_cast %swap3A_263 : i32 to index
      %swap3A_265 = arith.index_cast %mul3A_151 : i32 to index
      %swap3A_266 = tpu.vector_load %arg7[%swap3A_264, %swap3A_265] {strides = array<i32>} : memref<16x1024xf32, #tpu.memory_space<vmem>>, vector<1x16xf32>,
      %swap3A_267 = vector.shape_cast %swap3A_266 : vector<1x16xf32> to vector<16xf32>
      %swap3A_268 = vector.shape_cast %add3A_262 : vector<16xf32> to vector<1x16xf32>
      tpu.vector_store %arg7[%swap3A_264, %swap3A_265], %swap3A_268 {strides = array<i32>} : memref<16x1024xf32, #tpu.memory_space<vmem>>, vector<1x16xf32>,
      %get3A_269 = arith.constant 7 : i32
      %get3A_270 = arith.index_cast %get3A_269 : i32 to index
      %get3A_271 = arith.index_cast %mul3A_151 : i32 to index
      %get3A_272 = tpu.vector_load %arg7[%get3A_270, %get3A_271] {strides = array<i32>} : memref<16x1024xf32, #tpu.memory_space<vmem>>, vector<1x16xf32>,
      %get3A_273 = vector.shape_cast %get3A_272 : vector<1x16xf32> to vector<16xf32>
      %get3A_274 = arith.constant 7 : i32
      %get3A_275 = arith.index_cast %get3A_274 : i32 to index
      %get3A_276 = arith.index_cast %mul3A_151 : i32 to index
      %get3A_277 = tpu.vector_load %arg9[%get3A_275, %get3A_276] {strides = array<i32>} : memref<16x1024xf32, #tpu.memory_space<vmem>>, vector<1x16xf32>,
      %get3A_278 = vector.shape_cast %get3A_277 : vector<1x16xf32> to vector<16xf32>
      %add3A_279 = arith.addf %get3A_273, %get3A_278 : vector<16xf32>
      %swap3A_280 = arith.constant 7 : i32
      %swap3A_281 = arith.index_cast %swap3A_280 : i32 to index
      %swap3A_282 = arith.index_cast %mul3A_151 : i32 to index
      %swap3A_283 = tpu.vector_load %arg7[%swap3A_281, %swap3A_282] {strides = array<i32>} : memref<16x1024xf32, #tpu.memory_space<vmem>>, vector<1x16xf32>,
      %swap3A_284 = vector.shape_cast %swap3A_283 : vector<1x16xf32> to vector<16xf32>
      %swap3A_285 = vector.shape_cast %add3A_279 : vector<16xf32> to vector<1x16xf32>
      tpu.vector_store %arg7[%swap3A_281, %swap3A_282], %swap3A_285 {strides = array<i32>} : memref<16x1024xf32, #tpu.memory_space<vmem>>, vector<1x16xf32>,
      %get3A_286 = arith.constant 8 : i32
      %get3A_287 = arith.index_cast %get3A_286 : i32 to index
      %get3A_288 = arith.index_cast %mul3A_151 : i32 to index
      %get3A_289 = tpu.vector_load %arg7[%get3A_287, %get3A_288] {strides = array<i32>} : memref<16x1024xf32, #tpu.memory_space<vmem>>, vector<1x16xf32>,
      %get3A_290 = vector.shape_cast %get3A_289 : vector<1x16xf32> to vector<16xf32>
      %get3A_291 = arith.constant 8 : i32
      %get3A_292 = arith.index_cast %get3A_291 : i32 to index
      %get3A_293 = arith.index_cast %mul3A_151 : i32 to index
      %get3A_294 = tpu.vector_load %arg9[%get3A_292, %get3A_293] {strides = array<i32>} : memref<16x1024xf32, #tpu.memory_space<vmem>>, vector<1x16xf32>,
      %get3A_295 = vector.shape_cast %get3A_294 : vector<1x16xf32> to vector<16xf32>
      %add3A_296 = arith.addf %get3A_290, %get3A_295 : vector<16xf32>
      %swap3A_297 = arith.constant 8 : i32
      %swap3A_298 = arith.index_cast %swap3A_297 : i32 to index
      %swap3A_299 = arith.index_cast %mul3A_151 : i32 to index
      %swap3A_300 = tpu.vector_load %arg7[%swap3A_298, %swap3A_299] {strides = array<i32>} : memref<16x1024xf32, #tpu.memory_space<vmem>>, vector<1x16xf32>,
      %swap3A_301 = vector.shape_cast %swap3A_300 : vector<1x16xf32> to vector<16xf32>
      %swap3A_302 = vector.shape_cast %add3A_296 : vector<16xf32> to vector<1x16xf32>
      tpu.vector_store %arg7[%swap3A_298, %swap3A_299], %swap3A_302 {strides = array<i32>} : memref<16x1024xf32, #tpu.memory_space<vmem>>, vector<1x16xf32>,
      %get3A_303 = arith.constant 9 : i32
      %get3A_304 = arith.index_cast %get3A_303 : i32 to index
      %get3A_305 = arith.index_cast %mul3A_151 : i32 to index
      %get3A_306 = tpu.vector_load %arg7[%get3A_304, %get3A_305] {strides = array<i32>} : memref<16x1024xf32, #tpu.memory_space<vmem>>, vector<1x16xf32>,
      %get3A_307 = vector.shape_cast %get3A_306 : vector<1x16xf32> to vector<16xf32>
      %get3A_308 = arith.constant 9 : i32
      %get3A_309 = arith.index_cast %get3A_308 : i32 to index
      %get3A_310 = arith.index_cast %mul3A_151 : i32 to index
      %get3A_311 = tpu.vector_load %arg9[%get3A_309, %get3A_310] {strides = array<i32>} : memref<16x1024xf32, #tpu.memory_space<vmem>>, vector<1x16xf32>,
      %get3A_312 = vector.shape_cast %get3A_311 : vector<1x16xf32> to vector<16xf32>
      %add3A_313 = arith.addf %get3A_307, %get3A_312 : vector<16xf32>
      %swap3A_314 = arith.constant 9 : i32
      %swap3A_315 = arith.index_cast %swap3A_314 : i32 to index
      %swap3A_316 = arith.index_cast %mul3A_151 : i32 to index
      %swap3A_317 = tpu.vector_load %arg7[%swap3A_315, %swap3A_316] {strides = array<i32>} : memref<16x1024xf32, #tpu.memory_space<vmem>>, vector<1x16xf32>,
      %swap3A_318 = vector.shape_cast %swap3A_317 : vector<1x16xf32> to vector<16xf32>
      %swap3A_319 = vector.shape_cast %add3A_313 : vector<16xf32> to vector<1x16xf32>
      tpu.vector_store %arg7[%swap3A_315, %swap3A_316], %swap3A_319 {strides = array<i32>} : memref<16x1024xf32, #tpu.memory_space<vmem>>, vector<1x16xf32>,
      %get3A_320 = arith.constant 10 : i32
      %get3A_321 = arith.index_cast %get3A_320 : i32 to index
      %get3A_322 = arith.index_cast %mul3A_151 : i32 to index
      %get3A_323 = tpu.vector_load %arg7[%get3A_321, %get3A_322] {strides = array<i32>} : memref<16x1024xf32, #tpu.memory_space<vmem>>, vector<1x16xf32>,
      %get3A_324 = vector.shape_cast %get3A_323 : vector<1x16xf32> to vector<16xf32>
      %get3A_325 = arith.constant 10 : i32
      %get3A_326 = arith.index_cast %get3A_325 : i32 to index
      %get3A_327 = arith.index_cast %mul3A_151 : i32 to index
      %get3A_328 = tpu.vector_load %arg9[%get3A_326, %get3A_327] {strides = array<i32>} : memref<16x1024xf32, #tpu.memory_space<vmem>>, vector<1x16xf32>,
      %get3A_329 = vector.shape_cast %get3A_328 : vector<1x16xf32> to vector<16xf32>
      %add3A_330 = arith.addf %get3A_324, %get3A_329 : vector<16xf32>
      %swap3A_331 = arith.constant 10 : i32
      %swap3A_332 = arith.index_cast %swap3A_331 : i32 to index
      %swap3A_333 = arith.index_cast %mul3A_151 : i32 to index
      %swap3A_334 = tpu.vector_load %arg7[%swap3A_332, %swap3A_333] {strides = array<i32>} : memref<16x1024xf32, #tpu.memory_space<vmem>>, vector<1x16xf32>,
      %swap3A_335 = vector.shape_cast %swap3A_334 : vector<1x16xf32> to vector<16xf32>
      %swap3A_336 = vector.shape_cast %add3A_330 : vector<16xf32> to vector<1x16xf32>
      tpu.vector_store %arg7[%swap3A_332, %swap3A_333], %swap3A_336 {strides = array<i32>} : memref<16x1024xf32, #tpu.memory_space<vmem>>, vector<1x16xf32>,
      %get3A_337 = arith.constant 11 : i32
      %get3A_338 = arith.index_cast %get3A_337 : i32 to index
      %get3A_339 = arith.index_cast %mul3A_151 : i32 to index
      %get3A_340 = tpu.vector_load %arg7[%get3A_338, %get3A_339] {strides = array<i32>} : memref<16x1024xf32, #tpu.memory_space<vmem>>, vector<1x16xf32>,
      %get3A_341 = vector.shape_cast %get3A_340 : vector<1x16xf32> to vector<16xf32>
      %get3A_342 = arith.constant 11 : i32
      %get3A_343 = arith.index_cast %get3A_342 : i32 to index
      %get3A_344 = arith.index_cast %mul3A_151 : i32 to index
      %get3A_345 = tpu.vector_load %arg9[%get3A_343, %get3A_344] {strides = array<i32>} : memref<16x1024xf32, #tpu.memory_space<vmem>>, vector<1x16xf32>,
      %get3A_346 = vector.shape_cast %get3A_345 : vector<1x16xf32> to vector<16xf32>
      %add3A_347 = arith.addf %get3A_341, %get3A_346 : vector<16xf32>
      %swap3A_348 = arith.constant 11 : i32
      %swap3A_349 = arith.index_cast %swap3A_348 : i32 to index
      %swap3A_350 = arith.index_cast %mul3A_151 : i32 to index
      %swap3A_351 = tpu.vector_load %arg7[%swap3A_349, %swap3A_350] {strides = array<i32>} : memref<16x1024xf32, #tpu.memory_space<vmem>>, vector<1x16xf32>,
      %swap3A_352 = vector.shape_cast %swap3A_351 : vector<1x16xf32> to vector<16xf32>
      %swap3A_353 = vector.shape_cast %add3A_347 : vector<16xf32> to vector<1x16xf32>
      tpu.vector_store %arg7[%swap3A_349, %swap3A_350], %swap3A_353 {strides = array<i32>} : memref<16x1024xf32, #tpu.memory_space<vmem>>, vector<1x16xf32>,
      %get3A_354 = arith.constant 12 : i32
      %get3A_355 = arith.index_cast %get3A_354 : i32 to index
      %get3A_356 = arith.index_cast %mul3A_151 : i32 to index
      %get3A_357 = tpu.vector_load %arg7[%get3A_355, %get3A_356] {strides = array<i32>} : memref<16x1024xf32, #tpu.memory_space<vmem>>, vector<1x16xf32>,
      %get3A_358 = vector.shape_cast %get3A_357 : vector<1x16xf32> to vector<16xf32>
      %get3A_359 = arith.constant 12 : i32
      %get3A_360 = arith.index_cast %get3A_359 : i32 to index
      %get3A_361 = arith.index_cast %mul3A_151 : i32 to index
      %get3A_362 = tpu.vector_load %arg9[%get3A_360, %get3A_361] {strides = array<i32>} : memref<16x1024xf32, #tpu.memory_space<vmem>>, vector<1x16xf32>,
      %get3A_363 = vector.shape_cast %get3A_362 : vector<1x16xf32> to vector<16xf32>
      %add3A_364 = arith.addf %get3A_358, %get3A_363 : vector<16xf32>
      %swap3A_365 = arith.constant 12 : i32
      %swap3A_366 = arith.index_cast %swap3A_365 : i32 to index
      %swap3A_367 = arith.index_cast %mul3A_151 : i32 to index
      %swap3A_368 = tpu.vector_load %arg7[%swap3A_366, %swap3A_367] {strides = array<i32>} : memref<16x1024xf32, #tpu.memory_space<vmem>>, vector<1x16xf32>,
      %swap3A_369 = vector.shape_cast %swap3A_368 : vector<1x16xf32> to vector<16xf32>
      %swap3A_370 = vector.shape_cast %add3A_364 : vector<16xf32> to vector<1x16xf32>
      tpu.vector_store %arg7[%swap3A_366, %swap3A_367], %swap3A_370 {strides = array<i32>} : memref<16x1024xf32, #tpu.memory_space<vmem>>, vector<1x16xf32>,
      %get3A_371 = arith.constant 13 : i32
      %get3A_372 = arith.index_cast %get3A_371 : i32 to index
      %get3A_373 = arith.index_cast %mul3A_151 : i32 to index
      %get3A_374 = tpu.vector_load %arg7[%get3A_372, %get3A_373] {strides = array<i32>} : memref<16x1024xf32, #tpu.memory_space<vmem>>, vector<1x16xf32>,
      %get3A_375 = vector.shape_cast %get3A_374 : vector<1x16xf32> to vector<16xf32>
      %get3A_376 = arith.constant 13 : i32
      %get3A_377 = arith.index_cast %get3A_376 : i32 to index
      %get3A_378 = arith.index_cast %mul3A_151 : i32 to index
      %get3A_379 = tpu.vector_load %arg9[%get3A_377, %get3A_378] {strides = array<i32>} : memref<16x1024xf32, #tpu.memory_space<vmem>>, vector<1x16xf32>,
      %get3A_380 = vector.shape_cast %get3A_379 : vector<1x16xf32> to vector<16xf32>
      %add3A_381 = arith.addf %get3A_375, %get3A_380 : vector<16xf32>
      %swap3A_382 = arith.constant 13 : i32
      %swap3A_383 = arith.index_cast %swap3A_382 : i32 to index
      %swap3A_384 = arith.index_cast %mul3A_151 : i32 to index
      %swap3A_385 = tpu.vector_load %arg7[%swap3A_383, %swap3A_384] {strides = array<i32>} : memref<16x1024xf32, #tpu.memory_space<vmem>>, vector<1x16xf32>,
      %swap3A_386 = vector.shape_cast %swap3A_385 : vector<1x16xf32> to vector<16xf32>
      %swap3A_387 = vector.shape_cast %add3A_381 : vector<16xf32> to vector<1x16xf32>
      tpu.vector_store %arg7[%swap3A_383, %swap3A_384], %swap3A_387 {strides = array<i32>} : memref<16x1024xf32, #tpu.memory_space<vmem>>, vector<1x16xf32>,
      %get3A_388 = arith.constant 14 : i32
      %get3A_389 = arith.index_cast %get3A_388 : i32 to index
      %get3A_390 = arith.index_cast %mul3A_151 : i32 to index
      %get3A_391 = tpu.vector_load %arg7[%get3A_389, %get3A_390] {strides = array<i32>} : memref<16x1024xf32, #tpu.memory_space<vmem>>, vector<1x16xf32>,
      %get3A_392 = vector.shape_cast %get3A_391 : vector<1x16xf32> to vector<16xf32>
      %get3A_393 = arith.constant 14 : i32
      %get3A_394 = arith.index_cast %get3A_393 : i32 to index
      %get3A_395 = arith.index_cast %mul3A_151 : i32 to index
      %get3A_396 = tpu.vector_load %arg9[%get3A_394, %get3A_395] {strides = array<i32>} : memref<16x1024xf32, #tpu.memory_space<vmem>>, vector<1x16xf32>,
      %get3A_397 = vector.shape_cast %get3A_396 : vector<1x16xf32> to vector<16xf32>
      %add3A_398 = arith.addf %get3A_392, %get3A_397 : vector<16xf32>
      %swap3A_399 = arith.constant 14 : i32
      %swap3A_400 = arith.index_cast %swap3A_399 : i32 to index
      %swap3A_401 = arith.index_cast %mul3A_151 : i32 to index
      %swap3A_402 = tpu.vector_load %arg7[%swap3A_400, %swap3A_401] {strides = array<i32>} : memref<16x1024xf32, #tpu.memory_space<vmem>>, vector<1x16xf32>,
      %swap3A_403 = vector.shape_cast %swap3A_402 : vector<1x16xf32> to vector<16xf32>
      %swap3A_404 = vector.shape_cast %add3A_398 : vector<16xf32> to vector<1x16xf32>
      tpu.vector_store %arg7[%swap3A_400, %swap3A_401], %swap3A_404 {strides = array<i32>} : memref<16x1024xf32, #tpu.memory_space<vmem>>, vector<1x16xf32>,
      %get3A_405 = arith.constant 15 : i32
      %get3A_406 = arith.index_cast %get3A_405 : i32 to index
      %get3A_407 = arith.index_cast %mul3A_151 : i32 to index
      %get3A_408 = tpu.vector_load %arg7[%get3A_406, %get3A_407] {strides = array<i32>} : memref<16x1024xf32, #tpu.memory_space<vmem>>, vector<1x16xf32>,
      %get3A_409 = vector.shape_cast %get3A_408 : vector<1x16xf32> to vector<16xf32>
      %get3A_410 = arith.constant 15 : i32
      %get3A_411 = arith.index_cast %get3A_410 : i32 to index
      %get3A_412 = arith.index_cast %mul3A_151 : i32 to index
      %get3A_413 = tpu.vector_load %arg9[%get3A_411, %get3A_412] {strides = array<i32>} : memref<16x1024xf32, #tpu.memory_space<vmem>>, vector<1x16xf32>,
      %get3A_414 = vector.shape_cast %get3A_413 : vector<1x16xf32> to vector<16xf32>
      %add3A_415 = arith.addf %get3A_409, %get3A_414 : vector<16xf32>
      %swap3A_416 = arith.constant 15 : i32
      %swap3A_417 = arith.index_cast %swap3A_416 : i32 to index
      %swap3A_418 = arith.index_cast %mul3A_151 : i32 to index
      %swap3A_419 = tpu.vector_load %arg7[%swap3A_417, %swap3A_418] {strides = array<i32>} : memref<16x1024xf32, #tpu.memory_space<vmem>>, vector<1x16xf32>,
      %swap3A_420 = vector.shape_cast %swap3A_419 : vector<1x16xf32> to vector<16xf32>
      %swap3A_421 = vector.shape_cast %add3A_415 : vector<16xf32> to vector<1x16xf32>
      tpu.vector_store %arg7[%swap3A_417, %swap3A_418], %swap3A_421 {strides = array<i32>} : memref<16x1024xf32, #tpu.memory_space<vmem>>, vector<1x16xf32>,
      %scan3A_422 = arith.constant 0 : i32
      scf.yield %scan3A_422 : i32
    }
    %scan3A_133 = arith.constant 64 : i32
    %add3A_134 = arith.constant 48 : i32
    %add3A_135 = arith.addi %mul3A_2, %add3A_134 : i32
    %dma_start3A_136 = arith.constant 0 : i32
    %dma_start3A_137 = tpu.memref_slice %arg5[%add3A_135, %dma_start3A_136] : memref<2048x1024xf32, #tpu.memory_space<hbm>> -> memref<16x1024xf32, #tpu.memory_space<hbm>>
    %dma_start3A_138 = arith.constant 0 : i32
    %dma_start3A_139 = tpu.memref_slice %arg5[%add3A_135, %dma_start3A_138] : memref<2048x1024xf32, #tpu.memory_space<hbm>> -> memref<16x1024xf32, #tpu.memory_space<hbm>>
    tpu.enqueue_dma source(%arg7 : memref<16x1024xf32, #tpu.memory_space<vmem>>) target(%dma_start3A_139 : memref<16x1024xf32, #tpu.memory_space<hbm>>) target_semaphore(%arg17 : memref<!tpu.dma_semaphore, #tpu.memory_space<semaphore_mem>>)
    %dma_wait3A_140 = arith.constant 0 : i32
    %dma_wait3A_141 = tpu.memref_slice %arg5[%add3A_112, %dma_wait3A_140] : memref<2048x1024xf32, #tpu.memory_space<hbm>> -> memref<16x1024xf32, #tpu.memory_space<hbm>>
    %dma_wait3A_142 = arith.constant 0 : i32
    %dma_wait3A_143 = tpu.memref_slice %arg5[%add3A_112, %dma_wait3A_142] : memref<2048x1024xf32, #tpu.memory_space<hbm>> -> memref<16x1024xf32, #tpu.memory_space<hbm>>
    tpu.wait_dma2 semaphore(%arg16 : memref<!tpu.dma_semaphore, #tpu.memory_space<semaphore_mem>>) src(%arg6 : memref<16x1024xf32, #tpu.memory_space<vmem>>) dst(%dma_wait3A_143 : memref<16x1024xf32, #tpu.memory_space<hbm>>)
    %dma_wait3A_144 = arith.constant 0 : i32
    %dma_wait3A_145 = tpu.memref_slice %arg5[%add3A_135, %dma_wait3A_144] : memref<2048x1024xf32, #tpu.memory_space<hbm>> -> memref<16x1024xf32, #tpu.memory_space<hbm>>
    %dma_wait3A_146 = arith.constant 0 : i32
    %dma_wait3A_147 = tpu.memref_slice %arg5[%add3A_135, %dma_wait3A_146] : memref<2048x1024xf32, #tpu.memory_space<hbm>> -> memref<16x1024xf32, #tpu.memory_space<hbm>>
    tpu.wait_dma2 semaphore(%arg17 : memref<!tpu.dma_semaphore, #tpu.memory_space<semaphore_mem>>) src(%arg7 : memref<16x1024xf32, #tpu.memory_space<vmem>>) dst(%dma_wait3A_147 : memref<16x1024xf32, #tpu.memory_space<hbm>>)
    return
  }
}

#map = affine_map<(d0, d1) -> (0, 0)>
#map1 = affine_map<(d0, d1) -> (0)>
module attributes {stable_mosaic.version = 14 : i64} {
  func.func @_dispatch(%arg0: i32, %arg1: i32, %arg2: memref<2048x512xi32, #tpu.memory_space<hbm>>, %arg3: memref<2048xi32, #tpu.memory_space<hbm>>, %arg4: memref<2048xi32, #tpu.memory_space<hbm>>, %arg5: memref<2048x128xf32, #tpu.memory_space<hbm>>, %arg6: memref<2048x128xf32, #tpu.memory_space<hbm>>, %arg7: memref<4096x512xi32, #tpu.memory_space<hbm>>, %arg8: memref<4096x128xf32, #tpu.memory_space<hbm>>, %arg9: memref<64x512xi32, #tpu.memory_space<vmem>>, %arg10: memref<64x128xf32, #tpu.memory_space<vmem>>, %arg11: memref<64x128xf32, #tpu.memory_space<vmem>>, %arg12: memref<64xi32, #tpu.memory_space<vmem>>, %arg13: memref<64xi32, #tpu.memory_space<vmem>>, %arg14: memref<!tpu.dma_semaphore, #tpu.memory_space<semaphore_mem>>, %arg15: memref<!tpu.dma_semaphore, #tpu.memory_space<semaphore_mem>>, %arg16: memref<!tpu.dma_semaphore, #tpu.memory_space<semaphore_mem>>, %arg17: memref<!tpu.dma_semaphore, #tpu.memory_space<semaphore_mem>>, %arg18: memref<!tpu.dma_semaphore, #tpu.memory_space<semaphore_mem>>, %arg19: memref<!tpu.dma_semaphore, #tpu.memory_space<semaphore_mem>>, %arg20: memref<!tpu.dma_semaphore, #tpu.memory_space<semaphore_mem>>, %arg21: memref<!tpu.dma_semaphore, #tpu.memory_space<semaphore_mem>>, %arg22: memref<!tpu.dma_semaphore, #tpu.memory_space<semaphore_mem>>) attributes {dimension_semantics = [#tpu.dimension_semantics<core_parallel>, #tpu.dimension_semantics<subcore_parallel>], iteration_bounds = array<i64: 2, 16>, scalar_prefetch = 0 : i64, scratch_operands = 14 : i64, tpu.core_type = #tpu.core_type<sc_vector_subcore>, window_params = [{transform_indices = #map}, {transform_indices = #map1}, {transform_indices = #map1}, {transform_indices = #map}, {transform_indices = #map}, {transform_indices = #map}, {transform_indices = #map}]} {
    %mul3A = arith.constant 2 : i32
    %mul3A_0 = arith.muli %arg1, %mul3A : i32
    %add3A = arith.addi %mul3A_0, %arg0 : i32
    %mul3A_1 = arith.constant 64 : i32
    %mul3A_2 = arith.muli %add3A, %mul3A_1 : i32
    %dma_start3A = tpu.memref_slice %arg3[%mul3A_2] : memref<2048xi32, #tpu.memory_space<hbm>> -> memref<64xi32, #tpu.memory_space<hbm>>
    %dma_start3A_3 = tpu.memref_slice %arg3[%mul3A_2] : memref<2048xi32, #tpu.memory_space<hbm>> -> memref<64xi32, #tpu.memory_space<hbm>>
    tpu.enqueue_dma source(%dma_start3A_3 : memref<64xi32, #tpu.memory_space<hbm>>) target(%arg12 : memref<64xi32, #tpu.memory_space<vmem>>) target_semaphore(%arg14 : memref<!tpu.dma_semaphore, #tpu.memory_space<semaphore_mem>>)
    %dma_start3A_4 = tpu.memref_slice %arg4[%mul3A_2] : memref<2048xi32, #tpu.memory_space<hbm>> -> memref<64xi32, #tpu.memory_space<hbm>>
    %dma_start3A_5 = tpu.memref_slice %arg4[%mul3A_2] : memref<2048xi32, #tpu.memory_space<hbm>> -> memref<64xi32, #tpu.memory_space<hbm>>
    tpu.enqueue_dma source(%dma_start3A_5 : memref<64xi32, #tpu.memory_space<hbm>>) target(%arg13 : memref<64xi32, #tpu.memory_space<vmem>>) target_semaphore(%arg15 : memref<!tpu.dma_semaphore, #tpu.memory_space<semaphore_mem>>)
    %dma_start3A_6 = arith.constant 0 : i32
    %dma_start3A_7 = tpu.memref_slice %arg2[%mul3A_2, %dma_start3A_6] : memref<2048x512xi32, #tpu.memory_space<hbm>> -> memref<64x512xi32, #tpu.memory_space<hbm>>
    %dma_start3A_8 = arith.constant 0 : i32
    %dma_start3A_9 = tpu.memref_slice %arg2[%mul3A_2, %dma_start3A_8] : memref<2048x512xi32, #tpu.memory_space<hbm>> -> memref<64x512xi32, #tpu.memory_space<hbm>>
    tpu.enqueue_dma source(%dma_start3A_9 : memref<64x512xi32, #tpu.memory_space<hbm>>) target(%arg9 : memref<64x512xi32, #tpu.memory_space<vmem>>) target_semaphore(%arg16 : memref<!tpu.dma_semaphore, #tpu.memory_space<semaphore_mem>>)
    %dma_start3A_10 = arith.constant 0 : i32
    %dma_start3A_11 = tpu.memref_slice %arg5[%mul3A_2, %dma_start3A_10] : memref<2048x128xf32, #tpu.memory_space<hbm>> -> memref<64x128xf32, #tpu.memory_space<hbm>>
    %dma_start3A_12 = arith.constant 0 : i32
    %dma_start3A_13 = tpu.memref_slice %arg5[%mul3A_2, %dma_start3A_12] : memref<2048x128xf32, #tpu.memory_space<hbm>> -> memref<64x128xf32, #tpu.memory_space<hbm>>
    tpu.enqueue_dma source(%dma_start3A_13 : memref<64x128xf32, #tpu.memory_space<hbm>>) target(%arg10 : memref<64x128xf32, #tpu.memory_space<vmem>>) target_semaphore(%arg17 : memref<!tpu.dma_semaphore, #tpu.memory_space<semaphore_mem>>)
    %dma_start3A_14 = arith.constant 0 : i32
    %dma_start3A_15 = tpu.memref_slice %arg6[%mul3A_2, %dma_start3A_14] : memref<2048x128xf32, #tpu.memory_space<hbm>> -> memref<64x128xf32, #tpu.memory_space<hbm>>
    %dma_start3A_16 = arith.constant 0 : i32
    %dma_start3A_17 = tpu.memref_slice %arg6[%mul3A_2, %dma_start3A_16] : memref<2048x128xf32, #tpu.memory_space<hbm>> -> memref<64x128xf32, #tpu.memory_space<hbm>>
    tpu.enqueue_dma source(%dma_start3A_17 : memref<64x128xf32, #tpu.memory_space<hbm>>) target(%arg11 : memref<64x128xf32, #tpu.memory_space<vmem>>) target_semaphore(%arg18 : memref<!tpu.dma_semaphore, #tpu.memory_space<semaphore_mem>>)
    %dma_wait3A = tpu.memref_slice %arg3[%mul3A_2] : memref<2048xi32, #tpu.memory_space<hbm>> -> memref<64xi32, #tpu.memory_space<hbm>>
    %dma_wait3A_18 = tpu.memref_slice %arg3[%mul3A_2] : memref<2048xi32, #tpu.memory_space<hbm>> -> memref<64xi32, #tpu.memory_space<hbm>>
    tpu.wait_dma2 semaphore(%arg14 : memref<!tpu.dma_semaphore, #tpu.memory_space<semaphore_mem>>) src(%dma_wait3A_18 : memref<64xi32, #tpu.memory_space<hbm>>) dst(%arg12 : memref<64xi32, #tpu.memory_space<vmem>>)
    %dma_wait3A_19 = arith.constant 0 : i32
    %dma_wait3A_20 = tpu.memref_slice %arg2[%mul3A_2, %dma_wait3A_19] : memref<2048x512xi32, #tpu.memory_space<hbm>> -> memref<64x512xi32, #tpu.memory_space<hbm>>
    %dma_wait3A_21 = arith.constant 0 : i32
    %dma_wait3A_22 = tpu.memref_slice %arg2[%mul3A_2, %dma_wait3A_21] : memref<2048x512xi32, #tpu.memory_space<hbm>> -> memref<64x512xi32, #tpu.memory_space<hbm>>
    tpu.wait_dma2 semaphore(%arg16 : memref<!tpu.dma_semaphore, #tpu.memory_space<semaphore_mem>>) src(%dma_wait3A_22 : memref<64x512xi32, #tpu.memory_space<hbm>>) dst(%arg9 : memref<64x512xi32, #tpu.memory_space<vmem>>)
    %dma_start3A_23 = arith.constant 0 : i32
    %dma_start3A_24 = arith.constant 0 : i32
    %dma_start3A_25 = tpu.memref_slice %arg7[%dma_start3A_23, %dma_start3A_24] : memref<4096x512xi32, #tpu.memory_space<hbm>> -> memref<4096x512xi32, #tpu.memory_space<hbm>>
    tpu.enqueue_indirect_dma source(%arg9 : memref<64x512xi32, #tpu.memory_space<vmem>>) target(%dma_start3A_25 : memref<4096x512xi32, #tpu.memory_space<hbm>>) offsets(%arg12 : memref<64xi32, #tpu.memory_space<vmem>>) semaphore(%arg19 : memref<!tpu.dma_semaphore, #tpu.memory_space<semaphore_mem>>)
    %dma_wait3A_26 = tpu.memref_slice %arg4[%mul3A_2] : memref<2048xi32, #tpu.memory_space<hbm>> -> memref<64xi32, #tpu.memory_space<hbm>>
    %dma_wait3A_27 = tpu.memref_slice %arg4[%mul3A_2] : memref<2048xi32, #tpu.memory_space<hbm>> -> memref<64xi32, #tpu.memory_space<hbm>>
    tpu.wait_dma2 semaphore(%arg15 : memref<!tpu.dma_semaphore, #tpu.memory_space<semaphore_mem>>) src(%dma_wait3A_27 : memref<64xi32, #tpu.memory_space<hbm>>) dst(%arg13 : memref<64xi32, #tpu.memory_space<vmem>>)
    %dma_start3A_28 = arith.constant 0 : i32
    %dma_start3A_29 = arith.constant 0 : i32
    %dma_start3A_30 = tpu.memref_slice %arg7[%dma_start3A_28, %dma_start3A_29] : memref<4096x512xi32, #tpu.memory_space<hbm>> -> memref<4096x512xi32, #tpu.memory_space<hbm>>
    tpu.enqueue_indirect_dma source(%arg9 : memref<64x512xi32, #tpu.memory_space<vmem>>) target(%dma_start3A_30 : memref<4096x512xi32, #tpu.memory_space<hbm>>) offsets(%arg13 : memref<64xi32, #tpu.memory_space<vmem>>) semaphore(%arg20 : memref<!tpu.dma_semaphore, #tpu.memory_space<semaphore_mem>>)
    %dma_wait3A_31 = arith.constant 0 : i32
    %dma_wait3A_32 = tpu.memref_slice %arg5[%mul3A_2, %dma_wait3A_31] : memref<2048x128xf32, #tpu.memory_space<hbm>> -> memref<64x128xf32, #tpu.memory_space<hbm>>
    %dma_wait3A_33 = arith.constant 0 : i32
    %dma_wait3A_34 = tpu.memref_slice %arg5[%mul3A_2, %dma_wait3A_33] : memref<2048x128xf32, #tpu.memory_space<hbm>> -> memref<64x128xf32, #tpu.memory_space<hbm>>
    tpu.wait_dma2 semaphore(%arg17 : memref<!tpu.dma_semaphore, #tpu.memory_space<semaphore_mem>>) src(%dma_wait3A_34 : memref<64x128xf32, #tpu.memory_space<hbm>>) dst(%arg10 : memref<64x128xf32, #tpu.memory_space<vmem>>)
    %dma_start3A_35 = arith.constant 0 : i32
    %dma_start3A_36 = arith.constant 0 : i32
    %dma_start3A_37 = tpu.memref_slice %arg8[%dma_start3A_35, %dma_start3A_36] : memref<4096x128xf32, #tpu.memory_space<hbm>> -> memref<4096x128xf32, #tpu.memory_space<hbm>>
    tpu.enqueue_indirect_dma source(%arg10 : memref<64x128xf32, #tpu.memory_space<vmem>>) target(%dma_start3A_37 : memref<4096x128xf32, #tpu.memory_space<hbm>>) offsets(%arg12 : memref<64xi32, #tpu.memory_space<vmem>>) semaphore(%arg21 : memref<!tpu.dma_semaphore, #tpu.memory_space<semaphore_mem>>)
    %dma_wait3A_38 = arith.constant 0 : i32
    %dma_wait3A_39 = tpu.memref_slice %arg6[%mul3A_2, %dma_wait3A_38] : memref<2048x128xf32, #tpu.memory_space<hbm>> -> memref<64x128xf32, #tpu.memory_space<hbm>>
    %dma_wait3A_40 = arith.constant 0 : i32
    %dma_wait3A_41 = tpu.memref_slice %arg6[%mul3A_2, %dma_wait3A_40] : memref<2048x128xf32, #tpu.memory_space<hbm>> -> memref<64x128xf32, #tpu.memory_space<hbm>>
    tpu.wait_dma2 semaphore(%arg18 : memref<!tpu.dma_semaphore, #tpu.memory_space<semaphore_mem>>) src(%dma_wait3A_41 : memref<64x128xf32, #tpu.memory_space<hbm>>) dst(%arg11 : memref<64x128xf32, #tpu.memory_space<vmem>>)
    %dma_start3A_42 = arith.constant 0 : i32
    %dma_start3A_43 = arith.constant 0 : i32
    %dma_start3A_44 = tpu.memref_slice %arg8[%dma_start3A_42, %dma_start3A_43] : memref<4096x128xf32, #tpu.memory_space<hbm>> -> memref<4096x128xf32, #tpu.memory_space<hbm>>
    tpu.enqueue_indirect_dma source(%arg11 : memref<64x128xf32, #tpu.memory_space<vmem>>) target(%dma_start3A_44 : memref<4096x128xf32, #tpu.memory_space<hbm>>) offsets(%arg13 : memref<64xi32, #tpu.memory_space<vmem>>) semaphore(%arg22 : memref<!tpu.dma_semaphore, #tpu.memory_space<semaphore_mem>>)
    %dma_wait3A_45 = arith.constant 0 : i32
    %dma_wait3A_46 = arith.constant 0 : i32
    %dma_wait3A_47 = tpu.memref_slice %arg7[%dma_wait3A_45, %dma_wait3A_46] : memref<4096x512xi32, #tpu.memory_space<hbm>> -> memref<4096x512xi32, #tpu.memory_space<hbm>>
    tpu.wait_indirect_dma semaphore(%arg19 : memref<!tpu.dma_semaphore, #tpu.memory_space<semaphore_mem>>) src(%arg9 : memref<64x512xi32, #tpu.memory_space<vmem>>) dst(%dma_wait3A_47 : memref<4096x512xi32, #tpu.memory_space<hbm>>)
    %dma_wait3A_48 = arith.constant 0 : i32
    %dma_wait3A_49 = arith.constant 0 : i32
    %dma_wait3A_50 = tpu.memref_slice %arg7[%dma_wait3A_48, %dma_wait3A_49] : memref<4096x512xi32, #tpu.memory_space<hbm>> -> memref<4096x512xi32, #tpu.memory_space<hbm>>
    tpu.wait_indirect_dma semaphore(%arg20 : memref<!tpu.dma_semaphore, #tpu.memory_space<semaphore_mem>>) src(%arg9 : memref<64x512xi32, #tpu.memory_space<vmem>>) dst(%dma_wait3A_50 : memref<4096x512xi32, #tpu.memory_space<hbm>>)
    %dma_wait3A_51 = arith.constant 0 : i32
    %dma_wait3A_52 = arith.constant 0 : i32
    %dma_wait3A_53 = tpu.memref_slice %arg8[%dma_wait3A_51, %dma_wait3A_52] : memref<4096x128xf32, #tpu.memory_space<hbm>> -> memref<4096x128xf32, #tpu.memory_space<hbm>>
    tpu.wait_indirect_dma semaphore(%arg21 : memref<!tpu.dma_semaphore, #tpu.memory_space<semaphore_mem>>) src(%arg10 : memref<64x128xf32, #tpu.memory_space<vmem>>) dst(%dma_wait3A_53 : memref<4096x128xf32, #tpu.memory_space<hbm>>)
    %dma_wait3A_54 = arith.constant 0 : i32
    %dma_wait3A_55 = arith.constant 0 : i32
    %dma_wait3A_56 = tpu.memref_slice %arg8[%dma_wait3A_54, %dma_wait3A_55] : memref<4096x128xf32, #tpu.memory_space<hbm>> -> memref<4096x128xf32, #tpu.memory_space<hbm>>
    tpu.wait_indirect_dma semaphore(%arg22 : memref<!tpu.dma_semaphore, #tpu.memory_space<semaphore_mem>>) src(%arg11 : memref<64x128xf32, #tpu.memory_space<vmem>>) dst(%dma_wait3A_56 : memref<4096x128xf32, #tpu.memory_space<hbm>>)
    return
  }
}

module attributes {stable_mosaic.version = 14 : i64} {
  func.func @_gmm_body(%arg0: i32, %arg1: memref<4x23xi32, #tpu.memory_space<smem>>, %arg2: memref<256x512xi32, #tpu.memory_space<vmem>>, %arg3: memref<256x128xf32, #tpu.memory_space<vmem>>, %arg4: memref<1x1536x1024xbf16, #tpu.memory_space<vmem>>, %arg5: memref<1x1024x768xbf16, #tpu.memory_space<vmem>>, %arg6: memref<256x1024xf32, #tpu.memory_space<vmem>>) attributes {dimension_semantics = [#tpu.dimension_semantics<arbitrary>], iteration_bounds = array<i64: 23>, scalar_prefetch = 1 : i64, scratch_operands = 0 : i64, tpu.core_type = #tpu.core_type<tc>, window_params = [{transform_indices = @transform_0, window_bounds = array<i64: 256, 512>}, {transform_indices = @transform_1, window_bounds = array<i64: 256, 128>}, {transform_indices = @transform_2, window_bounds = array<i64: 1, 1536, 1024>}, {transform_indices = @transform_3, window_bounds = array<i64: 1, 1024, 768>}, {transform_indices = @transform_4, window_bounds = array<i64: 256, 1024>}]} {
    %get3A = arith.constant 1 : index
    %get3A_0 = arith.index_cast %arg0 : i32 to index
    %get3A_1 = memref.load %arg1[%get3A, %get3A_0] : memref<4x23xi32, #tpu.memory_space<smem>>
    %get3A_2 = arith.constant 2 : index
    %get3A_3 = arith.index_cast %arg0 : i32 to index
    %get3A_4 = memref.load %arg1[%get3A_2, %get3A_3] : memref<4x23xi32, #tpu.memory_space<smem>>
    %get3A_5 = arith.constant 3 : index
    %get3A_6 = arith.index_cast %arg0 : i32 to index
    %get3A_7 = memref.load %arg1[%get3A_5, %get3A_6] : memref<4x23xi32, #tpu.memory_space<smem>>
    %eq3A = arith.constant 1 : i32
    %eq3A_8 = arith.cmpi eq, %get3A_7, %eq3A : i32
    %convert_element_type3A = arith.extui %eq3A_8 : i1 to i32
    %cond3A = arith.constant 0 : i32
    %cond3A_9 = arith.cmpi ne, %convert_element_type3A, %cond3A : i32
    scf.if %cond3A_9 {
      %broadcast_in_dim3A = arith.constant 0.000000e+00 : f32
      %broadcast_in_dim3A_15 = vector.broadcast %broadcast_in_dim3A : f32 to vector<256x1024xf32>
      %swap3A = arith.constant 0 : index
      %swap3A_16 = arith.constant 0 : index
      %swap3A_17 = vector.load %arg6[%swap3A, %swap3A_16] : memref<256x1024xf32, #tpu.memory_space<vmem>>, vector<256x1024xf32>
      tpu.vector_store %arg6[%swap3A, %swap3A_16], %broadcast_in_dim3A_15 {strides = array<i32>} : memref<256x1024xf32, #tpu.memory_space<vmem>>, vector<256x1024xf32>,
    } else {
    }
    %eq3A_10 = arith.constant 1 : i32
    %eq3A_11 = arith.cmpi eq, %get3A_4, %eq3A_10 : i32
    %convert_element_type3A_12 = arith.extui %eq3A_11 : i1 to i32
    %cond3A_13 = arith.constant 0 : i32
    %cond3A_14 = arith.cmpi ne, %convert_element_type3A_12, %cond3A_13 : i32
    scf.if %cond3A_14 {
      %get3A_15 = arith.constant 0 : index
      %get3A_16 = arith.constant 0 : index
      %get3A_17 = vector.load %arg2[%get3A_15, %get3A_16] : memref<256x512xi32, #tpu.memory_space<vmem>>, vector<256x512xi32>
      %and3A = arith.constant 65535 : i32
      %and3A_18 = vector.broadcast %and3A : i32 to vector<256x512xi32>
      %and3A_19 = arith.andi %get3A_17, %and3A_18 : vector<256x512xi32>
      %convert_element_type3A_20 = arith.trunci %and3A_19 : vector<256x512xi32> to vector<256x512xi16>
      %bitcast_convert_type3A = tpu.bitcast %convert_element_type3A_20 : vector<256x512xi16> -> vector<256x512xbf16>
      %shift_right_logical3A = arith.constant 16 : i32
      %shift_right_logical3A_21 = vector.broadcast %shift_right_logical3A : i32 to vector<256x512xi32>
      %shift_right_logical3A_22 = arith.shrui %get3A_17, %shift_right_logical3A_21 : vector<256x512xi32>
      %convert_element_type3A_23 = arith.trunci %shift_right_logical3A_22 : vector<256x512xi32> to vector<256x512xi16>
      %bitcast_convert_type3A_24 = tpu.bitcast %convert_element_type3A_23 : vector<256x512xi16> -> vector<256x512xbf16>
      %concatenate3A = tpu.concatenate %bitcast_convert_type3A, %bitcast_convert_type3A_24 in 1 : vector<256x512xbf16>, vector<256x512xbf16> -> vector<256x1024xbf16>
      %iota3A = tpu.iota {dimensions = array<i32: 1>} : vector<256x8xi32>
      %get3A_25 = arith.constant 0 : index
      %get3A_26 = arith.constant 0 : index
      %get3A_27 = vector.load %arg3[%get3A_25, %get3A_26] : memref<256x128xf32, #tpu.memory_space<vmem>>, vector<256x8xf32>
      %eq3A_28 = vector.broadcast %get3A_1 : i32 to vector<256x8xi32>
      %eq3A_29 = arith.cmpi eq, %iota3A, %eq3A_28 : vector<256x8xi32>
      %convert_element_type3A_30 = arith.extui %eq3A_29 : vector<256x8xi1> to vector<256x8xi32>
      %convert_element_type3A_31 = arith.sitofp %convert_element_type3A_30 : vector<256x8xi32> to vector<256x8xf32>
      %mul3A = arith.mulf %get3A_27, %convert_element_type3A_31 : vector<256x8xf32>
      %reduce_sum3A = arith.constant dense<0.000000e+00> : vector<256xf32>
      %reduce_sum3A_32 = vector.multi_reduction <add>, %mul3A, %reduce_sum3A [1] : vector<256x8xf32> to vector<256xf32>
      %get3A_33 = arith.constant 0 : index
      %get3A_34 = arith.constant 0 : index
      %get3A_35 = arith.constant 0 : index
      %get3A_36 = vector.load %arg4[%get3A_33, %get3A_34, %get3A_35] : memref<1x1536x1024xbf16, #tpu.memory_space<vmem>>, vector<1x1536x1024xbf16>
      %get3A_37 = vector.shape_cast %get3A_36 : vector<1x1536x1024xbf16> to vector<1536x1024xbf16>
      %dot_general3A = arith.constant dense<0.000000e+00> : vector<256x1536xf32>
      %dot_general3A_38 = tpu.matmul %concatenate3A, %get3A_37, %dot_general3A {dimension_numbers = #tpu.dot_dimension_numbers<[1], [1], [0], [0], [0, 0, 1, 0], [], []>, transpose_lhs_hint = false} : vector<256x1024xbf16>, vector<1536x1024xbf16>, vector<256x1536xf32> -> vector<256x1536xf32>
      %slice3A = vector.extract_strided_slice %dot_general3A_38 {offsets = [0, 0], sizes = [256, 768], strides = [1, 1]} : vector<256x1536xf32> to vector<256x768xf32>
      %slice3A_39 = vector.extract_strided_slice %dot_general3A_38 {offsets = [0, 768], sizes = [256, 768], strides = [1, 1]} : vector<256x1536xf32> to vector<256x768xf32>
      %neg3A = arith.constant 0.000000e+00 : f32
      %neg3A_40 = vector.broadcast %neg3A : f32 to vector<256x768xf32>
      %neg3A_41 = arith.subf %neg3A_40, %slice3A : vector<256x768xf32>
      %exp3A = math.exp %neg3A_41 : vector<256x768xf32>
      %add3A = arith.constant 1.000000e+00 : f32
      %add3A_42 = vector.broadcast %add3A : f32 to vector<256x768xf32>
      %add3A_43 = arith.addf %add3A_42, %exp3A : vector<256x768xf32>
      %div3A = arith.constant 1.000000e+00 : f32
      %div3A_44 = vector.broadcast %div3A : f32 to vector<256x768xf32>
      %div3A_45 = arith.divf %div3A_44, %add3A_43 : vector<256x768xf32>
      %mul3A_46 = arith.mulf %slice3A, %div3A_45 : vector<256x768xf32>
      %mul3A_47 = arith.mulf %mul3A_46, %slice3A_39 : vector<256x768xf32>
      %broadcast_in_dim3A = vector.shape_cast %reduce_sum3A_32 : vector<256xf32> to vector<256x1xf32>
      %mul3A_48 = vector.broadcast %broadcast_in_dim3A : vector<256x1xf32> to vector<256x768xf32>
      %mul3A_49 = arith.mulf %mul3A_47, %mul3A_48 : vector<256x768xf32>
      %get3A_50 = arith.constant 0 : index
      %get3A_51 = arith.constant 0 : index
      %get3A_52 = vector.load %arg6[%get3A_50, %get3A_51] : memref<256x1024xf32, #tpu.memory_space<vmem>>, vector<256x1024xf32>
      %convert_element_type3A_53 = arith.truncf %mul3A_49 : vector<256x768xf32> to vector<256x768xbf16>
      %get3A_54 = arith.constant 0 : index
      %get3A_55 = arith.constant 0 : index
      %get3A_56 = arith.constant 0 : index
      %get3A_57 = vector.load %arg5[%get3A_54, %get3A_55, %get3A_56] : memref<1x1024x768xbf16, #tpu.memory_space<vmem>>, vector<1x1024x768xbf16>
      %get3A_58 = vector.shape_cast %get3A_57 : vector<1x1024x768xbf16> to vector<1024x768xbf16>
      %dot_general3A_59 = arith.constant dense<0.000000e+00> : vector<256x1024xf32>
      %dot_general3A_60 = tpu.matmul %convert_element_type3A_53, %get3A_58, %dot_general3A_59 {dimension_numbers = #tpu.dot_dimension_numbers<[1], [1], [0], [0], [0, 0, 1, 0], [], []>, transpose_lhs_hint = false} : vector<256x768xbf16>, vector<1024x768xbf16>, vector<256x1024xf32> -> vector<256x1024xf32>
      %add3A_61 = arith.addf %get3A_52, %dot_general3A_60 : vector<256x1024xf32>
      %swap3A = arith.constant 0 : index
      %swap3A_62 = arith.constant 0 : index
      %swap3A_63 = vector.load %arg6[%swap3A, %swap3A_62] : memref<256x1024xf32, #tpu.memory_space<vmem>>, vector<256x1024xf32>
      tpu.vector_store %arg6[%swap3A, %swap3A_62], %add3A_61 {strides = array<i32>} : memref<256x1024xf32, #tpu.memory_space<vmem>>, vector<256x1024xf32>,
    } else {
    }
    return
  }
  func.func @transform_0(%arg0: i32, %arg1: memref<4x23xi32, #tpu.memory_space<smem>>) -> (i32, i32) {
    %get3A = arith.constant 0 : index
    %get3A_0 = arith.index_cast %arg0 : i32 to index
    %get3A_1 = memref.load %arg1[%get3A, %get3A_0] : memref<4x23xi32, #tpu.memory_space<smem>>
    %c0_i32 = arith.constant 0 : i32
    %c0_i32_2 = arith.constant 0 : i32
    return %get3A_1, %c0_i32 : i32, i32
  }
  func.func @transform_1(%arg0: i32, %arg1: memref<4x23xi32, #tpu.memory_space<smem>>) -> (i32, i32) {
    %get3A = arith.constant 0 : index
    %get3A_0 = arith.index_cast %arg0 : i32 to index
    %get3A_1 = memref.load %arg1[%get3A, %get3A_0] : memref<4x23xi32, #tpu.memory_space<smem>>
    %c0_i32 = arith.constant 0 : i32
    %c0_i32_2 = arith.constant 0 : i32
    return %get3A_1, %c0_i32 : i32, i32
  }
  func.func @transform_2(%arg0: i32, %arg1: memref<4x23xi32, #tpu.memory_space<smem>>) -> (i32, i32, i32) {
    %get3A = arith.constant 1 : index
    %get3A_0 = arith.index_cast %arg0 : i32 to index
    %get3A_1 = memref.load %arg1[%get3A, %get3A_0] : memref<4x23xi32, #tpu.memory_space<smem>>
    %c0_i32 = arith.constant 0 : i32
    %c0_i32_2 = arith.constant 0 : i32
    %c0_i32_3 = arith.constant 0 : i32
    return %get3A_1, %c0_i32, %c0_i32_2 : i32, i32, i32
  }
  func.func @transform_3(%arg0: i32, %arg1: memref<4x23xi32, #tpu.memory_space<smem>>) -> (i32, i32, i32) {
    %get3A = arith.constant 1 : index
    %get3A_0 = arith.index_cast %arg0 : i32 to index
    %get3A_1 = memref.load %arg1[%get3A, %get3A_0] : memref<4x23xi32, #tpu.memory_space<smem>>
    %c0_i32 = arith.constant 0 : i32
    %c0_i32_2 = arith.constant 0 : i32
    %c0_i32_3 = arith.constant 0 : i32
    return %get3A_1, %c0_i32, %c0_i32_2 : i32, i32, i32
  }
  func.func @transform_4(%arg0: i32, %arg1: memref<4x23xi32, #tpu.memory_space<smem>>) -> (i32, i32) {
    %get3A = arith.constant 0 : index
    %get3A_0 = arith.index_cast %arg0 : i32 to index
    %get3A_1 = memref.load %arg1[%get3A, %get3A_0] : memref<4x23xi32, #tpu.memory_space<smem>>
    %c0_i32 = arith.constant 0 : i32
    %c0_i32_2 = arith.constant 0 : i32
    return %get3A_1, %c0_i32 : i32, i32
  }
}

module attributes {stable_mosaic.version = 14 : i64} {
  func.func @_router_body(%arg0: i32, %arg1: memref<2048x1024xf32, #tpu.memory_space<vmem>>, %arg2: memref<8x1024xf32, #tpu.memory_space<vmem>>, %arg3: memref<2048xi32, #tpu.memory_space<vmem>>, %arg4: memref<2048xi32, #tpu.memory_space<vmem>>, %arg5: memref<2048x128xf32, #tpu.memory_space<vmem>>, %arg6: memref<2048x128xf32, #tpu.memory_space<vmem>>, %arg7: memref<4x23xi32, #tpu.memory_space<vmem>>, %arg8: memref<2048x512xi32, #tpu.memory_space<vmem>>) attributes {dimension_semantics = [#tpu.dimension_semantics<arbitrary>], iteration_bounds = array<i64: 1>, scalar_prefetch = 0 : i64, scratch_operands = 0 : i64, tpu.core_type = #tpu.core_type<tc>, window_params = [{pipeline_mode = #tpu.pipeline_mode<synchronous>, transform_indices = @transform_0, window_bounds = array<i64: 2048, 1024>}, {pipeline_mode = #tpu.pipeline_mode<synchronous>, transform_indices = @transform_1, window_bounds = array<i64: 8, 1024>}, {pipeline_mode = #tpu.pipeline_mode<synchronous>, transform_indices = @transform_2, window_bounds = array<i64: 2048>}, {pipeline_mode = #tpu.pipeline_mode<synchronous>, transform_indices = @transform_3, window_bounds = array<i64: 2048>}, {pipeline_mode = #tpu.pipeline_mode<synchronous>, transform_indices = @transform_4, window_bounds = array<i64: 2048, 128>}, {pipeline_mode = #tpu.pipeline_mode<synchronous>, transform_indices = @transform_5, window_bounds = array<i64: 2048, 128>}, {pipeline_mode = #tpu.pipeline_mode<synchronous>, transform_indices = @transform_6, window_bounds = array<i64: 4, 23>}, {pipeline_mode = #tpu.pipeline_mode<synchronous>, transform_indices = @transform_7, window_bounds = array<i64: 2048, 512>}]} {
    %get3A = arith.constant 0 : index
    %get3A_0 = arith.constant 0 : index
    %get3A_1 = vector.load %arg1[%get3A, %get3A_0] : memref<2048x1024xf32, #tpu.memory_space<vmem>>, vector<2048x1024xf32>
    %get3A_2 = arith.constant 0 : index
    %get3A_3 = arith.constant 0 : index
    %get3A_4 = vector.load %arg2[%get3A_2, %get3A_3] : memref<8x1024xf32, #tpu.memory_space<vmem>>, vector<8x1024xf32>
    %dot_general3A = arith.constant dense<0.000000e+00> : vector<2048x8xf32>
    %dot_general3A_5 = tpu.matmul %get3A_1, %get3A_4, %dot_general3A {dimension_numbers = #tpu.dot_dimension_numbers<[1], [1], [0], [0], [0, 0, 1, 0], [], []>, transpose_lhs_hint = false} : vector<2048x1024xf32>, vector<8x1024xf32>, vector<2048x8xf32> -> vector<2048x8xf32>
    %iota3A = tpu.iota {dimensions = array<i32: 1>} : vector<2048x8xi32>
    %reduce_max3A = arith.constant dense<0xFF800000> : vector<2048xf32>
    %reduce_max3A_6 = vector.multi_reduction <maximumf>, %dot_general3A_5, %reduce_max3A [1] : vector<2048x8xf32> to vector<2048xf32>
    %broadcast_in_dim3A = vector.shape_cast %reduce_max3A_6 : vector<2048xf32> to vector<2048x1xf32>
    %eq3A = vector.broadcast %broadcast_in_dim3A : vector<2048x1xf32> to vector<2048x8xf32>
    %eq3A_7 = arith.cmpf oeq, %dot_general3A_5, %eq3A : vector<2048x8xf32>
    %jit3A = arith.constant 8 : i32
    %broadcast_in_dim3A_8 = vector.broadcast %jit3A : i32 to vector<2048x8xi32>
    %select_n3A = arith.select %eq3A_7, %iota3A, %broadcast_in_dim3A_8 : vector<2048x8xi1>, vector<2048x8xi32>
    %reduce_min3A = arith.constant dense<2147483647> : vector<2048xi32>
    %reduce_min3A_9 = vector.multi_reduction <minsi>, %select_n3A, %reduce_min3A [1] : vector<2048x8xi32> to vector<2048xi32>
    %broadcast_in_dim3A_10 = vector.shape_cast %reduce_min3A_9 : vector<2048xi32> to vector<2048x1xi32>
    %eq3A_11 = vector.broadcast %broadcast_in_dim3A_10 : vector<2048x1xi32> to vector<2048x8xi32>
    %eq3A_12 = arith.cmpi eq, %iota3A, %eq3A_11 : vector<2048x8xi32>
    %jit3A_13 = arith.constant 0xFF800000 : f32
    %broadcast_in_dim3A_14 = vector.broadcast %jit3A_13 : f32 to vector<2048x8xf32>
    %select_n3A_15 = arith.select %eq3A_12, %broadcast_in_dim3A_14, %dot_general3A_5 : vector<2048x8xi1>, vector<2048x8xf32>
    %reduce_max3A_16 = arith.constant dense<0xFF800000> : vector<2048xf32>
    %reduce_max3A_17 = vector.multi_reduction <maximumf>, %select_n3A_15, %reduce_max3A_16 [1] : vector<2048x8xf32> to vector<2048xf32>
    %broadcast_in_dim3A_18 = vector.shape_cast %reduce_max3A_17 : vector<2048xf32> to vector<2048x1xf32>
    %eq3A_19 = vector.broadcast %broadcast_in_dim3A_18 : vector<2048x1xf32> to vector<2048x8xf32>
    %eq3A_20 = arith.cmpf oeq, %select_n3A_15, %eq3A_19 : vector<2048x8xf32>
    %jit3A_21 = arith.constant 8 : i32
    %broadcast_in_dim3A_22 = vector.broadcast %jit3A_21 : i32 to vector<2048x8xi32>
    %select_n3A_23 = arith.select %eq3A_20, %iota3A, %broadcast_in_dim3A_22 : vector<2048x8xi1>, vector<2048x8xi32>
    %reduce_min3A_24 = arith.constant dense<2147483647> : vector<2048xi32>
    %reduce_min3A_25 = vector.multi_reduction <minsi>, %select_n3A_23, %reduce_min3A_24 [1] : vector<2048x8xi32> to vector<2048xi32>
    %broadcast_in_dim3A_26 = vector.shape_cast %reduce_min3A_25 : vector<2048xi32> to vector<2048x1xi32>
    %sub3A = arith.subf %broadcast_in_dim3A_18, %broadcast_in_dim3A : vector<2048x1xf32>
    %exp3A = math.exp %sub3A : vector<2048x1xf32>
    %add3A = arith.constant 1.000000e+00 : f32
    %add3A_27 = vector.broadcast %add3A : f32 to vector<2048x1xf32>
    %add3A_28 = arith.addf %add3A_27, %exp3A : vector<2048x1xf32>
    %div3A = arith.constant 1.000000e+00 : f32
    %div3A_29 = vector.broadcast %div3A : f32 to vector<2048x1xf32>
    %div3A_30 = arith.divf %div3A_29, %add3A_28 : vector<2048x1xf32>
    %add3A_31 = arith.constant 1.000000e+00 : f32
    %add3A_32 = vector.broadcast %add3A_31 : f32 to vector<2048x1xf32>
    %add3A_33 = arith.addf %add3A_32, %exp3A : vector<2048x1xf32>
    %div3A_34 = arith.divf %exp3A, %add3A_33 : vector<2048x1xf32>
    %eq3A_35 = vector.broadcast %broadcast_in_dim3A_10 : vector<2048x1xi32> to vector<2048x8xi32>
    %eq3A_36 = arith.cmpi eq, %iota3A, %eq3A_35 : vector<2048x8xi32>
    %convert_element_type3A = arith.extui %eq3A_36 : vector<2048x8xi1> to vector<2048x8xi32>
    %convert_element_type3A_37 = arith.sitofp %convert_element_type3A : vector<2048x8xi32> to vector<2048x8xf32>
    %eq3A_38 = vector.broadcast %broadcast_in_dim3A_26 : vector<2048x1xi32> to vector<2048x8xi32>
    %eq3A_39 = arith.cmpi eq, %iota3A, %eq3A_38 : vector<2048x8xi32>
    %convert_element_type3A_40 = arith.extui %eq3A_39 : vector<2048x8xi1> to vector<2048x8xi32>
    %convert_element_type3A_41 = arith.sitofp %convert_element_type3A_40 : vector<2048x8xi32> to vector<2048x8xf32>
    %add3A_42 = arith.addf %convert_element_type3A_37, %convert_element_type3A_41 : vector<2048x8xf32>
    %broadcast_in_dim3A_43 = arith.constant 0.000000e+00 : f32
    %broadcast_in_dim3A_44 = vector.broadcast %broadcast_in_dim3A_43 : f32 to vector<1x8xf32>
    %slice3A = vector.extract_strided_slice %add3A_42 {offsets = [0, 0], sizes = [2047, 8], strides = [1, 1]} : vector<2048x8xf32> to vector<2047x8xf32>
    %concatenate3A = tpu.concatenate %broadcast_in_dim3A_44, %slice3A in 0 : vector<1x8xf32>, vector<2047x8xf32> -> vector<2048x8xf32>
    %add3A_45 = arith.addf %add3A_42, %concatenate3A : vector<2048x8xf32>
    %broadcast_in_dim3A_46 = arith.constant 0.000000e+00 : f32
    %broadcast_in_dim3A_47 = vector.broadcast %broadcast_in_dim3A_46 : f32 to vector<2x8xf32>
    %slice3A_48 = vector.extract_strided_slice %add3A_45 {offsets = [0, 0], sizes = [2046, 8], strides = [1, 1]} : vector<2048x8xf32> to vector<2046x8xf32>
    %concatenate3A_49 = tpu.concatenate %broadcast_in_dim3A_47, %slice3A_48 in 0 : vector<2x8xf32>, vector<2046x8xf32> -> vector<2048x8xf32>
    %add3A_50 = arith.addf %add3A_45, %concatenate3A_49 : vector<2048x8xf32>
    %broadcast_in_dim3A_51 = arith.constant 0.000000e+00 : f32
    %broadcast_in_dim3A_52 = vector.broadcast %broadcast_in_dim3A_51 : f32 to vector<4x8xf32>
    %slice3A_53 = vector.extract_strided_slice %add3A_50 {offsets = [0, 0], sizes = [2044, 8], strides = [1, 1]} : vector<2048x8xf32> to vector<2044x8xf32>
    %concatenate3A_54 = tpu.concatenate %broadcast_in_dim3A_52, %slice3A_53 in 0 : vector<4x8xf32>, vector<2044x8xf32> -> vector<2048x8xf32>
    %add3A_55 = arith.addf %add3A_50, %concatenate3A_54 : vector<2048x8xf32>
    %broadcast_in_dim3A_56 = arith.constant 0.000000e+00 : f32
    %broadcast_in_dim3A_57 = vector.broadcast %broadcast_in_dim3A_56 : f32 to vector<8x8xf32>
    %slice3A_58 = vector.extract_strided_slice %add3A_55 {offsets = [0, 0], sizes = [2040, 8], strides = [1, 1]} : vector<2048x8xf32> to vector<2040x8xf32>
    %concatenate3A_59 = tpu.concatenate %broadcast_in_dim3A_57, %slice3A_58 in 0 : vector<8x8xf32>, vector<2040x8xf32> -> vector<2048x8xf32>
    %add3A_60 = arith.addf %add3A_55, %concatenate3A_59 : vector<2048x8xf32>
    %broadcast_in_dim3A_61 = arith.constant 0.000000e+00 : f32
    %broadcast_in_dim3A_62 = vector.broadcast %broadcast_in_dim3A_61 : f32 to vector<16x8xf32>
    %slice3A_63 = vector.extract_strided_slice %add3A_60 {offsets = [0, 0], sizes = [2032, 8], strides = [1, 1]} : vector<2048x8xf32> to vector<2032x8xf32>
    %concatenate3A_64 = tpu.concatenate %broadcast_in_dim3A_62, %slice3A_63 in 0 : vector<16x8xf32>, vector<2032x8xf32> -> vector<2048x8xf32>
    %add3A_65 = arith.addf %add3A_60, %concatenate3A_64 : vector<2048x8xf32>
    %broadcast_in_dim3A_66 = arith.constant 0.000000e+00 : f32
    %broadcast_in_dim3A_67 = vector.broadcast %broadcast_in_dim3A_66 : f32 to vector<32x8xf32>
    %slice3A_68 = vector.extract_strided_slice %add3A_65 {offsets = [0, 0], sizes = [2016, 8], strides = [1, 1]} : vector<2048x8xf32> to vector<2016x8xf32>
    %concatenate3A_69 = tpu.concatenate %broadcast_in_dim3A_67, %slice3A_68 in 0 : vector<32x8xf32>, vector<2016x8xf32> -> vector<2048x8xf32>
    %add3A_70 = arith.addf %add3A_65, %concatenate3A_69 : vector<2048x8xf32>
    %broadcast_in_dim3A_71 = arith.constant 0.000000e+00 : f32
    %broadcast_in_dim3A_72 = vector.broadcast %broadcast_in_dim3A_71 : f32 to vector<64x8xf32>
    %slice3A_73 = vector.extract_strided_slice %add3A_70 {offsets = [0, 0], sizes = [1984, 8], strides = [1, 1]} : vector<2048x8xf32> to vector<1984x8xf32>
    %concatenate3A_74 = tpu.concatenate %broadcast_in_dim3A_72, %slice3A_73 in 0 : vector<64x8xf32>, vector<1984x8xf32> -> vector<2048x8xf32>
    %add3A_75 = arith.addf %add3A_70, %concatenate3A_74 : vector<2048x8xf32>
    %broadcast_in_dim3A_76 = arith.constant 0.000000e+00 : f32
    %broadcast_in_dim3A_77 = vector.broadcast %broadcast_in_dim3A_76 : f32 to vector<128x8xf32>
    %slice3A_78 = vector.extract_strided_slice %add3A_75 {offsets = [0, 0], sizes = [1920, 8], strides = [1, 1]} : vector<2048x8xf32> to vector<1920x8xf32>
    %concatenate3A_79 = tpu.concatenate %broadcast_in_dim3A_77, %slice3A_78 in 0 : vector<128x8xf32>, vector<1920x8xf32> -> vector<2048x8xf32>
    %add3A_80 = arith.addf %add3A_75, %concatenate3A_79 : vector<2048x8xf32>
    %broadcast_in_dim3A_81 = arith.constant 0.000000e+00 : f32
    %broadcast_in_dim3A_82 = vector.broadcast %broadcast_in_dim3A_81 : f32 to vector<256x8xf32>
    %slice3A_83 = vector.extract_strided_slice %add3A_80 {offsets = [0, 0], sizes = [1792, 8], strides = [1, 1]} : vector<2048x8xf32> to vector<1792x8xf32>
    %concatenate3A_84 = tpu.concatenate %broadcast_in_dim3A_82, %slice3A_83 in 0 : vector<256x8xf32>, vector<1792x8xf32> -> vector<2048x8xf32>
    %add3A_85 = arith.addf %add3A_80, %concatenate3A_84 : vector<2048x8xf32>
    %broadcast_in_dim3A_86 = arith.constant 0.000000e+00 : f32
    %broadcast_in_dim3A_87 = vector.broadcast %broadcast_in_dim3A_86 : f32 to vector<512x8xf32>
    %slice3A_88 = vector.extract_strided_slice %add3A_85 {offsets = [0, 0], sizes = [1536, 8], strides = [1, 1]} : vector<2048x8xf32> to vector<1536x8xf32>
    %concatenate3A_89 = tpu.concatenate %broadcast_in_dim3A_87, %slice3A_88 in 0 : vector<512x8xf32>, vector<1536x8xf32> -> vector<2048x8xf32>
    %add3A_90 = arith.addf %add3A_85, %concatenate3A_89 : vector<2048x8xf32>
    %broadcast_in_dim3A_91 = arith.constant 0.000000e+00 : f32
    %broadcast_in_dim3A_92 = vector.broadcast %broadcast_in_dim3A_91 : f32 to vector<1024x8xf32>
    %slice3A_93 = vector.extract_strided_slice %add3A_90 {offsets = [0, 0], sizes = [1024, 8], strides = [1, 1]} : vector<2048x8xf32> to vector<1024x8xf32>
    %concatenate3A_94 = tpu.concatenate %broadcast_in_dim3A_92, %slice3A_93 in 0 : vector<1024x8xf32>, vector<1024x8xf32> -> vector<2048x8xf32>
    %add3A_95 = arith.addf %add3A_90, %concatenate3A_94 : vector<2048x8xf32>
    %sub3A_96 = arith.subf %add3A_95, %add3A_42 : vector<2048x8xf32>
    %slice3A_97 = vector.extract_strided_slice %add3A_95 {offsets = [2047, 0], sizes = [1, 8], strides = [1, 1]} : vector<2048x8xf32> to vector<1x8xf32>
    %broadcast_in_dim3A_98 = arith.constant 0.000000e+00 : f32
    %broadcast_in_dim3A_99 = vector.broadcast %broadcast_in_dim3A_98 : f32 to vector<1x1xf32>
    %slice3A_100 = vector.extract_strided_slice %slice3A_97 {offsets = [0, 0], sizes = [1, 7], strides = [1, 1]} : vector<1x8xf32> to vector<1x7xf32>
    %concatenate3A_101 = tpu.concatenate %broadcast_in_dim3A_99, %slice3A_100 in 1 : vector<1x1xf32>, vector<1x7xf32> -> vector<1x8xf32>
    %add3A_102 = arith.addf %slice3A_97, %concatenate3A_101 : vector<1x8xf32>
    %broadcast_in_dim3A_103 = arith.constant 0.000000e+00 : f32
    %broadcast_in_dim3A_104 = vector.broadcast %broadcast_in_dim3A_103 : f32 to vector<1x2xf32>
    %slice3A_105 = vector.extract_strided_slice %add3A_102 {offsets = [0, 0], sizes = [1, 6], strides = [1, 1]} : vector<1x8xf32> to vector<1x6xf32>
    %concatenate3A_106 = tpu.concatenate %broadcast_in_dim3A_104, %slice3A_105 in 1 : vector<1x2xf32>, vector<1x6xf32> -> vector<1x8xf32>
    %add3A_107 = arith.addf %add3A_102, %concatenate3A_106 : vector<1x8xf32>
    %broadcast_in_dim3A_108 = arith.constant 0.000000e+00 : f32
    %broadcast_in_dim3A_109 = vector.broadcast %broadcast_in_dim3A_108 : f32 to vector<1x4xf32>
    %slice3A_110 = vector.extract_strided_slice %add3A_107 {offsets = [0, 0], sizes = [1, 4], strides = [1, 1]} : vector<1x8xf32> to vector<1x4xf32>
    %concatenate3A_111 = tpu.concatenate %broadcast_in_dim3A_109, %slice3A_110 in 1 : vector<1x4xf32>, vector<1x4xf32> -> vector<1x8xf32>
    %add3A_112 = arith.addf %add3A_107, %concatenate3A_111 : vector<1x8xf32>
    %sub3A_113 = arith.subf %add3A_112, %slice3A_97 : vector<1x8xf32>
    %add3A_114 = vector.broadcast %sub3A_113 : vector<1x8xf32> to vector<2048x8xf32>
    %add3A_115 = arith.addf %sub3A_96, %add3A_114 : vector<2048x8xf32>
    %mul3A = arith.mulf %convert_element_type3A_37, %add3A_115 : vector<2048x8xf32>
    %reduce_sum3A = arith.constant dense<0.000000e+00> : vector<2048xf32>
    %reduce_sum3A_116 = vector.multi_reduction <add>, %mul3A, %reduce_sum3A [1] : vector<2048x8xf32> to vector<2048xf32>
    %convert_element_type3A_117 = arith.fptosi %reduce_sum3A_116 : vector<2048xf32> to vector<2048xi32>
    %swap3A = arith.constant 0 : index
    %swap3A_118 = vector.load %arg3[%swap3A] : memref<2048xi32, #tpu.memory_space<vmem>>, vector<2048xi32>
    tpu.vector_store %arg3[%swap3A], %convert_element_type3A_117 {strides = array<i32>} : memref<2048xi32, #tpu.memory_space<vmem>>, vector<2048xi32>,
    %mul3A_119 = arith.mulf %convert_element_type3A_41, %add3A_115 : vector<2048x8xf32>
    %reduce_sum3A_120 = arith.constant dense<0.000000e+00> : vector<2048xf32>
    %reduce_sum3A_121 = vector.multi_reduction <add>, %mul3A_119, %reduce_sum3A_120 [1] : vector<2048x8xf32> to vector<2048xf32>
    %convert_element_type3A_122 = arith.fptosi %reduce_sum3A_121 : vector<2048xf32> to vector<2048xi32>
    %swap3A_123 = arith.constant 0 : index
    %swap3A_124 = vector.load %arg4[%swap3A_123] : memref<2048xi32, #tpu.memory_space<vmem>>, vector<2048xi32>
    tpu.vector_store %arg4[%swap3A_123], %convert_element_type3A_122 {strides = array<i32>} : memref<2048xi32, #tpu.memory_space<vmem>>, vector<2048xi32>,
    %iota3A_125 = tpu.iota {dimensions = array<i32: 0>} : vector<16x1xi32>
    %convert_element_type3A_126 = arith.sitofp %iota3A_125 : vector<16x1xi32> to vector<16x1xf32>
    %mul3A_127 = arith.constant 2.560000e+02 : f32
    %mul3A_128 = vector.broadcast %mul3A_127 : f32 to vector<16x1xf32>
    %mul3A_129 = arith.mulf %convert_element_type3A_126, %mul3A_128 : vector<16x1xf32>
    %add3A_130 = arith.addf %sub3A_113, %slice3A_97 : vector<1x8xf32>
    %add3A_131 = arith.constant 2.560000e+02 : f32
    %add3A_132 = vector.broadcast %add3A_131 : f32 to vector<16x1xf32>
    %add3A_133 = arith.addf %mul3A_129, %add3A_132 : vector<16x1xf32>
    %lt3A = vector.broadcast %sub3A_113 : vector<1x8xf32> to vector<16x8xf32>
    %lt3A_134 = vector.broadcast %add3A_133 : vector<16x1xf32> to vector<16x8xf32>
    %lt3A_135 = arith.cmpf olt, %lt3A, %lt3A_134 : vector<16x8xf32>
    %gt3A = vector.broadcast %add3A_130 : vector<1x8xf32> to vector<16x8xf32>
    %gt3A_136 = vector.broadcast %mul3A_129 : vector<16x1xf32> to vector<16x8xf32>
    %gt3A_137 = arith.cmpf ogt, %gt3A, %gt3A_136 : vector<16x8xf32>
    %and3A = arith.andi %lt3A_135, %gt3A_137 : vector<16x8xi1>
    %gt3A_138 = arith.constant 0.000000e+00 : f32
    %gt3A_139 = vector.broadcast %gt3A_138 : f32 to vector<1x8xf32>
    %gt3A_140 = arith.cmpf ogt, %slice3A_97, %gt3A_139 : vector<1x8xf32>
    %and3A_141 = vector.broadcast %gt3A_140 : vector<1x8xi1> to vector<16x8xi1>
    %and3A_142 = arith.andi %and3A, %and3A_141 : vector<16x8xi1>
    %convert_element_type3A_143 = arith.extui %and3A_142 : vector<16x8xi1> to vector<16x8xi32>
    %convert_element_type3A_144 = arith.sitofp %convert_element_type3A_143 : vector<16x8xi32> to vector<16x8xf32>
    %broadcast_in_dim3A_145 = arith.constant 0.000000e+00 : f32
    %broadcast_in_dim3A_146 = vector.broadcast %broadcast_in_dim3A_145 : f32 to vector<16x1xf32>
    %slice3A_147 = vector.extract_strided_slice %convert_element_type3A_144 {offsets = [0, 0], sizes = [16, 7], strides = [1, 1]} : vector<16x8xf32> to vector<16x7xf32>
    %concatenate3A_148 = tpu.concatenate %broadcast_in_dim3A_146, %slice3A_147 in 1 : vector<16x1xf32>, vector<16x7xf32> -> vector<16x8xf32>
    %add3A_149 = arith.addf %convert_element_type3A_144, %concatenate3A_148 : vector<16x8xf32>
    %broadcast_in_dim3A_150 = arith.constant 0.000000e+00 : f32
    %broadcast_in_dim3A_151 = vector.broadcast %broadcast_in_dim3A_150 : f32 to vector<16x2xf32>
    %slice3A_152 = vector.extract_strided_slice %add3A_149 {offsets = [0, 0], sizes = [16, 6], strides = [1, 1]} : vector<16x8xf32> to vector<16x6xf32>
    %concatenate3A_153 = tpu.concatenate %broadcast_in_dim3A_151, %slice3A_152 in 1 : vector<16x2xf32>, vector<16x6xf32> -> vector<16x8xf32>
    %add3A_154 = arith.addf %add3A_149, %concatenate3A_153 : vector<16x8xf32>
    %broadcast_in_dim3A_155 = arith.constant 0.000000e+00 : f32
    %broadcast_in_dim3A_156 = vector.broadcast %broadcast_in_dim3A_155 : f32 to vector<16x4xf32>
    %slice3A_157 = vector.extract_strided_slice %add3A_154 {offsets = [0, 0], sizes = [16, 4], strides = [1, 1]} : vector<16x8xf32> to vector<16x4xf32>
    %concatenate3A_158 = tpu.concatenate %broadcast_in_dim3A_156, %slice3A_157 in 1 : vector<16x4xf32>, vector<16x4xf32> -> vector<16x8xf32>
    %add3A_159 = arith.addf %add3A_154, %concatenate3A_158 : vector<16x8xf32>
    %slice3A_160 = vector.extract_strided_slice %add3A_159 {offsets = [0, 7], sizes = [16, 1], strides = [1, 1]} : vector<16x8xf32> to vector<16x1xf32>
    %squeeze3A = vector.shape_cast %slice3A_160 : vector<16x1xf32> to vector<16xf32>
    %reshape3A = vector.shape_cast %squeeze3A : vector<16xf32> to vector<1x16xf32>
    %broadcast_in_dim3A_161 = arith.constant 0.000000e+00 : f32
    %broadcast_in_dim3A_162 = vector.broadcast %broadcast_in_dim3A_161 : f32 to vector<1x1xf32>
    %slice3A_163 = vector.extract_strided_slice %reshape3A {offsets = [0, 0], sizes = [1, 15], strides = [1, 1]} : vector<1x16xf32> to vector<1x15xf32>
    %concatenate3A_164 = tpu.concatenate %broadcast_in_dim3A_162, %slice3A_163 in 1 : vector<1x1xf32>, vector<1x15xf32> -> vector<1x16xf32>
    %add3A_165 = arith.addf %reshape3A, %concatenate3A_164 : vector<1x16xf32>
    %broadcast_in_dim3A_166 = arith.constant 0.000000e+00 : f32
    %broadcast_in_dim3A_167 = vector.broadcast %broadcast_in_dim3A_166 : f32 to vector<1x2xf32>
    %slice3A_168 = vector.extract_strided_slice %add3A_165 {offsets = [0, 0], sizes = [1, 14], strides = [1, 1]} : vector<1x16xf32> to vector<1x14xf32>
    %concatenate3A_169 = tpu.concatenate %broadcast_in_dim3A_167, %slice3A_168 in 1 : vector<1x2xf32>, vector<1x14xf32> -> vector<1x16xf32>
    %add3A_170 = arith.addf %add3A_165, %concatenate3A_169 : vector<1x16xf32>
    %broadcast_in_dim3A_171 = arith.constant 0.000000e+00 : f32
    %broadcast_in_dim3A_172 = vector.broadcast %broadcast_in_dim3A_171 : f32 to vector<1x4xf32>
    %slice3A_173 = vector.extract_strided_slice %add3A_170 {offsets = [0, 0], sizes = [1, 12], strides = [1, 1]} : vector<1x16xf32> to vector<1x12xf32>
    %concatenate3A_174 = tpu.concatenate %broadcast_in_dim3A_172, %slice3A_173 in 1 : vector<1x4xf32>, vector<1x12xf32> -> vector<1x16xf32>
    %add3A_175 = arith.addf %add3A_170, %concatenate3A_174 : vector<1x16xf32>
    %broadcast_in_dim3A_176 = arith.constant 0.000000e+00 : f32
    %broadcast_in_dim3A_177 = vector.broadcast %broadcast_in_dim3A_176 : f32 to vector<1x8xf32>
    %slice3A_178 = vector.extract_strided_slice %add3A_175 {offsets = [0, 0], sizes = [1, 8], strides = [1, 1]} : vector<1x16xf32> to vector<1x8xf32>
    %concatenate3A_179 = tpu.concatenate %broadcast_in_dim3A_177, %slice3A_178 in 1 : vector<1x8xf32>, vector<1x8xf32> -> vector<1x16xf32>
    %add3A_180 = arith.addf %add3A_175, %concatenate3A_179 : vector<1x16xf32>
    %sub3A_181 = arith.subf %add3A_180, %reshape3A : vector<1x16xf32>
    %slice3A_182 = vector.extract_strided_slice %sub3A_181 {offsets = [0, 15], sizes = [1, 1], strides = [1, 1]} : vector<1x16xf32> to vector<1x1xf32>
    %slice3A_183 = vector.extract_strided_slice %reshape3A {offsets = [0, 15], sizes = [1, 1], strides = [1, 1]} : vector<1x16xf32> to vector<1x1xf32>
    %add3A_184 = arith.addf %slice3A_182, %slice3A_183 : vector<1x1xf32>
    %iota3A_185 = tpu.iota {dimensions = array<i32: 0>} : vector<23x1xi32>
    %convert_element_type3A_186 = arith.sitofp %iota3A_185 : vector<23x1xi32> to vector<23x1xf32>
    %le3A = vector.broadcast %sub3A_181 : vector<1x16xf32> to vector<23x16xf32>
    %le3A_187 = vector.broadcast %convert_element_type3A_186 : vector<23x1xf32> to vector<23x16xf32>
    %le3A_188 = arith.cmpf ole, %le3A, %le3A_187 : vector<23x16xf32>
    %convert_element_type3A_189 = arith.extui %le3A_188 : vector<23x16xi1> to vector<23x16xi32>
    %convert_element_type3A_190 = arith.sitofp %convert_element_type3A_189 : vector<23x16xi32> to vector<23x16xf32>
    %reduce_sum3A_191 = arith.constant dense<0.000000e+00> : vector<23xf32>
    %reduce_sum3A_192 = vector.multi_reduction <add>, %convert_element_type3A_190, %reduce_sum3A_191 [1] : vector<23x16xf32> to vector<23xf32>
    %broadcast_in_dim3A_193 = vector.shape_cast %reduce_sum3A_192 : vector<23xf32> to vector<23x1xf32>
    %sub3A_194 = arith.constant 1.000000e+00 : f32
    %sub3A_195 = vector.broadcast %sub3A_194 : f32 to vector<23x1xf32>
    %sub3A_196 = arith.subf %broadcast_in_dim3A_193, %sub3A_195 : vector<23x1xf32>
    %jit3A_197 = arith.constant 0.000000e+00 : f32
    %jit3A_198 = arith.constant 1.500000e+01 : f32
    %max3A = vector.broadcast %jit3A_197 : f32 to vector<23x1xf32>
    %max3A_199 = arith.maximumf %max3A, %sub3A_196 : vector<23x1xf32>
    %min3A = vector.broadcast %jit3A_198 : f32 to vector<23x1xf32>
    %min3A_200 = arith.minimumf %min3A, %max3A_199 : vector<23x1xf32>
    %iota3A_201 = tpu.iota {dimensions = array<i32: 1>} : vector<23x16xi32>
    %convert_element_type3A_202 = arith.sitofp %iota3A_201 : vector<23x16xi32> to vector<23x16xf32>
    %eq3A_203 = vector.broadcast %min3A_200 : vector<23x1xf32> to vector<23x16xf32>
    %eq3A_204 = arith.cmpf oeq, %convert_element_type3A_202, %eq3A_203 : vector<23x16xf32>
    %convert_element_type3A_205 = arith.extui %eq3A_204 : vector<23x16xi1> to vector<23x16xi32>
    %convert_element_type3A_206 = arith.sitofp %convert_element_type3A_205 : vector<23x16xi32> to vector<23x16xf32>
    %mul3A_207 = vector.broadcast %sub3A_181 : vector<1x16xf32> to vector<23x16xf32>
    %mul3A_208 = arith.mulf %convert_element_type3A_206, %mul3A_207 : vector<23x16xf32>
    %reduce_sum3A_209 = arith.constant dense<0.000000e+00> : vector<23xf32>
    %reduce_sum3A_210 = vector.multi_reduction <add>, %mul3A_208, %reduce_sum3A_209 [1] : vector<23x16xf32> to vector<23xf32>
    %broadcast_in_dim3A_211 = vector.shape_cast %reduce_sum3A_210 : vector<23xf32> to vector<23x1xf32>
    %sub3A_212 = arith.subf %convert_element_type3A_186, %broadcast_in_dim3A_211 : vector<23x1xf32>
    %dot_general3A_213 = arith.constant dense<0.000000e+00> : vector<23x8xf32>
    %dot_general3A_214 = tpu.matmul %convert_element_type3A_206, %add3A_159, %dot_general3A_213 {dimension_numbers = #tpu.dot_dimension_numbers<[1], [0], [0], [1], [0, 0, 1, 1], [], []>, transpose_lhs_hint = false} : vector<23x16xf32>, vector<16x8xf32>, vector<23x8xf32> -> vector<23x8xf32>
    %le3A_215 = vector.broadcast %sub3A_212 : vector<23x1xf32> to vector<23x8xf32>
    %le3A_216 = arith.cmpf ole, %dot_general3A_214, %le3A_215 : vector<23x8xf32>
    %convert_element_type3A_217 = arith.extui %le3A_216 : vector<23x8xi1> to vector<23x8xi32>
    %convert_element_type3A_218 = arith.sitofp %convert_element_type3A_217 : vector<23x8xi32> to vector<23x8xf32>
    %reduce_sum3A_219 = arith.constant dense<0.000000e+00> : vector<23xf32>
    %reduce_sum3A_220 = vector.multi_reduction <add>, %convert_element_type3A_218, %reduce_sum3A_219 [1] : vector<23x8xf32> to vector<23xf32>
    %broadcast_in_dim3A_221 = vector.shape_cast %reduce_sum3A_220 : vector<23xf32> to vector<23x1xf32>
    %jit3A_222 = arith.constant 0.000000e+00 : f32
    %jit3A_223 = arith.constant 7.000000e+00 : f32
    %max3A_224 = vector.broadcast %jit3A_222 : f32 to vector<23x1xf32>
    %max3A_225 = arith.maximumf %max3A_224, %broadcast_in_dim3A_221 : vector<23x1xf32>
    %min3A_226 = vector.broadcast %jit3A_223 : f32 to vector<23x1xf32>
    %min3A_227 = arith.minimumf %min3A_226, %max3A_225 : vector<23x1xf32>
    %lt3A_228 = vector.broadcast %add3A_184 : vector<1x1xf32> to vector<23x1xf32>
    %lt3A_229 = arith.cmpf olt, %convert_element_type3A_186, %lt3A_228 : vector<23x1xf32>
    %convert_element_type3A_230 = arith.extui %lt3A_229 : vector<23x1xi1> to vector<23x1xi32>
    %convert_element_type3A_231 = arith.sitofp %convert_element_type3A_230 : vector<23x1xi32> to vector<23x1xf32>
    %broadcast_in_dim3A_232 = arith.constant 1.000000e+00 : f32
    %broadcast_in_dim3A_233 = vector.broadcast %broadcast_in_dim3A_232 : f32 to vector<1x1xf32>
    %neg3A = arith.constant 0.000000e+00 : f32
    %neg3A_234 = vector.broadcast %neg3A : f32 to vector<1x1xf32>
    %neg3A_235 = arith.subf %neg3A_234, %broadcast_in_dim3A_233 : vector<1x1xf32>
    %slice3A_236 = vector.extract_strided_slice %min3A_200 {offsets = [0, 0], sizes = [22, 1], strides = [1, 1]} : vector<23x1xf32> to vector<22x1xf32>
    %concatenate3A_237 = tpu.concatenate %neg3A_235, %slice3A_236 in 0 : vector<1x1xf32>, vector<22x1xf32> -> vector<23x1xf32>
    %ne3A = arith.cmpf one, %min3A_200, %concatenate3A_237 : vector<23x1xf32>
    %convert_element_type3A_238 = arith.extui %ne3A : vector<23x1xi1> to vector<23x1xi32>
    %convert_element_type3A_239 = arith.sitofp %convert_element_type3A_238 : vector<23x1xi32> to vector<23x1xf32>
    %reshape3A_240 = vector.shape_cast %min3A_200 : vector<23x1xf32> to vector<23xf32>
    %convert_element_type3A_241 = arith.fptosi %reshape3A_240 : vector<23xf32> to vector<23xi32>
    %swap3A_242 = arith.constant 0 : index
    %swap3A_243 = arith.constant 0 : index
    %swap3A_244 = vector.load %arg7[%swap3A_242, %swap3A_243] : memref<4x23xi32, #tpu.memory_space<vmem>>, vector<1x23xi32>
    %swap3A_245 = vector.shape_cast %swap3A_244 : vector<1x23xi32> to vector<23xi32>
    %swap3A_246 = vector.shape_cast %convert_element_type3A_241 : vector<23xi32> to vector<1x23xi32>
    tpu.vector_store %arg7[%swap3A_242, %swap3A_243], %swap3A_246 {strides = array<i32>} : memref<4x23xi32, #tpu.memory_space<vmem>>, vector<1x23xi32>,
    %reshape3A_247 = vector.shape_cast %min3A_227 : vector<23x1xf32> to vector<23xf32>
    %convert_element_type3A_248 = arith.fptosi %reshape3A_247 : vector<23xf32> to vector<23xi32>
    %swap3A_249 = arith.constant 1 : index
    %swap3A_250 = arith.constant 0 : index
    %swap3A_251 = vector.load %arg7[%swap3A_249, %swap3A_250] : memref<4x23xi32, #tpu.memory_space<vmem>>, vector<1x23xi32>
    %swap3A_252 = vector.shape_cast %swap3A_251 : vector<1x23xi32> to vector<23xi32>
    %swap3A_253 = vector.shape_cast %convert_element_type3A_248 : vector<23xi32> to vector<1x23xi32>
    tpu.vector_store %arg7[%swap3A_249, %swap3A_250], %swap3A_253 {strides = array<i32>} : memref<4x23xi32, #tpu.memory_space<vmem>>, vector<1x23xi32>,
    %reshape3A_254 = vector.shape_cast %convert_element_type3A_231 : vector<23x1xf32> to vector<23xf32>
    %convert_element_type3A_255 = arith.fptosi %reshape3A_254 : vector<23xf32> to vector<23xi32>
    %swap3A_256 = arith.constant 2 : index
    %swap3A_257 = arith.constant 0 : index
    %swap3A_258 = vector.load %arg7[%swap3A_256, %swap3A_257] : memref<4x23xi32, #tpu.memory_space<vmem>>, vector<1x23xi32>
    %swap3A_259 = vector.shape_cast %swap3A_258 : vector<1x23xi32> to vector<23xi32>
    %swap3A_260 = vector.shape_cast %convert_element_type3A_255 : vector<23xi32> to vector<1x23xi32>
    tpu.vector_store %arg7[%swap3A_256, %swap3A_257], %swap3A_260 {strides = array<i32>} : memref<4x23xi32, #tpu.memory_space<vmem>>, vector<1x23xi32>,
    %reshape3A_261 = vector.shape_cast %convert_element_type3A_239 : vector<23x1xf32> to vector<23xf32>
    %convert_element_type3A_262 = arith.fptosi %reshape3A_261 : vector<23xf32> to vector<23xi32>
    %swap3A_263 = arith.constant 3 : index
    %swap3A_264 = arith.constant 0 : index
    %swap3A_265 = vector.load %arg7[%swap3A_263, %swap3A_264] : memref<4x23xi32, #tpu.memory_space<vmem>>, vector<1x23xi32>
    %swap3A_266 = vector.shape_cast %swap3A_265 : vector<1x23xi32> to vector<23xi32>
    %swap3A_267 = vector.shape_cast %convert_element_type3A_262 : vector<23xi32> to vector<1x23xi32>
    tpu.vector_store %arg7[%swap3A_263, %swap3A_264], %swap3A_267 {strides = array<i32>} : memref<4x23xi32, #tpu.memory_space<vmem>>, vector<1x23xi32>,
    %broadcast_in_dim3A_268 = arith.constant 0.000000e+00 : f32
    %broadcast_in_dim3A_269 = vector.broadcast %broadcast_in_dim3A_268 : f32 to vector<2048x120xf32>
    %mul3A_270 = vector.broadcast %div3A_30 : vector<2048x1xf32> to vector<2048x8xf32>
    %mul3A_271 = arith.mulf %convert_element_type3A_37, %mul3A_270 : vector<2048x8xf32>
    %concatenate3A_272 = tpu.concatenate %mul3A_271, %broadcast_in_dim3A_269 in 1 : vector<2048x8xf32>, vector<2048x120xf32> -> vector<2048x128xf32>
    %swap3A_273 = arith.constant 0 : index
    %swap3A_274 = arith.constant 0 : index
    %swap3A_275 = vector.load %arg5[%swap3A_273, %swap3A_274] : memref<2048x128xf32, #tpu.memory_space<vmem>>, vector<2048x128xf32>
    tpu.vector_store %arg5[%swap3A_273, %swap3A_274], %concatenate3A_272 {strides = array<i32>} : memref<2048x128xf32, #tpu.memory_space<vmem>>, vector<2048x128xf32>,
    %mul3A_276 = vector.broadcast %div3A_34 : vector<2048x1xf32> to vector<2048x8xf32>
    %mul3A_277 = arith.mulf %convert_element_type3A_41, %mul3A_276 : vector<2048x8xf32>
    %concatenate3A_278 = tpu.concatenate %mul3A_277, %broadcast_in_dim3A_269 in 1 : vector<2048x8xf32>, vector<2048x120xf32> -> vector<2048x128xf32>
    %swap3A_279 = arith.constant 0 : index
    %swap3A_280 = arith.constant 0 : index
    %swap3A_281 = vector.load %arg6[%swap3A_279, %swap3A_280] : memref<2048x128xf32, #tpu.memory_space<vmem>>, vector<2048x128xf32>
    tpu.vector_store %arg6[%swap3A_279, %swap3A_280], %concatenate3A_278 {strides = array<i32>} : memref<2048x128xf32, #tpu.memory_space<vmem>>, vector<2048x128xf32>,
    %convert_element_type3A_282 = arith.truncf %get3A_1 : vector<2048x1024xf32> to vector<2048x1024xbf16>
    %slice3A_283 = vector.extract_strided_slice %convert_element_type3A_282 {offsets = [0, 0], sizes = [2048, 512], strides = [1, 1]} : vector<2048x1024xbf16> to vector<2048x512xbf16>
    %bitcast_convert_type3A = tpu.bitcast %slice3A_283 : vector<2048x512xbf16> -> vector<2048x512xi16>
    %convert_element_type3A_284 = arith.extui %bitcast_convert_type3A : vector<2048x512xi16> to vector<2048x512xi32>
    %slice3A_285 = vector.extract_strided_slice %convert_element_type3A_282 {offsets = [0, 512], sizes = [2048, 512], strides = [1, 1]} : vector<2048x1024xbf16> to vector<2048x512xbf16>
    %bitcast_convert_type3A_286 = tpu.bitcast %slice3A_285 : vector<2048x512xbf16> -> vector<2048x512xi16>
    %convert_element_type3A_287 = arith.extui %bitcast_convert_type3A_286 : vector<2048x512xi16> to vector<2048x512xi32>
    %shift_left3A = arith.constant 16 : i32
    %shift_left3A_288 = vector.broadcast %shift_left3A : i32 to vector<2048x512xi32>
    %shift_left3A_289 = arith.shli %convert_element_type3A_287, %shift_left3A_288 : vector<2048x512xi32>
    %or3A = arith.ori %shift_left3A_289, %convert_element_type3A_284 : vector<2048x512xi32>
    %swap3A_290 = arith.constant 0 : index
    %swap3A_291 = arith.constant 0 : index
    %swap3A_292 = vector.load %arg8[%swap3A_290, %swap3A_291] : memref<2048x512xi32, #tpu.memory_space<vmem>>, vector<2048x512xi32>
    tpu.vector_store %arg8[%swap3A_290, %swap3A_291], %or3A {strides = array<i32>} : memref<2048x512xi32, #tpu.memory_space<vmem>>, vector<2048x512xi32>,
    return
  }
  func.func @transform_0(%arg0: i32) -> (i32, i32) {
    %c0_i32 = arith.constant 0 : i32
    %c0_i32_0 = arith.constant 0 : i32
    %c0_i32_1 = arith.constant 0 : i32
    return %c0_i32, %c0_i32_0 : i32, i32
  }
  func.func @transform_1(%arg0: i32) -> (i32, i32) {
    %c0_i32 = arith.constant 0 : i32
    %c0_i32_0 = arith.constant 0 : i32
    %c0_i32_1 = arith.constant 0 : i32
    return %c0_i32, %c0_i32_0 : i32, i32
  }
  func.func @transform_2(%arg0: i32) -> i32 {
    %c0_i32 = arith.constant 0 : i32
    %c0_i32_0 = arith.constant 0 : i32
    return %c0_i32 : i32
  }
  func.func @transform_3(%arg0: i32) -> i32 {
    %c0_i32 = arith.constant 0 : i32
    %c0_i32_0 = arith.constant 0 : i32
    return %c0_i32 : i32
  }
  func.func @transform_4(%arg0: i32) -> (i32, i32) {
    %c0_i32 = arith.constant 0 : i32
    %c0_i32_0 = arith.constant 0 : i32
    %c0_i32_1 = arith.constant 0 : i32
    return %c0_i32, %c0_i32_0 : i32, i32
  }
  func.func @transform_5(%arg0: i32) -> (i32, i32) {
    %c0_i32 = arith.constant 0 : i32
    %c0_i32_0 = arith.constant 0 : i32
    %c0_i32_1 = arith.constant 0 : i32
    return %c0_i32, %c0_i32_0 : i32, i32
  }
  func.func @transform_6(%arg0: i32) -> (i32, i32) {
    %c0_i32 = arith.constant 0 : i32
    %c0_i32_0 = arith.constant 0 : i32
    %c0_i32_1 = arith.constant 0 : i32
    return %c0_i32, %c0_i32_0 : i32, i32
  }
  func.func @transform_7(%arg0: i32) -> (i32, i32) {
    %c0_i32 = arith.constant 0 : i32
    %c0_i32_0 = arith.constant 0 : i32
    %c0_i32_1 = arith.constant 0 : i32
    return %c0_i32, %c0_i32_0 : i32, i32
  }
}

</mosaic_0001>

<sc_bundles>
// kernel: kernel.6.cloned.1.call-start
scs
__scs_entry_jumppad:
0x0: {  	(pc) =	sbr.rel $0x88, $3  }
0x1: {  	(tag) =	ssettag $0x0;
	lr =	simm.s32 $0x1  }
0x2: {  	[smem:$0x3F9D] =	sst lr;
	_ =	strace $0xD0000000  }
0x3: {  	_ = 	snop  }
0x4: {  	_ = 	snop  }
0x5: {  	_ = 	snop  }
0x6: {  	_ = 	snop  }
0x7: {  	_ = 	snop  }
__scs_overlays_trampoline_lowered:
0x8: {  	[smem:$0x3FAC] =	sst s0  }
0x9: {  	[smem:$0x3FAD] =	sst s1  }
0xa: {  	[smem:$0x3FAE] =	sst s2  }
0xb: {  	[smem:$0x3FAF] =	sst s3  }
0xc: {  	[smem:$0x3FB0] =	sst s4  }
0xd: {  	[smem:$0x3FB1] =	sst s5  }
0xe: {  	[smem:$0x3FB2] =	sst s6  }
0xf: {  	[smem:$0x3FB3] =	sst s7  }
0x10: {  	[smem:$0x3FB4] =	sst s8  }
0x11: {  	[smem:$0x3FB5] =	sst s9;
	s0 =	simm.s32 @!p0 $0x0  }
0x12: {  	s1 =	sld [smem:$0x3F9B];
	s0 =	simm.s32 @p0 $0x1  }
0x13: {  	[smem:$0x3FB6] =	sst s0;
	s0 =	simm.s32 @!p1 $0x0  }
0x14: {  	s2 =	sld [smem:$0x3F9A];
	s0 =	simm.s32 @p1 $0x1  }
0x15: {  	[smem:$0x3FB7] =	sst s0;
	s0 =	simm.s32 @!p2 $0x0  }
0x16: {  	s3 =	sld [smem:$0x3FDB];
	s0 =	simm.s32 @p2 $0x1  }
0x17: {  	s4 =	simm.s32 $0x1BF5;
	[smem:$0x3FB9] =	sst s0  }
0x18: {  	s0 =	sld [smem:$0x3F9C];
	_ =	swait.ge [sflag:s4], $0x0  }
0x19: {  	s7 =	sld [smem:$0x3F9D]  }
0x1a: {  	s8 =	sadd.s32 $0xFFFFE003, lr  }
0x1b: {  	s9 =	sadd.s32 $0xFFFFFEF7, lr;
	s5 =	simm.s32 $0xFFFFFFFF;
	p2 =	slt.u32 s8, $0xFFFFF086  }
0x1c: {  	p1 =	slt.u32 s9, $0xF7A;
	s5 =	simm.s32 @!p2 $0x0  }
0x1d: {  	s5 =	simm.s32 @p1 $0x1;
	p0 =	seq.s32 s7, s2  }
0x1e: {  	s7 =	smul.u32 @!p0 $0xF7A, s2;
	p2 =	seq.s32 @!p0 s5, $0x0  }
0x1f: {  	s9 =	smul.u32 $0xF7A, s1;
	s8 =	simm.s32 @!p0 $0x1BF5;
	p2 =	por !p2, p0  }
0x20: {  	[sflag:s8] =	ssyncset.s32 @!p0 $0xFFFFF086;
	s6 =	sadd.s32 @!p0 s3, s7;
	s7 =	simm.s32 @!p0 $0x108  }
0x21: {  	s3 =	sadd.s32 s3, s9;
	s6 =	sadd.s32 @!p0 $0x88, s6;
	s7 =	simm.s32 @p2 $0x1082  }
0x22: {  	[simem:s7], [sflag:s8] =	dma.local @!p0 [hbm:s6], $0xF7A  }
0x23: {  	s9 =	sor.u32 $0xD0000000, s2;
	s6 =	simm.s32 $0x108;
	_ =	swait.ge @!p0 [sflag:s8], $0x0  }
0x24: {  	s3 =	sadd.s32 $0x88, s3;
	s6 =	simm.s32 @!p1 $0x1082;
	[sflag:s4] =	ssyncset.s32 $0xFFFFF086  }
0x25: {  	[simem:s6], [sflag:s4] =	dma.local [hbm:s3], $0xF7A  }
0x26: {  	[smem:$0x3F9D] =	sst s1;
	(tag) =	ssettag s2;
	_ =	strace s9  }
0x27: {  	s1 =	sld [smem:$0x3FAD]  }
0x28: {  	s2 =	sld [smem:$0x3FAE]  }
0x29: {  	s4 =	sld [smem:$0x3FB0]  }
0x2a: {  	p0 =	seq.s32 s5, $0x0;
	s5 =	sld [smem:$0x3FB1]  }
0x2b: {  	s6 =	sld [smem:$0x3FB2]  }
0x2c: {  	s7 =	sld [smem:$0x3FB3]  }
0x2d: {  	s3 =	simm.s32 $0x108;
	s8 =	sld [smem:$0x3FB4]  }
0x2e: {  	s3 =	simm.s32 @!p0 $0x1082;
	s9 =	sld [smem:$0x3FB5]  }
0x2f: {  	lr =	sadd.s32 s0, s3;
	s0 =	sld [smem:$0x3FAC]  }
0x30: {  	s3 =	sld [smem:$0x3FAF]  }
0x31: {  	[smem:$0x3FB8] =	sst s10  }
0x32: {  	s10 =	sld [smem:$0x3FB6];
	_ =	sdelay $0x3  }
0x33: {  	p0 =	seq.s32 s10, $0x1;
	s10 =	sld [smem:$0x3FB8];
	_ =	sdelay $0x3  }
0x34: {  	[smem:$0x3FB8] =	sst s10  }
0x35: {  	s10 =	sld [smem:$0x3FB7];
	_ =	sdelay $0x3  }
0x36: {  	p1 =	seq.s32 s10, $0x1;
	s10 =	sld [smem:$0x3FB8];
	_ =	sdelay $0x3  }
0x37: {  	[smem:$0x3FB8] =	sst s10  }
0x38: {  	s10 =	sld [smem:$0x3FB9]  }
0x39: {  	_ = 	snop;
	(pc) =	sbr.ind lr, $3  }
0x3a: {  	_ = 	snop  }
0x3b: {  	_ = 	snop  }
0x3c: {  	p2 =	seq.s32 s10, $0x1;
	s10 =	sld [smem:$0x3FB8]  }
0x3d: {  	_ =	shalt  }
0x3e: {  	_ =	shalt  }
0x3f: {  	_ =	shalt  }
0x40: {  	_ =	shalt  }
0x41: {  	_ =	shalt  }
0x42: {  	_ =	shalt  }
0x43: {  	_ =	shalt  }
0x44: {  	_ =	shalt  }
0x45: {  	_ =	shalt  }
0x46: {  	_ =	shalt  }
0x47: {  	_ =	shalt  }
0x48: {  	_ =	shalt  }
0x49: {  	_ =	shalt  }
0x4a: {  	_ =	shalt  }
0x4b: {  	_ =	shalt  }
0x4c: {  	_ =	shalt  }
0x4d: {  	_ =	shalt  }
0x4e: {  	_ =	shalt  }
0x4f: {  	_ =	shalt  }
0x50: {  	_ =	shalt  }
0x51: {  	_ =	shalt  }
0x52: {  	_ =	shalt  }
0x53: {  	_ =	shalt  }
0x54: {  	_ =	shalt  }
0x55: {  	_ =	shalt  }
0x56: {  	_ =	shalt  }
0x57: {  	_ =	shalt  }
0x58: {  	_ =	shalt  }
0x59: {  	_ =	shalt  }
0x5a: {  	_ =	shalt  }
0x5b: {  	_ =	shalt  }
0x5c: {  	_ =	shalt  }
0x5d: {  	_ =	shalt  }
0x5e: {  	_ =	shalt  }
0x5f: {  	_ =	shalt  }
0x60: {  	_ =	shalt  }
0x61: {  	_ =	shalt  }
0x62: {  	_ =	shalt  }
0x63: {  	_ =	shalt  }
0x64: {  	_ =	shalt  }
0x65: {  	_ =	shalt  }
0x66: {  	_ =	shalt  }
0x67: {  	_ =	shalt  }
0x68: {  	_ =	shalt  }
0x69: {  	_ =	shalt  }
0x6a: {  	_ =	shalt  }
0x6b: {  	_ =	shalt  }
0x6c: {  	_ =	shalt  }
0x6d: {  	_ =	shalt  }
0x6e: {  	_ =	shalt  }
0x6f: {  	_ =	shalt  }
0x70: {  	_ =	shalt  }
0x71: {  	_ =	shalt  }
0x72: {  	_ =	shalt  }
0x73: {  	_ =	shalt  }
0x74: {  	_ =	shalt  }
0x75: {  	_ =	shalt  }
0x76: {  	_ =	shalt  }
0x77: {  	_ =	shalt  }
0x78: {  	_ =	shalt  }
0x79: {  	_ =	shalt  }
0x7a: {  	_ =	shalt  }
0x7b: {  	_ =	shalt  }
0x7c: {  	_ =	shalt  }
0x7d: {  	_ =	shalt  }
0x7e: {  	_ =	shalt  }
0x7f: {  	_ =	shalt  }
0x80: {  	_ =	shalt  }
0x81: {  	_ =	shalt  }
0x82: {  	_ =	shalt  }
0x83: {  	_ =	shalt  }
0x84: {  	_ =	shalt  }
0x85: {  	_ =	shalt  }
0x86: {  	_ =	shalt  }
0x87: {  	_ =	shalt  }
.Lfunc_end0:
.L_simem_size_0:
called_computation_lowered:
.L_overlay_start_0:
0x88: {  	s2 =	sld [smem:$0x3FD9]  }
0x89: {  	s3 =	sld [smem:$0x3FFE];
	_ =	sdelay $0x1  }
0x8a: {  	s1 =	srdreg.scid  }
0x8b: {  	s0 =	sand.u32 $0x1, s1  }
0x8c: {  	s17 =	sshll.u32 s0, $0xA;
	s2 =	sadd.s32 s3, s2  }
0x8d: {  	s2 =	sadd.s32 s2, s17  }
0x8e: {  	[smem:$0x3FC4] =	sst s2  }
0x8f: {  	_ = 	snop  }
0x90: {  	s2 =	sld [smem:$0x3FD0];
	(tm) =	ssettm $0x1  }
0x91: {  	s18 =	sld [smem:$0x3FFB];
	_ =	sdelay $0x3  }
0x92: {  	_ =	strace s18  }
0x93: {  	s3 =	sld [smem:$0x3FFC];
	_ =	sdelay $0x3  }
0x94: {  	_ =	strace s3  }
0x95: {  	s3 =	sld [smem:$0x3FFD];
	_ =	sdelay $0x3  }
0x96: {  	_ =	strace s3  }
0x97: {  	_ =	strace $0x8FFFFFFF  }
0x98: {  	s19 =	sld [smem:$0x3FDB];
	_ =	sdelay $0x1  }
0x99: {  	s4 =	simm.s32 $_scs_section_size  }
0x9a: {  	s5 =	simm.s32 $_size__tile_overlayer_lowered;
	s6 =	simm.s32 $_tile_overlayer_lowered  }
0x9b: {  	s22 =	simm.s32 $0x1BFF;
	s21 =	sshll.u32 s6, $0x1;
	s3 =	sadd.s32 s4, s19  }
0x9c: {  	s7 =	simm.s32 $0x0;
	s20 =	sshll.u32 s5, $0x1;
	s5 =	sadd.s32 s21, s3  }
0x9d: {  	[timem:s7], [sflag:s22] =	dma.local [hbm:s5], s20  }
0x9e: {  	_ =	swait.ge [sflag:s22], s20  }
0x9f: {  	s4 =	ssub.s32 $0x0, s20;
	[sflag:s22] =	ssyncset.done $0x0  }
0xa0: {  	[sflag:s22] =	ssyncadd.s32 s4;
	_ =	sdelay $0x1  }
0xa1: {  	s23 =	simm.s32 $0x1B8B  }
0xa2: {  	_ =	swait.ge [sflag:s23], $0x1  }
0xa3: {  	[sflag:s23] =	ssyncset.done $0x0  }
0xa4: {  	s25 =	simm.s32 $0x1B8E;
	s24 =	sld [smem:$0x3FFE];
	[sflag:s23] =	ssyncadd.s32 $0xFFFFFFFF  }
0xa5: {  	s26 =	simm.s32 $execute0_lowered;
	[smem:$0x3FD2] =	sst s25  }
0xa6: {  	s5 =	sshll.u32 s26, $0x1;
	_ =	strace $0x80000046;
	[dreg:$0x1] =	wrdreg $0xFFFFFFFF  }
0xa7: {  	s28 =	simm.s32 $_size_execute0_lowered;
	s3 =	sadd.s32 s3, s5;
	[dreg:$0x0] =	wrdreg $0x0  }
0xa8: {  	s5 =	sshll.u32 s28, $0x1;
	[dreg:$0x2] =	wrdreg s3  }
0xa9: {  	[dreg:$0x3] =	wrdreg s5  }
0xaa: {  	[dreg:$0x4] =	wrdreg $0xC0  }
0xab: {  	_ =	task [dreg:s7], $0x5FFFF  }
0xac: {  	[dreg:$0x1] =	wrdreg $0xFFFFFFFF  }
0xad: {  	[dreg:$0x0] =	wrdreg $0x60  }
0xae: {  	[dreg:$0x2] =	wrdreg s24  }
0xaf: {  	[dreg:$0x3] =	wrdreg s2  }
0xb0: {  	[dreg:$0x4] =	wrdreg $0x9  }
0xb1: {  	_ =	task.clear_ibuf [dreg:s7], $0x5FFFF;
	_ =	strace $0x90000046  }
0xb2: {  	s29 =	simm.s32 $0x9;
	_ =	strace $0x80000048  }
0xb3: {  	_ =	swait.ge [sflag:s29], $0x1  }
0xb4: {  	[sflag:s29] =	ssyncadd.s32 $0xFFFFFFFF  }
0xb5: {  	_ =	strace $0x90000048  }
0xb6: {  	_ =	sfence  }
0xb7: {  	s30 =	sld [smem:$0x0];
	_ =	sdelay $0x2  }
0xb8: {  	s31 =	sshll.u32 s1, $0xD;
	s1 =	sshrl.u32 s1, $0x2  }
0xb9: {  	s3 =	sand.u32 $0x4000, s31;
	s1 =	sadd.s32 s1, s30  }
0xba: {  	s0 =	sor.u32 s3, s0;
	s1 =	sshll.u32 s1, $0x11  }
0xbb: {  	s0 =	sor.u32 s1, s0  }
0xbc: {  	s0 =	sadd.s32 $0x8F2B, s0  }
0xbd: {  	[sflag:s0] =	ssyncadd.remote.s32 $0x1  }
0xbe: {  	_ =	sfence.sel $0xFFFF  }
0xbf: {  	[dreg:$0x0] =	wrdreg $0xFFFFFFFF;
	(pc) =	sbr.abs _section_cstart, $3  }
0xc0: {  	[dreg:$0x1] =	wrdreg $0xFFFFFFFF  }
0xc1: {  	_ =	task.clear_ibuf [dreg:s7], $0x2FFFF;
	_ =	strace $0x9FFFFFFF  }
0xc2: {  	(tm) =	ssettm $0x7FFFFFFF  }
0xc3: {  	_ =	shalt  }
tec
execute0_lowered:
.L_overlay_start_1:
0x0: {  	(tag) =	ssettag $0x1  }
0x1: {  	s0 =	srdreg.scid  }
0x2: {  	s1 =	rddreg [dreg:$0x0];
	s3 =	stileid.u32  }
0x3: {  	s2 =	rddreg [dreg:$0x1];
	s29 =	simm.s32 $0x2;
	s30 =	simm.s32 $0x4  }
0x4: {  	s9 =	simm.s32 $0x9;
	s14 =	simm.s32 $0xC000;
	s15 =	simm.s32 $0xC080  }
0x5: {  	s16 =	simm.s32 $0x8000;
	s17 =	simm.s32 $0x1000;
	s18 =	simm.s32 $0x1800  }
0x6: {  	s19 =	simm.s32 $0x2000;
	s20 =	simm.s32 $0x2800;
	s21 =	simm.s32 $0x3000  }
0x7: {  	s22 =	simm.s32 $0x3800;
	s28 =	simm.s32 $0x6000;
	s31 =	simm.s32 $0x6800  }
0x8: {  	s11 =	simm.s32 $0x7000;
	s12 =	simm.s32 $0x7800;
	s0 =	sand.u32 $0x1, s0  }
0x9: {  	s4 =	sshll.u32 s3, $0x7;
	s3 =	simm.s32 $0x0;
	s5 =	sshll.u32 s0, $0x6  }
0xa: {  	[smem:$0x7FF] =	sst s3;
	s0 =	ssub.s32 $0x2, s0;
	s4 =	sor.u32 s5, s4  }
0xb: {  	_ =	strace $0x80000047;
	s25 =	sshrl.u32 s0, $0x1;
	s5 =	sshrl.u32 s4, $0x3  }
0xc: {  	s6 =	sshll.u32 s4, $0x6;
	s4 =	sshll.u32 s4, $0x4;
	s0 =	ssub.s32 s0, s25  }
0xd: {  	s25 =	simm.s32 $0x5000;
	s5 =	sadd.s32 s5, s1;
	s6 =	sadd.s32 s6, s1  }
0xe: {  	s8 =	sadd.s32 s4, s1;
	s4 =	sadd.s32 $0x31400, s1;
	s7 =	sadd.s32 $0x31000, s5  }
0xf: {  	s1 =	simm.s32 $0x5;
	s5 =	sadd.s32 $0x31200, s5;
	[dreg:$0x3] =	wrdreg s7  }
0x10: {  	s23 =	sadd.s32 $0x10E00, s6;
	s24 =	sadd.s32 $0xE00, s8;
	[dreg:$0x4] =	wrdreg s5  }
0x11: {  	s26 =	sadd.s32 $0x8E00, s8;
	s6 =	smax.u32 s0, $0x1;
	[dreg:$0x5] =	wrdreg s23  }
0x12: {  	v2 =	vlaneseq.u32;
	s0 =	simm.s32 $0x6;
	s8 =	simm.s32 $0x8;
	[dreg:$0x6] =	wrdreg s24  }
0x13: {  	vm0 =	vmmov $0xffff;
	v1 =	vshrl.u32 v2, $0x3;
	[dreg:$0x7] =	wrdreg s26;
	s5 =	sadd.s32 $0x100, s2;
	s7 =	simm.s32 $0x7  }
0x14: {  	v0 =	vand.u32 $0x7, v2;
	v2 =	vor.u32 $0x8, v2;
	v1 =	vmul.u32 $0x8, v1;
	s23 =	simm.s32 $0x4000;
	s24 =	simm.s32 $0x4800;
	s26 =	simm.s32 $0x5800  }
.LBB2_1:
0x15: {  	s10 =	rddreg [dreg:$0x3]  }
0x16: {  	[tilespmem:s14], [sflag:$0x1] =	stream.linear.gather [hbm4b:s10+s3], $0x40, $0x38;
	[tilespmem:$0xC100] =	vst v63  }
0x17: {  	s13 =	rddreg [dreg:$0x4]  }
0x18: {  	[tilespmem:s15], [sflag:$0x2] =	stream.linear.gather [hbm4b:s13+s3], $0x40, $0x38;
	[tilespmem:$0xC100] =	vst v63  }
0x19: {  	s10 =	rddreg [dreg:$0x5]  }
0x1a: {  	[tilespmem:s3], [sflag:$0x3] =	stream.linear.gather [hbm4b:s10+s3], $0x8000, $0x38;
	[tilespmem:$0xC100] =	vst v63  }
0x1b: {  	s13 =	rddreg [dreg:$0x6]  }
0x1c: {  	[tilespmem:s16], [sflag:$0x4] =	stream.linear.gather [hbm4b:s13+s3], $0x2000, $0x38;
	[tilespmem:$0xC100] =	vst v63  }
0x1d: {  	s10 =	rddreg [dreg:$0x7];
	s13 =	simm.s32 $0xA000  }
0x1e: {  	[tilespmem:s13], [sflag:$0x5] =	stream.linear.gather [hbm4b:s10+s3], $0x2000, $0x38;
	[tilespmem:$0xC100] =	vst v63  }
0x1f: {  	s10 =	simm.s32 $0x1  }
0x20: {  	_ =	swait.ge [sflag:s10], $0x40  }
0x21: {  	[sflag:s10] =	ssyncset.done $0x0  }
0x22: {  	[sflag:s10] =	ssyncadd.s32 $0xFFFFFFC0;
	s10 =	simm.s32 $0x3  }
0x23: {  	_ =	swait.ge [sflag:s10], $0x8000  }
0x24: {  	[sflag:s10] =	ssyncset.done $0x0  }
0x25: {  	[sflag:s10] =	ssyncadd.s32 $0xFFFF8000  }
0x26: {  	v3 =	vld [tilespmem:$0xC000];
	_ =	sdelay $0x4  }
0x27: {  	v4 =	vshll.u32 v3, $0x2  }
0x28: {  	v3 =	vand.u32 $0x7, v3;
	v4 =	vand.u32 $0xFFFFFFE0, v4  }
0x29: {  	v3 =	vor.u32 v3, v4  }
0x2a: {  	v4 =	vperm.xlane v3, v0;
	_ =	sdelay $0x1  }
0x2b: {  	v4 =	vadd.s32 v1, v4;
	_ =	sdelay $0x1  }
0x2c: {  	v3 =	vperm.xlane v3, v2;
	_ =	sdelay $0x1  }
0x2d: {  	v3 =	vadd.s32 v1, v3  }
0x2e: {  	[hbm4b:s2+s3] =	stream.indirect_vreg.scatter [tilespmem:s3], [sflag:$0x6], $0x80, v4, vm0, $0xb8;
	[tilespmem:$0xC100] =	vst v63  }
0x2f: {  	s10 =	simm.s32 $0x800  }
0x30: {  	[hbm4b:s5+s3] =	stream.indirect_vreg.scatter [tilespmem:s10], [sflag:$0x6], $0x80, v4, vm0, $0xb8;
	[tilespmem:$0xC100] =	vst v63  }
0x31: {  	_ = 	snop  }
0x32: {  	[hbm4b:s2+s3] =	stream.indirect_vreg.scatter [tilespmem:s17], [sflag:$0x6], $0x80, v3, vm0, $0xb8;
	[tilespmem:$0xC100] =	vst v63  }
0x33: {  	_ = 	snop  }
0x34: {  	[hbm4b:s5+s3] =	stream.indirect_vreg.scatter [tilespmem:s18], [sflag:$0x6], $0x80, v3, vm0, $0xb8;
	[tilespmem:$0xC100] =	vst v63  }
0x35: {  	v3 =	vld [tilespmem:$0xC010];
	_ =	sdelay $0x4  }
0x36: {  	v57 =	vshll.u32 v3, $0x2  }
0x37: {  	v3 =	vand.u32 $0x7, v3;
	v4 =	vand.u32 $0xFFFFFFE0, v57  }
0x38: {  	v3 =	vor.u32 v3, v4  }
0x39: {  	v4 =	vperm.xlane v3, v0;
	_ =	sdelay $0x1  }
0x3a: {  	v4 =	vadd.s32 v1, v4;
	_ =	sdelay $0x1  }
0x3b: {  	v3 =	vperm.xlane v3, v2;
	_ =	sdelay $0x1  }
0x3c: {  	v3 =	vadd.s32 v1, v3  }
0x3d: {  	[hbm4b:s2+s3] =	stream.indirect_vreg.scatter [tilespmem:s19], [sflag:$0x6], $0x80, v4, vm0, $0xb8;
	[tilespmem:$0xC100] =	vst v63  }
0x3e: {  	_ = 	snop  }
0x3f: {  	[hbm4b:s5+s3] =	stream.indirect_vreg.scatter [tilespmem:s20], [sflag:$0x6], $0x80, v4, vm0, $0xb8;
	[tilespmem:$0xC100] =	vst v63  }
0x40: {  	_ = 	snop  }
0x41: {  	[hbm4b:s2+s3] =	stream.indirect_vreg.scatter [tilespmem:s21], [sflag:$0x6], $0x80, v3, vm0, $0xb8;
	[tilespmem:$0xC100] =	vst v63  }
0x42: {  	_ = 	snop  }
0x43: {  	[hbm4b:s5+s3] =	stream.indirect_vreg.scatter [tilespmem:s22], [sflag:$0x6], $0x80, v3, vm0, $0xb8;
	[tilespmem:$0xC100] =	vst v63  }
0x44: {  	v3 =	vld [tilespmem:$0xC020];
	_ =	sdelay $0x4  }
0x45: {  	v58 =	vshll.u32 v3, $0x2  }
0x46: {  	v3 =	vand.u32 $0x7, v3;
	v4 =	vand.u32 $0xFFFFFFE0, v58  }
0x47: {  	v3 =	vor.u32 v3, v4  }
0x48: {  	v4 =	vperm.xlane v3, v0;
	_ =	sdelay $0x1  }
0x49: {  	v4 =	vadd.s32 v1, v4;
	_ =	sdelay $0x1  }
0x4a: {  	v3 =	vperm.xlane v3, v2;
	_ =	sdelay $0x1  }
0x4b: {  	v3 =	vadd.s32 v1, v3  }
0x4c: {  	[hbm4b:s2+s3] =	stream.indirect_vreg.scatter [tilespmem:s23], [sflag:$0x6], $0x80, v4, vm0, $0xb8;
	[tilespmem:$0xC100] =	vst v63  }
0x4d: {  	_ = 	snop  }
0x4e: {  	[hbm4b:s5+s3] =	stream.indirect_vreg.scatter [tilespmem:s24], [sflag:$0x6], $0x80, v4, vm0, $0xb8;
	[tilespmem:$0xC100] =	vst v63  }
0x4f: {  	_ = 	snop  }
0x50: {  	[hbm4b:s2+s3] =	stream.indirect_vreg.scatter [tilespmem:s25], [sflag:$0x6], $0x80, v3, vm0, $0xb8;
	[tilespmem:$0xC100] =	vst v63  }
0x51: {  	_ = 	snop  }
0x52: {  	[hbm4b:s5+s3] =	stream.indirect_vreg.scatter [tilespmem:s26], [sflag:$0x6], $0x80, v3, vm0, $0xb8;
	[tilespmem:$0xC100] =	vst v63  }
0x53: {  	v3 =	vld [tilespmem:$0xC030];
	_ =	sdelay $0x4  }
0x54: {  	v59 =	vshll.u32 v3, $0x2  }
0x55: {  	v3 =	vand.u32 $0x7, v3;
	v4 =	vand.u32 $0xFFFFFFE0, v59  }
0x56: {  	v3 =	vor.u32 v3, v4  }
0x57: {  	v4 =	vperm.xlane v3, v0;
	_ =	sdelay $0x1  }
0x58: {  	v4 =	vadd.s32 v1, v4;
	_ =	sdelay $0x1  }
0x59: {  	v3 =	vperm.xlane v3, v2;
	_ =	sdelay $0x1  }
0x5a: {  	v3 =	vadd.s32 v1, v3  }
0x5b: {  	[hbm4b:s2+s3] =	stream.indirect_vreg.scatter [tilespmem:s28], [sflag:$0x6], $0x80, v4, vm0, $0xb8;
	[tilespmem:$0xC100] =	vst v63  }
0x5c: {  	_ = 	snop  }
0x5d: {  	[hbm4b:s5+s3] =	stream.indirect_vreg.scatter [tilespmem:s31], [sflag:$0x6], $0x80, v4, vm0, $0xb8;
	[tilespmem:$0xC100] =	vst v63  }
0x5e: {  	_ = 	snop  }
0x5f: {  	[hbm4b:s2+s3] =	stream.indirect_vreg.scatter [tilespmem:s11], [sflag:$0x6], $0x80, v3, vm0, $0xb8;
	[tilespmem:$0xC100] =	vst v63  }
0x60: {  	_ = 	snop  }
0x61: {  	[hbm4b:s5+s3] =	stream.indirect_vreg.scatter [tilespmem:s12], [sflag:$0x6], $0x80, v3, vm0, $0xb8;
	[tilespmem:$0xC100] =	vst v63  }
0x62: {  	_ =	swait.ge [sflag:s29], $0x40  }
0x63: {  	[sflag:s29] =	ssyncset.done $0x0  }
0x64: {  	[sflag:s29] =	ssyncadd.s32 $0xFFFFFFC0  }
0x65: {  	v3 =	vld [tilespmem:$0xC080];
	_ =	sdelay $0x4  }
0x66: {  	v60 =	vshll.u32 v3, $0x2  }
0x67: {  	v3 =	vand.u32 $0x7, v3;
	v4 =	vand.u32 $0xFFFFFFE0, v60  }
0x68: {  	v3 =	vor.u32 v3, v4  }
0x69: {  	v4 =	vperm.xlane v3, v0;
	_ =	sdelay $0x1  }
0x6a: {  	v4 =	vadd.s32 v1, v4;
	_ =	sdelay $0x1  }
0x6b: {  	v3 =	vperm.xlane v3, v2;
	_ =	sdelay $0x1  }
0x6c: {  	v3 =	vadd.s32 v1, v3  }
0x6d: {  	[hbm4b:s2+s3] =	stream.indirect_vreg.scatter [tilespmem:s3], [sflag:$0x7], $0x80, v4, vm0, $0xb8;
	[tilespmem:$0xC100] =	vst v63  }
0x6e: {  	_ = 	snop  }
0x6f: {  	[hbm4b:s5+s3] =	stream.indirect_vreg.scatter [tilespmem:s10], [sflag:$0x7], $0x80, v4, vm0, $0xb8;
	[tilespmem:$0xC100] =	vst v63  }
0x70: {  	_ = 	snop  }
0x71: {  	[hbm4b:s2+s3] =	stream.indirect_vreg.scatter [tilespmem:s17], [sflag:$0x7], $0x80, v3, vm0, $0xb8;
	[tilespmem:$0xC100] =	vst v63  }
0x72: {  	_ = 	snop  }
0x73: {  	[hbm4b:s5+s3] =	stream.indirect_vreg.scatter [tilespmem:s18], [sflag:$0x7], $0x80, v3, vm0, $0xb8;
	[tilespmem:$0xC100] =	vst v63  }
0x74: {  	v3 =	vld [tilespmem:$0xC090];
	_ =	sdelay $0x4  }
0x75: {  	v61 =	vshll.u32 v3, $0x2  }
0x76: {  	v3 =	vand.u32 $0x7, v3;
	v4 =	vand.u32 $0xFFFFFFE0, v61  }
0x77: {  	v3 =	vor.u32 v3, v4  }
0x78: {  	v4 =	vperm.xlane v3, v0;
	_ =	sdelay $0x1  }
0x79: {  	v4 =	vadd.s32 v1, v4;
	_ =	sdelay $0x1  }
0x7a: {  	v3 =	vperm.xlane v3, v2;
	_ =	sdelay $0x1  }
0x7b: {  	v3 =	vadd.s32 v1, v3  }
0x7c: {  	[hbm4b:s2+s3] =	stream.indirect_vreg.scatter [tilespmem:s19], [sflag:$0x7], $0x80, v4, vm0, $0xb8;
	[tilespmem:$0xC100] =	vst v63  }
0x7d: {  	_ = 	snop  }
0x7e: {  	[hbm4b:s5+s3] =	stream.indirect_vreg.scatter [tilespmem:s20], [sflag:$0x7], $0x80, v4, vm0, $0xb8;
	[tilespmem:$0xC100] =	vst v63  }
0x7f: {  	_ = 	snop  }
0x80: {  	[hbm4b:s2+s3] =	stream.indirect_vreg.scatter [tilespmem:s21], [sflag:$0x7], $0x80, v3, vm0, $0xb8;
	[tilespmem:$0xC100] =	vst v63  }
0x81: {  	_ = 	snop  }
0x82: {  	[hbm4b:s5+s3] =	stream.indirect_vreg.scatter [tilespmem:s22], [sflag:$0x7], $0x80, v3, vm0, $0xb8;
	[tilespmem:$0xC100] =	vst v63  }
0x83: {  	v3 =	vld [tilespmem:$0xC0A0];
	_ =	sdelay $0x4  }
0x84: {  	v62 =	vshll.u32 v3, $0x2  }
0x85: {  	v3 =	vand.u32 $0x7, v3;
	v4 =	vand.u32 $0xFFFFFFE0, v62  }
0x86: {  	v3 =	vor.u32 v3, v4  }
0x87: {  	v4 =	vperm.xlane v3, v0;
	_ =	sdelay $0x1  }
0x88: {  	v4 =	vadd.s32 v1, v4;
	_ =	sdelay $0x1  }
0x89: {  	v3 =	vperm.xlane v3, v2;
	_ =	sdelay $0x1  }
0x8a: {  	v3 =	vadd.s32 v1, v3  }
0x8b: {  	[hbm4b:s2+s3] =	stream.indirect_vreg.scatter [tilespmem:s23], [sflag:$0x7], $0x80, v4, vm0, $0xb8;
	[tilespmem:$0xC100] =	vst v63  }
0x8c: {  	_ = 	snop  }
0x8d: {  	[hbm4b:s5+s3] =	stream.indirect_vreg.scatter [tilespmem:s24], [sflag:$0x7], $0x80, v4, vm0, $0xb8;
	[tilespmem:$0xC100] =	vst v63  }
0x8e: {  	_ = 	snop  }
0x8f: {  	[hbm4b:s2+s3] =	stream.indirect_vreg.scatter [tilespmem:s25], [sflag:$0x7], $0x80, v3, vm0, $0xb8;
	[tilespmem:$0xC100] =	vst v63  }
0x90: {  	_ = 	snop  }
0x91: {  	[hbm4b:s5+s3] =	stream.indirect_vreg.scatter [tilespmem:s26], [sflag:$0x7], $0x80, v3, vm0, $0xb8;
	[tilespmem:$0xC100] =	vst v63  }
0x92: {  	v3 =	vld [tilespmem:$0xC0B0];
	_ =	sdelay $0x4  }
0x93: {  	v63 =	vshll.u32 v3, $0x2  }
0x94: {  	v3 =	vand.u32 $0x7, v3;
	v4 =	vand.u32 $0xFFFFFFE0, v63  }
0x95: {  	v3 =	vor.u32 v3, v4  }
0x96: {  	v4 =	vperm.xlane v3, v0;
	_ =	sdelay $0x1  }
0x97: {  	v4 =	vadd.s32 v1, v4;
	_ =	sdelay $0x1  }
0x98: {  	v3 =	vperm.xlane v3, v2;
	_ =	sdelay $0x1  }
0x99: {  	v3 =	vadd.s32 v1, v3  }
0x9a: {  	[hbm4b:s2+s3] =	stream.indirect_vreg.scatter [tilespmem:s28], [sflag:$0x7], $0x80, v4, vm0, $0xb8;
	[tilespmem:$0xC100] =	vst v63  }
0x9b: {  	_ = 	snop  }
0x9c: {  	[hbm4b:s5+s3] =	stream.indirect_vreg.scatter [tilespmem:s31], [sflag:$0x7], $0x80, v4, vm0, $0xb8;
	[tilespmem:$0xC100] =	vst v63  }
0x9d: {  	_ = 	snop  }
0x9e: {  	[hbm4b:s2+s3] =	stream.indirect_vreg.scatter [tilespmem:s11], [sflag:$0x7], $0x80, v3, vm0, $0xb8;
	[tilespmem:$0xC100] =	vst v63  }
0x9f: {  	_ = 	snop  }
0xa0: {  	[hbm4b:s5+s3] =	stream.indirect_vreg.scatter [tilespmem:s12], [sflag:$0x7], $0x80, v3, vm0, $0xb8;
	[tilespmem:$0xC100] =	vst v63  }
0xa1: {  	_ =	swait.ge [sflag:s30], $0x2000  }
0xa2: {  	[sflag:s30] =	ssyncset.done $0x0  }
0xa3: {  	s10 =	simm.s32 $0x40;
	[sflag:s30] =	ssyncadd.s32 $0xFFFFE000  }
0xa4: {  	[hbm4b:s4+s10] =	stream.indirect.scatter [tilespmem:s16], [sflag:$0x8], $0x80, s14, s10, $0xb8;
	[tilespmem:$0xC100] =	vst v63  }
0xa5: {  	_ =	swait.ge [sflag:s1], $0x2000  }
0xa6: {  	[sflag:s1] =	ssyncset.done $0x0  }
0xa7: {  	[sflag:s1] =	ssyncadd.s32 $0xFFFFE000  }
0xa8: {  	[hbm4b:s4+s10] =	stream.indirect.scatter [tilespmem:s13], [sflag:$0x9], $0x80, s15, s10, $0xb8;
	[tilespmem:$0xC100] =	vst v63  }
0xa9: {  	_ =	swait.ge [sflag:s0], $0x8000  }
0xaa: {  	[sflag:s0] =	ssyncset.done $0x0  }
0xab: {  	[sflag:s0] =	ssyncadd.s32 $0xFFFF8000  }
0xac: {  	_ =	swait.ge [sflag:s7], $0x8000  }
0xad: {  	[sflag:s7] =	ssyncset.done $0x0  }
0xae: {  	[sflag:s7] =	ssyncadd.s32 $0xFFFF8000  }
0xaf: {  	p0 =	sne.s32 s6, $0x1;
	_ =	swait.ge [sflag:s8], $0x2000  }
.Ltmp0:
0xb0: {  	[sflag:s8] =	ssyncset.done $0x0;
	(pc) =	sbr.rel @p0 .LBB2_1-.Ltmp0, $4  }
0xb1: {  	[sflag:s8] =	ssyncadd.s32 $0xFFFFE000  }
0xb2: {  	_ =	swait.ge [sflag:s9], $0x2000  }
0xb3: {  	[sflag:s9] =	ssyncset.done $0x0  }
0xb4: {  	s6 =	sadd.s32 $0xFFFFFFFF, s6;
	[sflag:s9] =	ssyncadd.s32 $0xFFFFE000  }
0xb5: {  	_ =	sfence.sel $0x180000  }
0xb6: {  	[bflag:$0x0] =	sbarrier.arrive $0xFFFF  }
0xb7: {  	_ =	strace $0x90000047  }
0xb8: {  	s0 =	stileid.u32;
	[bflag:$0x2] =	sbarrier.arrive $0xFFFF  }
0xb9: {  	p0 =	sne.s32 s0, $0x0;
	s0 =	rddreg [dreg:$0x2]  }
0xba: {  	s0 =	sadd.s32 @!p0 $0x100000, s0  }
0xbb: {  	[sflag:s0] =	ssyncadd.tile.s32 @!p0 $0x1;
	_ =	shalt  }
.Lfunc_end2:
_tile_overlayer_lowered:
.L_overlay_start_2:
0xbc: {  	(tag) =	ssettag $0x2  }
0xbd: {  	s0 =	rddreg [dreg:$0x0];
	s2 =	stileid.u32  }
0xbe: {  	s1 =	rddreg [dreg:$0x1];
	p0 =	sne.s32 s2, $0x0  }
0xbf: {  	s3 =	rddreg [dreg:$0x2];
	[bflag:$0x3] =	sbarrier.arrive $0xFFFF;
	s2 =	simm.s32 @!p0 $0x1C0A  }
0xc0: {  	[timem:s3], [sflag:s2] =	dma.local @!p0 [hbm:s0], s1  }
0xc1: {  	s0 =	simm.s32 @!p0 $0xA  }
0xc2: {  	_ =	swait.ge @!p0 [sflag:s0], s1  }
0xc3: {  	s1 =	ssub.s32 @!p0 $0x0, s1;
	[sflag:s0] =	ssyncset.done @!p0 $0x0  }
0xc4: {  	[sflag:s0] =	ssyncadd.s32 @!p0 s1  }
0xc5: {  	[bflag:$0x3] =	sbarrier.arrive $0xFFFF  }
0xc6: {  	_ =	shalt  }

// kernel: kernel.9.cloned.1.call-start
scs
__scs_entry_jumppad:
0x0: {  	(pc) =	sbr.rel $0x88, $3  }
0x1: {  	(tag) =	ssettag $0x0;
	lr =	simm.s32 $0x1  }
0x2: {  	[smem:$0x3F9D] =	sst lr;
	_ =	strace $0xD0000000  }
0x3: {  	_ = 	snop  }
0x4: {  	_ = 	snop  }
0x5: {  	_ = 	snop  }
0x6: {  	_ = 	snop  }
0x7: {  	_ = 	snop  }
__scs_overlays_trampoline_lowered:
0x8: {  	[smem:$0x3FAC] =	sst s0  }
0x9: {  	[smem:$0x3FAD] =	sst s1  }
0xa: {  	[smem:$0x3FAE] =	sst s2  }
0xb: {  	[smem:$0x3FAF] =	sst s3  }
0xc: {  	[smem:$0x3FB0] =	sst s4  }
0xd: {  	[smem:$0x3FB1] =	sst s5  }
0xe: {  	[smem:$0x3FB2] =	sst s6  }
0xf: {  	[smem:$0x3FB3] =	sst s7  }
0x10: {  	[smem:$0x3FB4] =	sst s8  }
0x11: {  	[smem:$0x3FB5] =	sst s9;
	s0 =	simm.s32 @!p0 $0x0  }
0x12: {  	s1 =	sld [smem:$0x3F9B];
	s0 =	simm.s32 @p0 $0x1  }
0x13: {  	[smem:$0x3FB6] =	sst s0;
	s0 =	simm.s32 @!p1 $0x0  }
0x14: {  	s2 =	sld [smem:$0x3F9A];
	s0 =	simm.s32 @p1 $0x1  }
0x15: {  	[smem:$0x3FB7] =	sst s0;
	s0 =	simm.s32 @!p2 $0x0  }
0x16: {  	s3 =	sld [smem:$0x3FDB];
	s0 =	simm.s32 @p2 $0x1  }
0x17: {  	s4 =	simm.s32 $0x1BF5;
	[smem:$0x3FB9] =	sst s0  }
0x18: {  	s0 =	sld [smem:$0x3F9C];
	_ =	swait.ge [sflag:s4], $0x0  }
0x19: {  	s7 =	sld [smem:$0x3F9D]  }
0x1a: {  	s8 =	sadd.s32 $0xFFFFE003, lr  }
0x1b: {  	s9 =	sadd.s32 $0xFFFFFEF7, lr;
	s5 =	simm.s32 $0xFFFFFFFF;
	p2 =	slt.u32 s8, $0xFFFFF086  }
0x1c: {  	p1 =	slt.u32 s9, $0xF7A;
	s5 =	simm.s32 @!p2 $0x0  }
0x1d: {  	s5 =	simm.s32 @p1 $0x1;
	p0 =	seq.s32 s7, s2  }
0x1e: {  	s7 =	smul.u32 @!p0 $0xF7A, s2;
	p2 =	seq.s32 @!p0 s5, $0x0  }
0x1f: {  	s9 =	smul.u32 $0xF7A, s1;
	s8 =	simm.s32 @!p0 $0x1BF5;
	p2 =	por !p2, p0  }
0x20: {  	[sflag:s8] =	ssyncset.s32 @!p0 $0xFFFFF086;
	s6 =	sadd.s32 @!p0 s3, s7;
	s7 =	simm.s32 @!p0 $0x108  }
0x21: {  	s3 =	sadd.s32 s3, s9;
	s6 =	sadd.s32 @!p0 $0x88, s6;
	s7 =	simm.s32 @p2 $0x1082  }
0x22: {  	[simem:s7], [sflag:s8] =	dma.local @!p0 [hbm:s6], $0xF7A  }
0x23: {  	s9 =	sor.u32 $0xD0000000, s2;
	s6 =	simm.s32 $0x108;
	_ =	swait.ge @!p0 [sflag:s8], $0x0  }
0x24: {  	s3 =	sadd.s32 $0x88, s3;
	s6 =	simm.s32 @!p1 $0x1082;
	[sflag:s4] =	ssyncset.s32 $0xFFFFF086  }
0x25: {  	[simem:s6], [sflag:s4] =	dma.local [hbm:s3], $0xF7A  }
0x26: {  	[smem:$0x3F9D] =	sst s1;
	(tag) =	ssettag s2;
	_ =	strace s9  }
0x27: {  	s1 =	sld [smem:$0x3FAD]  }
0x28: {  	s2 =	sld [smem:$0x3FAE]  }
0x29: {  	s4 =	sld [smem:$0x3FB0]  }
0x2a: {  	p0 =	seq.s32 s5, $0x0;
	s5 =	sld [smem:$0x3FB1]  }
0x2b: {  	s6 =	sld [smem:$0x3FB2]  }
0x2c: {  	s7 =	sld [smem:$0x3FB3]  }
0x2d: {  	s3 =	simm.s32 $0x108;
	s8 =	sld [smem:$0x3FB4]  }
0x2e: {  	s3 =	simm.s32 @!p0 $0x1082;
	s9 =	sld [smem:$0x3FB5]  }
0x2f: {  	lr =	sadd.s32 s0, s3;
	s0 =	sld [smem:$0x3FAC]  }
0x30: {  	s3 =	sld [smem:$0x3FAF]  }
0x31: {  	[smem:$0x3FB8] =	sst s10  }
0x32: {  	s10 =	sld [smem:$0x3FB6];
	_ =	sdelay $0x3  }
0x33: {  	p0 =	seq.s32 s10, $0x1;
	s10 =	sld [smem:$0x3FB8];
	_ =	sdelay $0x3  }
0x34: {  	[smem:$0x3FB8] =	sst s10  }
0x35: {  	s10 =	sld [smem:$0x3FB7];
	_ =	sdelay $0x3  }
0x36: {  	p1 =	seq.s32 s10, $0x1;
	s10 =	sld [smem:$0x3FB8];
	_ =	sdelay $0x3  }
0x37: {  	[smem:$0x3FB8] =	sst s10  }
0x38: {  	s10 =	sld [smem:$0x3FB9]  }
0x39: {  	_ = 	snop;
	(pc) =	sbr.ind lr, $3  }
0x3a: {  	_ = 	snop  }
0x3b: {  	_ = 	snop  }
0x3c: {  	p2 =	seq.s32 s10, $0x1;
	s10 =	sld [smem:$0x3FB8]  }
0x3d: {  	_ =	shalt  }
0x3e: {  	_ =	shalt  }
0x3f: {  	_ =	shalt  }
0x40: {  	_ =	shalt  }
0x41: {  	_ =	shalt  }
0x42: {  	_ =	shalt  }
0x43: {  	_ =	shalt  }
0x44: {  	_ =	shalt  }
0x45: {  	_ =	shalt  }
0x46: {  	_ =	shalt  }
0x47: {  	_ =	shalt  }
0x48: {  	_ =	shalt  }
0x49: {  	_ =	shalt  }
0x4a: {  	_ =	shalt  }
0x4b: {  	_ =	shalt  }
0x4c: {  	_ =	shalt  }
0x4d: {  	_ =	shalt  }
0x4e: {  	_ =	shalt  }
0x4f: {  	_ =	shalt  }
0x50: {  	_ =	shalt  }
0x51: {  	_ =	shalt  }
0x52: {  	_ =	shalt  }
0x53: {  	_ =	shalt  }
0x54: {  	_ =	shalt  }
0x55: {  	_ =	shalt  }
0x56: {  	_ =	shalt  }
0x57: {  	_ =	shalt  }
0x58: {  	_ =	shalt  }
0x59: {  	_ =	shalt  }
0x5a: {  	_ =	shalt  }
0x5b: {  	_ =	shalt  }
0x5c: {  	_ =	shalt  }
0x5d: {  	_ =	shalt  }
0x5e: {  	_ =	shalt  }
0x5f: {  	_ =	shalt  }
0x60: {  	_ =	shalt  }
0x61: {  	_ =	shalt  }
0x62: {  	_ =	shalt  }
0x63: {  	_ =	shalt  }
0x64: {  	_ =	shalt  }
0x65: {  	_ =	shalt  }
0x66: {  	_ =	shalt  }
0x67: {  	_ =	shalt  }
0x68: {  	_ =	shalt  }
0x69: {  	_ =	shalt  }
0x6a: {  	_ =	shalt  }
0x6b: {  	_ =	shalt  }
0x6c: {  	_ =	shalt  }
0x6d: {  	_ =	shalt  }
0x6e: {  	_ =	shalt  }
0x6f: {  	_ =	shalt  }
0x70: {  	_ =	shalt  }
0x71: {  	_ =	shalt  }
0x72: {  	_ =	shalt  }
0x73: {  	_ =	shalt  }
0x74: {  	_ =	shalt  }
0x75: {  	_ =	shalt  }
0x76: {  	_ =	shalt  }
0x77: {  	_ =	shalt  }
0x78: {  	_ =	shalt  }
0x79: {  	_ =	shalt  }
0x7a: {  	_ =	shalt  }
0x7b: {  	_ =	shalt  }
0x7c: {  	_ =	shalt  }
0x7d: {  	_ =	shalt  }
0x7e: {  	_ =	shalt  }
0x7f: {  	_ =	shalt  }
0x80: {  	_ =	shalt  }
0x81: {  	_ =	shalt  }
0x82: {  	_ =	shalt  }
0x83: {  	_ =	shalt  }
0x84: {  	_ =	shalt  }
0x85: {  	_ =	shalt  }
0x86: {  	_ =	shalt  }
0x87: {  	_ =	shalt  }
.Lfunc_end0:
.L_simem_size_0:
called_computation.1_lowered:
.L_overlay_start_0:
0x88: {  	s2 =	sld [smem:$0x3FD9]  }
0x89: {  	s3 =	sld [smem:$0x3FFE];
	_ =	sdelay $0x1  }
0x8a: {  	s1 =	srdreg.scid  }
0x8b: {  	s0 =	sand.u32 $0x1, s1  }
0x8c: {  	s17 =	sshll.u32 s0, $0xA;
	s2 =	sadd.s32 s3, s2  }
0x8d: {  	s2 =	sadd.s32 s2, s17  }
0x8e: {  	[smem:$0x3FC4] =	sst s2  }
0x8f: {  	_ = 	snop  }
0x90: {  	s2 =	sld [smem:$0x3FD0];
	(tm) =	ssettm $0x1  }
0x91: {  	s18 =	sld [smem:$0x3FFB];
	_ =	sdelay $0x3  }
0x92: {  	_ =	strace s18  }
0x93: {  	s3 =	sld [smem:$0x3FFC];
	_ =	sdelay $0x3  }
0x94: {  	_ =	strace s3  }
0x95: {  	s3 =	sld [smem:$0x3FFD];
	_ =	sdelay $0x3  }
0x96: {  	_ =	strace s3  }
0x97: {  	_ =	strace $0x8FFFFFFF  }
0x98: {  	s19 =	sld [smem:$0x3FDB];
	_ =	sdelay $0x1  }
0x99: {  	s4 =	simm.s32 $_scs_section_size  }
0x9a: {  	s5 =	simm.s32 $_size__tile_overlayer_lowered;
	s6 =	simm.s32 $_tile_overlayer_lowered  }
0x9b: {  	s22 =	simm.s32 $0x1BFF;
	s21 =	sshll.u32 s6, $0x1;
	s3 =	sadd.s32 s4, s19  }
0x9c: {  	s7 =	simm.s32 $0x0;
	s20 =	sshll.u32 s5, $0x1;
	s5 =	sadd.s32 s21, s3  }
0x9d: {  	[timem:s7], [sflag:s22] =	dma.local [hbm:s5], s20  }
0x9e: {  	_ =	swait.ge [sflag:s22], s20  }
0x9f: {  	s4 =	ssub.s32 $0x0, s20;
	[sflag:s22] =	ssyncset.done $0x0  }
0xa0: {  	[sflag:s22] =	ssyncadd.s32 s4;
	_ =	sdelay $0x1  }
0xa1: {  	s23 =	simm.s32 $0x1B8B  }
0xa2: {  	_ =	swait.ge [sflag:s23], $0x1  }
0xa3: {  	[sflag:s23] =	ssyncset.done $0x0  }
0xa4: {  	s25 =	simm.s32 $0x1B8E;
	s24 =	sld [smem:$0x3FFE];
	[sflag:s23] =	ssyncadd.s32 $0xFFFFFFFF  }
0xa5: {  	s26 =	simm.s32 $execute0_lowered;
	[smem:$0x3FD2] =	sst s25  }
0xa6: {  	s5 =	sshll.u32 s26, $0x1;
	_ =	strace $0x80000049;
	[dreg:$0x1] =	wrdreg $0xFFFFFFFF  }
0xa7: {  	s28 =	simm.s32 $_size_execute0_lowered;
	s3 =	sadd.s32 s3, s5;
	[dreg:$0x0] =	wrdreg $0x0  }
0xa8: {  	s5 =	sshll.u32 s28, $0x1;
	[dreg:$0x2] =	wrdreg s3  }
0xa9: {  	[dreg:$0x3] =	wrdreg s5  }
0xaa: {  	[dreg:$0x4] =	wrdreg $0xC0  }
0xab: {  	_ =	task [dreg:s7], $0x5FFFF  }
0xac: {  	[dreg:$0x1] =	wrdreg $0xFFFFFFFF  }
0xad: {  	[dreg:$0x0] =	wrdreg $0x60  }
0xae: {  	[dreg:$0x2] =	wrdreg s24  }
0xaf: {  	[dreg:$0x3] =	wrdreg s2  }
0xb0: {  	[dreg:$0x4] =	wrdreg $0x9  }
0xb1: {  	_ =	task.clear_ibuf [dreg:s7], $0x5FFFF;
	_ =	strace $0x90000049  }
0xb2: {  	s29 =	simm.s32 $0x9;
	_ =	strace $0x8000004B  }
0xb3: {  	_ =	swait.ge [sflag:s29], $0x1  }
0xb4: {  	[sflag:s29] =	ssyncadd.s32 $0xFFFFFFFF  }
0xb5: {  	_ =	strace $0x9000004B  }
0xb6: {  	_ =	sfence  }
0xb7: {  	s30 =	sld [smem:$0x0];
	_ =	sdelay $0x2  }
0xb8: {  	s31 =	sshll.u32 s1, $0xD;
	s1 =	sshrl.u32 s1, $0x2  }
0xb9: {  	s3 =	sand.u32 $0x4000, s31;
	s1 =	sadd.s32 s1, s30  }
0xba: {  	s0 =	sor.u32 s3, s0;
	s1 =	sshll.u32 s1, $0x11  }
0xbb: {  	s0 =	sor.u32 s1, s0  }
0xbc: {  	s0 =	sadd.s32 $0x8F2B, s0  }
0xbd: {  	[sflag:s0] =	ssyncadd.remote.s32 $0x1  }
0xbe: {  	_ =	sfence.sel $0xFFFF  }
0xbf: {  	[dreg:$0x0] =	wrdreg $0xFFFFFFFF;
	(pc) =	sbr.abs _section_cstart, $3  }
0xc0: {  	[dreg:$0x1] =	wrdreg $0xFFFFFFFF  }
0xc1: {  	_ =	task.clear_ibuf [dreg:s7], $0x2FFFF;
	_ =	strace $0x9FFFFFFF  }
0xc2: {  	(tm) =	ssettm $0x7FFFFFFF  }
0xc3: {  	_ =	shalt  }
tec
execute0_lowered:
.L_overlay_start_1:
0x0: {  	(tag) =	ssettag $0x1  }
0x1: {  	s0 =	srdreg.scid  }
0x2: {  	s1 =	rddreg [dreg:$0x0];
	s2 =	stileid.u32  }
0x3: {  	s4 =	rddreg [dreg:$0x1];
	s15 =	simm.s32 $0x7;
	s21 =	simm.s32 $0xC800  }
0x4: {  	s22 =	simm.s32 $0xD000;
	s10 =	simm.s32 $0xF800;
	s28 =	simm.s32 $0x1  }
0x5: {  	s11 =	simm.s32 $0x3;
	s29 =	simm.s32 $0x5;
	s12 =	simm.s32 $0x2  }
0x6: {  	s30 =	simm.s32 $0x4;
	s13 =	simm.s32 $0x6;
	s31 =	simm.s32 $0x0  }
0x7: {  	s0 =	sand.u32 $0x1, s0;
	s3 =	sshll.u32 s2, $0x7;
	s2 =	simm.s32 $0x0  }
0x8: {  	s8 =	sadd.s32 $0x161700, s1;
	s5 =	sshll.u32 s0, $0x6;
	s0 =	ssub.s32 $0x2, s0  }
0x9: {  	[smem:$0x7FF] =	sst s2;
	s5 =	sor.u32 s5, s3;
	s7 =	sshrl.u32 s0, $0x1  }
0xa: {  	_ =	strace $0x8000004A;
	s3 =	sshrl.u32 s5, $0x3;
	s0 =	ssub.s32 s0, s7  }
0xb: {  	s5 =	sshll.u32 s5, $0x7;
	s6 =	sadd.s32 s3, s1;
	s0 =	smax.u32 s0, $0x1  }
0xc: {  	s7 =	sadd.s32 $0x161600, s1;
	s23 =	sadd.s32 $0x31000, s6;
	[dreg:$0x8] =	wrdreg s0  }
0xd: {  	s9 =	sadd.s32 s4, s5;
	s6 =	sadd.s32 $0x31200, s6;
	[dreg:$0x3] =	wrdreg s23  }
0xe: {  	s3 =	sadd.s32 $0x161400, s1;
	s24 =	sadd.s32 $0x800, s9;
	[dreg:$0x4] =	wrdreg s6  }
0xf: {  	s5 =	simm.s32 $0xC000;
	s25 =	sadd.s32 $0x1000, s9;
	[dreg:$0x5] =	wrdreg s24  }
0x10: {  	v2 =	vlaneseq.u32;
	s26 =	sadd.s32 $0x1800, s9;
	s0 =	simm.s32 $0x4000;
	[dreg:$0x6] =	wrdreg s25  }
0x11: {  	vm0 =	vmmov $0xffff;
	v1 =	vshrl.u32 v2, $0x3;
	s6 =	sadd.s32 $0x161500, s1;
	[dreg:$0x7] =	wrdreg s26;
	s23 =	simm.s32 $0xD800  }
0x12: {  	v0 =	vand.u32 $0x7, v2;
	v2 =	vor.u32 $0x8, v2;
	v1 =	vmul.u32 $0x8, v1;
	s24 =	simm.s32 $0xE000;
	s25 =	simm.s32 $0xE800;
	s26 =	simm.s32 $0xF000  }
.LBB2_1:
0x13: {  	s1 =	rddreg [dreg:$0x3];
	s4 =	simm.s32 $0x10000  }
0x14: {  	[tilespmem:s4], [sflag:$0x7] =	stream.linear.gather [hbm4b:s1+s2], $0x40, $0x38;
	[tilespmem:$0x10100] =	vst v63  }
0x15: {  	_ =	swait.ge [sflag:s15], $0x40  }
0x16: {  	[sflag:s15] =	ssyncset.done $0x0  }
0x17: {  	s18 =	simm.s32 $0x10080;
	s17 =	rddreg [dreg:$0x4];
	[sflag:s15] =	ssyncadd.s32 $0xFFFFFFC0  }
0x18: {  	[tilespmem:s18], [sflag:$0x7] =	stream.linear.gather [hbm4b:s17+s2], $0x40, $0x38;
	[tilespmem:$0x10100] =	vst v63  }
0x19: {  	_ =	swait.ge [sflag:s15], $0x40  }
0x1a: {  	[sflag:s15] =	ssyncset.done $0x0  }
0x1b: {  	[sflag:s15] =	ssyncadd.s32 $0xFFFFFFC0  }
0x1c: {  	v3 =	vld [tilespmem:$0x10000];
	_ =	sdelay $0x4  }
0x1d: {  	v4 =	vshll.u32 v3, $0x3  }
0x1e: {  	v3 =	vand.u32 $0x7, v3;
	v4 =	vand.u32 $0xFFFFFFC0, v4  }
0x1f: {  	v3 =	vor.u32 v3, v4  }
0x20: {  	v4 =	vperm.xlane v3, v0;
	_ =	sdelay $0x1  }
0x21: {  	v4 =	vadd.s32 v1, v4;
	_ =	sdelay $0x4  }
0x22: {  	[tilespmem:s2], [sflag:$0x1] =	stream.indirect_vreg.gather [hbm4b:s3+s2], $0x80, v4, vm0, $0xb8;
	[tilespmem:$0x10100] =	vst v63  }
0x23: {  	s19 =	simm.s32 $0x800;
	v3 =	vperm.xlane v3, v2  }
0x24: {  	[tilespmem:s19], [sflag:$0x1] =	stream.indirect_vreg.gather [hbm4b:s6+s2], $0x80, v4, vm0, $0xb8;
	[tilespmem:$0x10100] =	vst v63  }
0x25: {  	s20 =	simm.s32 $0x1000;
	v3 =	vadd.s32 v1, v3  }
0x26: {  	[tilespmem:s20], [sflag:$0x1] =	stream.indirect_vreg.gather [hbm4b:s7+s2], $0x80, v4, vm0, $0xb8;
	[tilespmem:$0x10100] =	vst v63  }
0x27: {  	s4 =	simm.s32 $0x1800  }
0x28: {  	[tilespmem:s4], [sflag:$0x1] =	stream.indirect_vreg.gather [hbm4b:s8+s2], $0x80, v4, vm0, $0xb8;
	[tilespmem:$0x10100] =	vst v63  }
0x29: {  	s14 =	simm.s32 $0x2000  }
0x2a: {  	[tilespmem:s14], [sflag:$0x1] =	stream.indirect_vreg.gather [hbm4b:s3+s2], $0x80, v3, vm0, $0xb8;
	[tilespmem:$0x10100] =	vst v63  }
0x2b: {  	s16 =	simm.s32 $0x2800  }
0x2c: {  	[tilespmem:s16], [sflag:$0x1] =	stream.indirect_vreg.gather [hbm4b:s6+s2], $0x80, v3, vm0, $0xb8;
	[tilespmem:$0x10100] =	vst v63  }
0x2d: {  	s17 =	simm.s32 $0x3000  }
0x2e: {  	[tilespmem:s17], [sflag:$0x1] =	stream.indirect_vreg.gather [hbm4b:s7+s2], $0x80, v3, vm0, $0xb8;
	[tilespmem:$0x10100] =	vst v63  }
0x2f: {  	s18 =	simm.s32 $0x3800  }
0x30: {  	[tilespmem:s18], [sflag:$0x1] =	stream.indirect_vreg.gather [hbm4b:s8+s2], $0x80, v3, vm0, $0xb8;
	[tilespmem:$0x10100] =	vst v63  }
0x31: {  	v3 =	vld [tilespmem:$0x10080];
	_ =	sdelay $0x4  }
0x32: {  	v4 =	vshll.u32 v3, $0x3  }
0x33: {  	v3 =	vand.u32 $0x7, v3;
	v4 =	vand.u32 $0xFFFFFFC0, v4  }
0x34: {  	v3 =	vor.u32 v3, v4  }
0x35: {  	v4 =	vperm.xlane v3, v0;
	_ =	sdelay $0x1  }
0x36: {  	v4 =	vadd.s32 v1, v4;
	_ =	sdelay $0x3  }
0x37: {  	s19 =	simm.s32 $0x8000  }
0x38: {  	[tilespmem:s19], [sflag:$0x3] =	stream.indirect_vreg.gather [hbm4b:s3+s2], $0x80, v4, vm0, $0xb8;
	[tilespmem:$0x10100] =	vst v63  }
0x39: {  	s20 =	simm.s32 $0x8800;
	v3 =	vperm.xlane v3, v2  }
0x3a: {  	[tilespmem:s20], [sflag:$0x3] =	stream.indirect_vreg.gather [hbm4b:s6+s2], $0x80, v4, vm0, $0xb8;
	[tilespmem:$0x10100] =	vst v63  }
0x3b: {  	s4 =	simm.s32 $0x9000;
	v3 =	vadd.s32 v1, v3  }
0x3c: {  	[tilespmem:s4], [sflag:$0x3] =	stream.indirect_vreg.gather [hbm4b:s7+s2], $0x80, v4, vm0, $0xb8;
	[tilespmem:$0x10100] =	vst v63  }
0x3d: {  	s14 =	simm.s32 $0x9800  }
0x3e: {  	[tilespmem:s14], [sflag:$0x3] =	stream.indirect_vreg.gather [hbm4b:s8+s2], $0x80, v4, vm0, $0xb8;
	[tilespmem:$0x10100] =	vst v63  }
0x3f: {  	s16 =	simm.s32 $0xA000  }
0x40: {  	[tilespmem:s16], [sflag:$0x3] =	stream.indirect_vreg.gather [hbm4b:s3+s2], $0x80, v3, vm0, $0xb8;
	[tilespmem:$0x10100] =	vst v63  }
0x41: {  	s17 =	simm.s32 $0xA800  }
0x42: {  	[tilespmem:s17], [sflag:$0x3] =	stream.indirect_vreg.gather [hbm4b:s6+s2], $0x80, v3, vm0, $0xb8;
	[tilespmem:$0x10100] =	vst v63  }
0x43: {  	s18 =	simm.s32 $0xB000  }
0x44: {  	[tilespmem:s18], [sflag:$0x3] =	stream.indirect_vreg.gather [hbm4b:s7+s2], $0x80, v3, vm0, $0xb8;
	[tilespmem:$0x10100] =	vst v63  }
0x45: {  	s19 =	simm.s32 $0xB800  }
0x46: {  	[tilespmem:s19], [sflag:$0x3] =	stream.indirect_vreg.gather [hbm4b:s8+s2], $0x80, v3, vm0, $0xb8;
	[tilespmem:$0x10100] =	vst v63  }
0x47: {  	v3 =	vld [tilespmem:$0x10010];
	_ =	sdelay $0x4  }
0x48: {  	v4 =	vshll.u32 v3, $0x3  }
0x49: {  	v3 =	vand.u32 $0x7, v3;
	v4 =	vand.u32 $0xFFFFFFC0, v4  }
0x4a: {  	v3 =	vor.u32 v3, v4  }
0x4b: {  	v4 =	vperm.xlane v3, v0;
	_ =	sdelay $0x1  }
0x4c: {  	v4 =	vadd.s32 v1, v4;
	_ =	sdelay $0x4  }
0x4d: {  	[tilespmem:s0], [sflag:$0x2] =	stream.indirect_vreg.gather [hbm4b:s3+s2], $0x80, v4, vm0, $0xb8;
	[tilespmem:$0x10100] =	vst v63  }
0x4e: {  	s20 =	simm.s32 $0x4800;
	v3 =	vperm.xlane v3, v2  }
0x4f: {  	[tilespmem:s20], [sflag:$0x2] =	stream.indirect_vreg.gather [hbm4b:s6+s2], $0x80, v4, vm0, $0xb8;
	[tilespmem:$0x10100] =	vst v63  }
0x50: {  	s4 =	simm.s32 $0x5000;
	v3 =	vadd.s32 v1, v3  }
0x51: {  	[tilespmem:s4], [sflag:$0x2] =	stream.indirect_vreg.gather [hbm4b:s7+s2], $0x80, v4, vm0, $0xb8;
	[tilespmem:$0x10100] =	vst v63  }
0x52: {  	s14 =	simm.s32 $0x5800  }
0x53: {  	[tilespmem:s14], [sflag:$0x2] =	stream.indirect_vreg.gather [hbm4b:s8+s2], $0x80, v4, vm0, $0xb8;
	[tilespmem:$0x10100] =	vst v63  }
0x54: {  	s16 =	simm.s32 $0x6000  }
0x55: {  	[tilespmem:s16], [sflag:$0x2] =	stream.indirect_vreg.gather [hbm4b:s3+s2], $0x80, v3, vm0, $0xb8;
	[tilespmem:$0x10100] =	vst v63  }
0x56: {  	s17 =	simm.s32 $0x6800  }
0x57: {  	[tilespmem:s17], [sflag:$0x2] =	stream.indirect_vreg.gather [hbm4b:s6+s2], $0x80, v3, vm0, $0xb8;
	[tilespmem:$0x10100] =	vst v63  }
0x58: {  	s18 =	simm.s32 $0x7000  }
0x59: {  	[tilespmem:s18], [sflag:$0x2] =	stream.indirect_vreg.gather [hbm4b:s7+s2], $0x80, v3, vm0, $0xb8;
	[tilespmem:$0x10100] =	vst v63  }
0x5a: {  	s19 =	simm.s32 $0x7800  }
0x5b: {  	[tilespmem:s19], [sflag:$0x2] =	stream.indirect_vreg.gather [hbm4b:s8+s2], $0x80, v3, vm0, $0xb8;
	[tilespmem:$0x10100] =	vst v63  }
0x5c: {  	v3 =	vld [tilespmem:$0x10090];
	_ =	sdelay $0x4  }
0x5d: {  	v4 =	vshll.u32 v3, $0x3  }
0x5e: {  	v3 =	vand.u32 $0x7, v3;
	v4 =	vand.u32 $0xFFFFFFC0, v4  }
0x5f: {  	v3 =	vor.u32 v3, v4  }
0x60: {  	v4 =	vperm.xlane v3, v0;
	_ =	sdelay $0x1  }
0x61: {  	v4 =	vadd.s32 v1, v4;
	_ =	sdelay $0x4  }
0x62: {  	[tilespmem:s5], [sflag:$0x4] =	stream.indirect_vreg.gather [hbm4b:s3+s2], $0x80, v4, vm0, $0xb8;
	[tilespmem:$0x10100] =	vst v63  }
0x63: {  	v3 =	vperm.xlane v3, v2  }
0x64: {  	[tilespmem:s21], [sflag:$0x4] =	stream.indirect_vreg.gather [hbm4b:s6+s2], $0x80, v4, vm0, $0xb8;
	[tilespmem:$0x10100] =	vst v63  }
0x65: {  	v3 =	vadd.s32 v1, v3  }
0x66: {  	[tilespmem:s22], [sflag:$0x4] =	stream.indirect_vreg.gather [hbm4b:s7+s2], $0x80, v4, vm0, $0xb8;
	[tilespmem:$0x10100] =	vst v63  }
0x67: {  	_ = 	snop  }
0x68: {  	[tilespmem:s23], [sflag:$0x4] =	stream.indirect_vreg.gather [hbm4b:s8+s2], $0x80, v4, vm0, $0xb8;
	[tilespmem:$0x10100] =	vst v63  }
0x69: {  	_ = 	snop  }
0x6a: {  	[tilespmem:s24], [sflag:$0x4] =	stream.indirect_vreg.gather [hbm4b:s3+s2], $0x80, v3, vm0, $0xb8;
	[tilespmem:$0x10100] =	vst v63  }
0x6b: {  	_ = 	snop  }
0x6c: {  	[tilespmem:s25], [sflag:$0x4] =	stream.indirect_vreg.gather [hbm4b:s6+s2], $0x80, v3, vm0, $0xb8;
	[tilespmem:$0x10100] =	vst v63  }
0x6d: {  	_ = 	snop  }
0x6e: {  	[tilespmem:s26], [sflag:$0x4] =	stream.indirect_vreg.gather [hbm4b:s7+s2], $0x80, v3, vm0, $0xb8;
	[tilespmem:$0x10100] =	vst v63  }
0x6f: {  	_ = 	snop  }
0x70: {  	[tilespmem:s10], [sflag:$0x4] =	stream.indirect_vreg.gather [hbm4b:s8+s2], $0x80, v3, vm0, $0xb8;
	[tilespmem:$0x10100] =	vst v63  }
0x71: {  	_ =	swait.ge [sflag:s28], $0x4000  }
0x72: {  	[sflag:s28] =	ssyncset.done $0x0  }
0x73: {  	[sflag:s28] =	ssyncadd.s32 $0xFFFFC000  }
0x74: {  	_ =	swait.ge [sflag:s11], $0x4000  }
0x75: {  	s20 =	sand.u32 $0x70, s2;
	s14 =	sand.u32 $0x1C00, s2;
	[sflag:s11] =	ssyncset.done $0x0  }
0x76: {  	s1 =	sor.u32 s20, s14;
	[sflag:s11] =	ssyncadd.s32 $0xFFFFC000  }
0x77: {  	v3 =	vld [tilespmem:s1+$0x180]  }
0x78: {  	v4 =	vld [tilespmem:s1+$0x0]  }
0x79: {  	v5 =	vld [tilespmem:s1+$0x300]  }
0x7a: {  	v6 =	vld [tilespmem:s1+$0x200]  }
0x7b: {  	v7 =	vld [tilespmem:s1+$0x100]  }
0x7c: {  	v8 =	vld [tilespmem:s1+$0x280]  }
0x7d: {  	v9 =	vld [tilespmem:s1+$0x80]  }
0x7e: {  	v10 =	vld [tilespmem:s1+$0x8080]  }
0x7f: {  	s14 =	sor.u32 s2, s2;
	s16 =	simm.s32 $0x10;
	s17 =	simm.s32 $0x0;
	v11 =	vld [tilespmem:s1+$0x8280]  }
.LBB2_2:
0x80: {  	p0 =	sne.s32 s16, $0x3F0  }
0x81: {  	v12 =	vld [tilespmem:s1+$0x8180];
	s17 =	sadd.s32 $0x80, s17;
	s19 =	smov.u32 s16;
	s16 =	sadd.s32 $0x10, s16  }
0x82: {  	s18 =	sor.u32 s19, s17;
	v13 =	vld [tilespmem:s1+$0x8100]  }
0x83: {  	v14 =	vld [tilespmem:s1+$0x8200]  }
0x84: {  	v15 =	vld [tilespmem:s1+$0x8300]  }
0x85: {  	v9 =	vadd.f32 v10, v9;
	v16 =	vld [tilespmem:s1+$0x8000];
	v8 =	vadd.f32 v11, v8  }
0x86: {  	v3 =	vadd.f32 v12, v3  }
0x87: {  	v7 =	vadd.f32 v13, v7;
	[tilespmem:s1+$0x280] =	vst v8  }
0x88: {  	[tilespmem:s1+$0x180] =	vst v3;
	v3 =	vadd.f32 v14, v6  }
0x89: {  	[tilespmem:s1+$0x80] =	vst v9;
	v5 =	vadd.f32 v15, v5  }
0x8a: {  	v4 =	vadd.f32 v16, v4;
	[tilespmem:s1+$0x100] =	vst v7  }
0x8b: {  	[tilespmem:s1+$0x300] =	vst v5  }
0x8c: {  	[tilespmem:s1+$0x200] =	vst v3  }
0x8d: {  	s4 =	sor.u32 $0x380, s14;
	[tilespmem:s1+$0x0] =	vst v4  }
0x8e: {  	v3 =	vld [tilespmem:s4+$0x0]  }
0x8f: {  	v4 =	vld [tilespmem:s4+$0x8000];
	_ =	sdelay $0x4  }
0x90: {  	v3 =	vadd.f32 v4, v3;
	_ =	sdelay $0x1  }
0x91: {  	s19 =	sand.u32 $0x70, s19;
	s20 =	sand.u32 $0x1C00, s17;
	[tilespmem:s4+$0x0] =	vst v3  }
0x92: {  	s4 =	sor.u32 s19, s20;
	v3 =	vld [tilespmem:s1+$0x2000]  }
0x93: {  	v4 =	vld [tilespmem:s1+$0xA000]  }
0x94: {  	v5 =	vld [tilespmem:s1+$0x2080]  }
0x95: {  	v6 =	vld [tilespmem:s1+$0xA080]  }
0x96: {  	v7 =	vld [tilespmem:s1+$0xA300]  }
0x97: {  	v8 =	vld [tilespmem:s1+$0x2300]  }
0x98: {  	v3 =	vadd.f32 v4, v3;
	v4 =	vld [tilespmem:s1+$0xA280]  }
0x99: {  	v9 =	vld [tilespmem:s1+$0xA180]  }
0x9a: {  	[tilespmem:s1+$0x2000] =	vst v3;
	v3 =	vadd.f32 v6, v5;
	v5 =	vld [tilespmem:s1+$0xA200]  }
0x9b: {  	v6 =	vld [tilespmem:s1+$0x2280]  }
0x9c: {  	[tilespmem:s1+$0x2080] =	vst v3;
	v10 =	vld [tilespmem:s1+$0x2200];
	v3 =	vadd.f32 v7, v8  }
0x9d: {  	v7 =	vld [tilespmem:s1+$0x2180]  }
0x9e: {  	v8 =	vld [tilespmem:s1+$0xA100];
	[tilespmem:s1+$0x2300] =	vst v3  }
0x9f: {  	v11 =	vld [tilespmem:s1+$0x2100]  }
0xa0: {  	v3 =	vld [tilespmem:s4+$0x180];
	v4 =	vadd.f32 v4, v6  }
0xa1: {  	v5 =	vadd.f32 v5, v10  }
0xa2: {  	v6 =	vadd.f32 v9, v7;
	[tilespmem:s1+$0x2280] =	vst v4  }
0xa3: {  	[tilespmem:s1+$0x2200] =	vst v5  }
0xa4: {  	v4 =	vadd.f32 v8, v11  }
0xa5: {  	[tilespmem:s1+$0x2180] =	vst v6  }
0xa6: {  	s19 =	sor.u32 $0x2380, s14;
	s14 =	smov.u32 s18;
	[tilespmem:s1+$0x2100] =	vst v4;
	s1 =	smov.u32 s4  }
0xa7: {  	v8 =	vld [tilespmem:s19+$0x0]  }
0xa8: {  	v9 =	vld [tilespmem:s19+$0x8000];
	_ =	sdelay $0x1  }
0xa9: {  	v4 =	vld [tilespmem:s1+$0x0]  }
0xaa: {  	v5 =	vld [tilespmem:s1+$0x300]  }
0xab: {  	v6 =	vld [tilespmem:s1+$0x200]  }
.Ltmp0:
0xac: {  	v7 =	vld [tilespmem:s1+$0x100];
	v10 =	vadd.f32 v9, v8;
	(pc) =	sbr.rel @p0 .LBB2_2-.Ltmp0, $4  }
0xad: {  	v8 =	vld [tilespmem:s1+$0x280]  }
0xae: {  	v9 =	vld [tilespmem:s1+$0x80];
	[tilespmem:s19+$0x0] =	vst v10  }
0xaf: {  	v10 =	vld [tilespmem:s1+$0x8080]  }
0xb0: {  	v11 =	vld [tilespmem:s1+$0x8280]  }
0xb1: {  	v12 =	vld [tilespmem:s1+$0x8180]  }
0xb2: {  	v13 =	vld [tilespmem:s1+$0x8100]  }
0xb3: {  	v14 =	vld [tilespmem:s1+$0x8300]  }
0xb4: {  	v15 =	vld [tilespmem:s1+$0x8200];
	v9 =	vadd.f32 v10, v9  }
0xb5: {  	v8 =	vadd.f32 v11, v8;
	v11 =	vld [tilespmem:s1+$0x8000]  }
0xb6: {  	v3 =	vadd.f32 v12, v3;
	[tilespmem:s1+$0x80] =	vst v9  }
0xb7: {  	v7 =	vadd.f32 v13, v7;
	[tilespmem:s1+$0x280] =	vst v8  }
0xb8: {  	[tilespmem:s1+$0x180] =	vst v3;
	v3 =	vadd.f32 v14, v5  }
0xb9: {  	v5 =	vadd.f32 v15, v6;
	[tilespmem:s1+$0x100] =	vst v7  }
0xba: {  	v4 =	vadd.f32 v11, v4;
	[tilespmem:s1+$0x300] =	vst v3  }
0xbb: {  	[tilespmem:s1+$0x200] =	vst v5  }
0xbc: {  	s4 =	sor.u32 $0x380, s14;
	[tilespmem:s1+$0x0] =	vst v4  }
0xbd: {  	v3 =	vld [tilespmem:s4+$0x0]  }
0xbe: {  	v4 =	vld [tilespmem:s4+$0x8000];
	_ =	sdelay $0x4  }
0xbf: {  	v3 =	vadd.f32 v4, v3;
	_ =	sdelay $0x1  }
0xc0: {  	[tilespmem:s4+$0x0] =	vst v3  }
0xc1: {  	v3 =	vld [tilespmem:s1+$0x2000]  }
0xc2: {  	v4 =	vld [tilespmem:s1+$0xA000]  }
0xc3: {  	v5 =	vld [tilespmem:s1+$0x2080]  }
0xc4: {  	v6 =	vld [tilespmem:s1+$0xA080]  }
0xc5: {  	v7 =	vld [tilespmem:s1+$0xA300]  }
0xc6: {  	v8 =	vld [tilespmem:s1+$0xA180]  }
0xc7: {  	v9 =	vld [tilespmem:s1+$0x2300]  }
0xc8: {  	v10 =	vld [tilespmem:s1+$0x2200]  }
0xc9: {  	v11 =	vld [tilespmem:s1+$0xA100]  }
0xca: {  	v3 =	vadd.f32 v4, v3;
	v4 =	vld [tilespmem:s1+$0xA280]  }
0xcb: {  	v5 =	vadd.f32 v6, v5;
	v6 =	vld [tilespmem:s1+$0x2280]  }
0xcc: {  	[tilespmem:s1+$0x2000] =	vst v3;
	v3 =	vld [tilespmem:s1+$0xA200]  }
0xcd: {  	[tilespmem:s1+$0x2080] =	vst v5;
	v5 =	vld [tilespmem:s1+$0x2180]  }
0xce: {  	v63 =	vld [tilespmem:s1+$0x2100]  }
0xcf: {  	v7 =	vadd.f32 v7, v9  }
0xd0: {  	v4 =	vadd.f32 v4, v6  }
0xd1: {  	[tilespmem:s1+$0x2300] =	vst v7;
	v3 =	vadd.f32 v3, v10  }
0xd2: {  	v5 =	vadd.f32 v8, v5;
	[tilespmem:s1+$0x2280] =	vst v4  }
0xd3: {  	[tilespmem:s1+$0x2200] =	vst v3;
	v3 =	vadd.f32 v11, v63  }
0xd4: {  	[tilespmem:s1+$0x2180] =	vst v5  }
0xd5: {  	s14 =	sor.u32 $0x2380, s14;
	[tilespmem:s1+$0x2100] =	vst v3  }
0xd6: {  	v3 =	vld [tilespmem:s14+$0x0]  }
0xd7: {  	v4 =	vld [tilespmem:s14+$0x8000];
	_ =	sdelay $0x4  }
0xd8: {  	v3 =	vadd.f32 v4, v3;
	_ =	sdelay $0x1  }
0xd9: {  	[tilespmem:s14+$0x0] =	vst v3;
	s14 =	simm.s32 $0x0  }
0xda: {  	[hbm4b:s9+s14] =	stream.linear.scatter [tilespmem:s14], [sflag:$0x5], $0x4000, $0x38;
	[tilespmem:$0x10100] =	vst v63  }
0xdb: {  	_ =	swait.ge [sflag:s29], $0x4000  }
0xdc: {  	[sflag:s29] =	ssyncset.done $0x0  }
0xdd: {  	[sflag:s29] =	ssyncadd.s32 $0xFFFFC000  }
0xde: {  	v3 =	vld [tilespmem:$0x10020];
	_ =	sdelay $0x4  }
0xdf: {  	v4 =	vshll.u32 v3, $0x3  }
0xe0: {  	v3 =	vand.u32 $0x7, v3;
	v4 =	vand.u32 $0xFFFFFFC0, v4  }
0xe1: {  	v3 =	vor.u32 v3, v4  }
0xe2: {  	v4 =	vperm.xlane v3, v0;
	_ =	sdelay $0x1  }
0xe3: {  	v4 =	vadd.s32 v1, v4;
	_ =	sdelay $0x4  }
0xe4: {  	[tilespmem:s14], [sflag:$0x1] =	stream.indirect_vreg.gather [hbm4b:s3+s14], $0x80, v4, vm0, $0xb8;
	[tilespmem:$0x10100] =	vst v63  }
0xe5: {  	s16 =	simm.s32 $0x800;
	v3 =	vperm.xlane v3, v2  }
0xe6: {  	[tilespmem:s16], [sflag:$0x1] =	stream.indirect_vreg.gather [hbm4b:s6+s14], $0x80, v4, vm0, $0xb8;
	[tilespmem:$0x10100] =	vst v63  }
0xe7: {  	s17 =	simm.s32 $0x1000;
	v3 =	vadd.s32 v1, v3  }
0xe8: {  	[tilespmem:s17], [sflag:$0x1] =	stream.indirect_vreg.gather [hbm4b:s7+s14], $0x80, v4, vm0, $0xb8;
	[tilespmem:$0x10100] =	vst v63  }
0xe9: {  	s18 =	simm.s32 $0x1800  }
0xea: {  	[tilespmem:s18], [sflag:$0x1] =	stream.indirect_vreg.gather [hbm4b:s8+s14], $0x80, v4, vm0, $0xb8;
	[tilespmem:$0x10100] =	vst v63  }
0xeb: {  	s19 =	simm.s32 $0x2000  }
0xec: {  	[tilespmem:s19], [sflag:$0x1] =	stream.indirect_vreg.gather [hbm4b:s3+s14], $0x80, v3, vm0, $0xb8;
	[tilespmem:$0x10100] =	vst v63  }
0xed: {  	s20 =	simm.s32 $0x2800  }
0xee: {  	[tilespmem:s20], [sflag:$0x1] =	stream.indirect_vreg.gather [hbm4b:s6+s14], $0x80, v3, vm0, $0xb8;
	[tilespmem:$0x10100] =	vst v63  }
0xef: {  	s4 =	simm.s32 $0x3000  }
0xf0: {  	[tilespmem:s4], [sflag:$0x1] =	stream.indirect_vreg.gather [hbm4b:s7+s14], $0x80, v3, vm0, $0xb8;
	[tilespmem:$0x10100] =	vst v63  }
0xf1: {  	s16 =	simm.s32 $0x3800  }
0xf2: {  	[tilespmem:s16], [sflag:$0x1] =	stream.indirect_vreg.gather [hbm4b:s8+s14], $0x80, v3, vm0, $0xb8;
	[tilespmem:$0x10100] =	vst v63  }
0xf3: {  	v3 =	vld [tilespmem:$0x100A0];
	_ =	sdelay $0x4  }
0xf4: {  	v4 =	vshll.u32 v3, $0x3  }
0xf5: {  	v3 =	vand.u32 $0x7, v3;
	v4 =	vand.u32 $0xFFFFFFC0, v4  }
0xf6: {  	v3 =	vor.u32 v3, v4  }
0xf7: {  	v4 =	vperm.xlane v3, v0;
	_ =	sdelay $0x1  }
0xf8: {  	v4 =	vadd.s32 v1, v4;
	_ =	sdelay $0x3  }
0xf9: {  	s17 =	simm.s32 $0x8000  }
0xfa: {  	[tilespmem:s17], [sflag:$0x3] =	stream.indirect_vreg.gather [hbm4b:s3+s14], $0x80, v4, vm0, $0xb8;
	[tilespmem:$0x10100] =	vst v63  }
0xfb: {  	s18 =	simm.s32 $0x8800;
	v3 =	vperm.xlane v3, v2  }
0xfc: {  	[tilespmem:s18], [sflag:$0x3] =	stream.indirect_vreg.gather [hbm4b:s6+s14], $0x80, v4, vm0, $0xb8;
	[tilespmem:$0x10100] =	vst v63  }
0xfd: {  	s19 =	simm.s32 $0x9000;
	v3 =	vadd.s32 v1, v3  }
0xfe: {  	[tilespmem:s19], [sflag:$0x3] =	stream.indirect_vreg.gather [hbm4b:s7+s14], $0x80, v4, vm0, $0xb8;
	[tilespmem:$0x10100] =	vst v63  }
0xff: {  	s20 =	simm.s32 $0x9800  }
0x100: {  	[tilespmem:s20], [sflag:$0x3] =	stream.indirect_vreg.gather [hbm4b:s8+s14], $0x80, v4, vm0, $0xb8;
	[tilespmem:$0x10100] =	vst v63  }
0x101: {  	s4 =	simm.s32 $0xA000  }
0x102: {  	[tilespmem:s4], [sflag:$0x3] =	stream.indirect_vreg.gather [hbm4b:s3+s14], $0x80, v3, vm0, $0xb8;
	[tilespmem:$0x10100] =	vst v63  }
0x103: {  	s16 =	simm.s32 $0xA800  }
0x104: {  	[tilespmem:s16], [sflag:$0x3] =	stream.indirect_vreg.gather [hbm4b:s6+s14], $0x80, v3, vm0, $0xb8;
	[tilespmem:$0x10100] =	vst v63  }
0x105: {  	s17 =	simm.s32 $0xB000  }
0x106: {  	[tilespmem:s17], [sflag:$0x3] =	stream.indirect_vreg.gather [hbm4b:s7+s14], $0x80, v3, vm0, $0xb8;
	[tilespmem:$0x10100] =	vst v63  }
0x107: {  	s18 =	simm.s32 $0xB800  }
0x108: {  	[tilespmem:s18], [sflag:$0x3] =	stream.indirect_vreg.gather [hbm4b:s8+s14], $0x80, v3, vm0, $0xb8;
	[tilespmem:$0x10100] =	vst v63  }
0x109: {  	_ =	swait.ge [sflag:s12], $0x4000  }
0x10a: {  	[sflag:s12] =	ssyncset.done $0x0  }
0x10b: {  	[sflag:s12] =	ssyncadd.s32 $0xFFFFC000  }
0x10c: {  	_ =	swait.ge [sflag:s30], $0x4000  }
0x10d: {  	s19 =	sand.u32 $0x70, s14;
	s20 =	sand.u32 $0x1C00, s14;
	[sflag:s30] =	ssyncset.done $0x0  }
0x10e: {  	s1 =	sor.u32 s19, s20;
	[sflag:s30] =	ssyncadd.s32 $0xFFFFC000  }
0x10f: {  	v3 =	vld [tilespmem:s1+$0x4180]  }
0x110: {  	v4 =	vld [tilespmem:s1+$0x4000]  }
0x111: {  	v5 =	vld [tilespmem:s1+$0x4300]  }
0x112: {  	v6 =	vld [tilespmem:s1+$0x4200]  }
0x113: {  	v7 =	vld [tilespmem:s1+$0x4100]  }
0x114: {  	v8 =	vld [tilespmem:s1+$0x4280]  }
0x115: {  	v9 =	vld [tilespmem:s1+$0x4080]  }
0x116: {  	v10 =	vld [tilespmem:s1+$0xC080]  }
0x117: {  	s16 =	sor.u32 s14, s14;
	s17 =	simm.s32 $0x10;
	v11 =	vld [tilespmem:s1+$0xC280]  }
.LBB2_4:
0x118: {  	p0 =	sne.s32 s17, $0x3F0  }
0x119: {  	v12 =	vld [tilespmem:s1+$0xC180];
	s14 =	sadd.s32 $0x80, s14;
	s4 =	smov.u32 s17;
	s17 =	sadd.s32 $0x10, s17  }
0x11a: {  	s18 =	sor.u32 s4, s14;
	v13 =	vld [tilespmem:s1+$0xC100]  }
0x11b: {  	v14 =	vld [tilespmem:s1+$0xC200]  }
0x11c: {  	v15 =	vld [tilespmem:s1+$0xC300]  }
0x11d: {  	v9 =	vadd.f32 v10, v9;
	v16 =	vld [tilespmem:s1+$0xC000];
	v8 =	vadd.f32 v11, v8  }
0x11e: {  	v3 =	vadd.f32 v12, v3  }
0x11f: {  	v7 =	vadd.f32 v13, v7;
	[tilespmem:s1+$0x4280] =	vst v8  }
0x120: {  	[tilespmem:s1+$0x4180] =	vst v3;
	v3 =	vadd.f32 v14, v6  }
0x121: {  	[tilespmem:s1+$0x4080] =	vst v9;
	v5 =	vadd.f32 v15, v5  }
0x122: {  	v4 =	vadd.f32 v16, v4;
	[tilespmem:s1+$0x4100] =	vst v7  }
0x123: {  	[tilespmem:s1+$0x4300] =	vst v5  }
0x124: {  	[tilespmem:s1+$0x4200] =	vst v3  }
0x125: {  	s19 =	sor.u32 $0x380, s16;
	[tilespmem:s1+$0x4000] =	vst v4  }
0x126: {  	v3 =	vld [tilespmem:s19+$0x4000]  }
0x127: {  	v4 =	vld [tilespmem:s19+$0xC000];
	_ =	sdelay $0x4  }
0x128: {  	v3 =	vadd.f32 v4, v3;
	_ =	sdelay $0x1  }
0x129: {  	s4 =	sand.u32 $0x70, s4;
	s20 =	sand.u32 $0x1C00, s14;
	[tilespmem:s19+$0x4000] =	vst v3  }
0x12a: {  	s4 =	sor.u32 s4, s20;
	v3 =	vld [tilespmem:s1+$0x6000]  }
0x12b: {  	v4 =	vld [tilespmem:s1+$0xE000]  }
0x12c: {  	v5 =	vld [tilespmem:s1+$0x6080]  }
0x12d: {  	v6 =	vld [tilespmem:s1+$0xE080]  }
0x12e: {  	v7 =	vld [tilespmem:s1+$0xE300]  }
0x12f: {  	v8 =	vld [tilespmem:s1+$0x6300]  }
0x130: {  	v3 =	vadd.f32 v4, v3;
	v4 =	vld [tilespmem:s1+$0xE280]  }
0x131: {  	v9 =	vld [tilespmem:s1+$0xE180]  }
0x132: {  	[tilespmem:s1+$0x6000] =	vst v3;
	v3 =	vadd.f32 v6, v5;
	v5 =	vld [tilespmem:s1+$0xE200]  }
0x133: {  	v6 =	vld [tilespmem:s1+$0x6280]  }
0x134: {  	[tilespmem:s1+$0x6080] =	vst v3;
	v10 =	vld [tilespmem:s1+$0x6200];
	v3 =	vadd.f32 v7, v8  }
0x135: {  	v7 =	vld [tilespmem:s1+$0x6180]  }
0x136: {  	v8 =	vld [tilespmem:s1+$0xE100];
	[tilespmem:s1+$0x6300] =	vst v3  }
0x137: {  	v11 =	vld [tilespmem:s1+$0x6100]  }
0x138: {  	v3 =	vld [tilespmem:s4+$0x4180];
	v4 =	vadd.f32 v4, v6  }
0x139: {  	v5 =	vadd.f32 v5, v10  }
0x13a: {  	v6 =	vadd.f32 v9, v7;
	[tilespmem:s1+$0x6280] =	vst v4  }
0x13b: {  	[tilespmem:s1+$0x6200] =	vst v5  }
0x13c: {  	v4 =	vadd.f32 v8, v11  }
0x13d: {  	[tilespmem:s1+$0x6180] =	vst v6  }
0x13e: {  	s19 =	sor.u32 $0x2380, s16;
	s16 =	smov.u32 s18;
	[tilespmem:s1+$0x6100] =	vst v4;
	s1 =	smov.u32 s4  }
0x13f: {  	v8 =	vld [tilespmem:s19+$0x4000]  }
0x140: {  	v9 =	vld [tilespmem:s19+$0xC000];
	_ =	sdelay $0x1  }
0x141: {  	v4 =	vld [tilespmem:s1+$0x4000]  }
0x142: {  	v5 =	vld [tilespmem:s1+$0x4300]  }
0x143: {  	v6 =	vld [tilespmem:s1+$0x4200]  }
.Ltmp1:
0x144: {  	v7 =	vld [tilespmem:s1+$0x4100];
	v10 =	vadd.f32 v9, v8;
	(pc) =	sbr.rel @p0 .LBB2_4-.Ltmp1, $4  }
0x145: {  	v8 =	vld [tilespmem:s1+$0x4280]  }
0x146: {  	v9 =	vld [tilespmem:s1+$0x4080];
	[tilespmem:s19+$0x4000] =	vst v10  }
0x147: {  	v10 =	vld [tilespmem:s1+$0xC080]  }
0x148: {  	v11 =	vld [tilespmem:s1+$0xC280]  }
0x149: {  	v12 =	vld [tilespmem:s1+$0xC180]  }
0x14a: {  	v13 =	vld [tilespmem:s1+$0xC100]  }
0x14b: {  	v14 =	vld [tilespmem:s1+$0xC300]  }
0x14c: {  	v15 =	vld [tilespmem:s1+$0xC200];
	v9 =	vadd.f32 v10, v9  }
0x14d: {  	v8 =	vadd.f32 v11, v8;
	v11 =	vld [tilespmem:s1+$0xC000]  }
0x14e: {  	v3 =	vadd.f32 v12, v3;
	[tilespmem:s1+$0x4080] =	vst v9  }
0x14f: {  	v7 =	vadd.f32 v13, v7;
	[tilespmem:s1+$0x4280] =	vst v8  }
0x150: {  	[tilespmem:s1+$0x4180] =	vst v3;
	v3 =	vadd.f32 v14, v5  }
0x151: {  	v5 =	vadd.f32 v15, v6;
	[tilespmem:s1+$0x4100] =	vst v7  }
0x152: {  	v4 =	vadd.f32 v11, v4;
	[tilespmem:s1+$0x4300] =	vst v3  }
0x153: {  	[tilespmem:s1+$0x4200] =	vst v5  }
0x154: {  	s4 =	sor.u32 $0x380, s16;
	[tilespmem:s1+$0x4000] =	vst v4  }
0x155: {  	v3 =	vld [tilespmem:s4+$0x4000]  }
0x156: {  	v4 =	vld [tilespmem:s4+$0xC000];
	_ =	sdelay $0x4  }
0x157: {  	v3 =	vadd.f32 v4, v3;
	_ =	sdelay $0x1  }
0x158: {  	[tilespmem:s4+$0x4000] =	vst v3  }
0x159: {  	v3 =	vld [tilespmem:s1+$0x6000]  }
0x15a: {  	v4 =	vld [tilespmem:s1+$0xE000]  }
0x15b: {  	v5 =	vld [tilespmem:s1+$0x6080]  }
0x15c: {  	v6 =	vld [tilespmem:s1+$0xE080]  }
0x15d: {  	v7 =	vld [tilespmem:s1+$0xE300]  }
0x15e: {  	v8 =	vld [tilespmem:s1+$0xE180]  }
0x15f: {  	v9 =	vld [tilespmem:s1+$0x6300]  }
0x160: {  	v10 =	vld [tilespmem:s1+$0x6200]  }
0x161: {  	v11 =	vld [tilespmem:s1+$0xE100]  }
0x162: {  	v3 =	vadd.f32 v4, v3;
	v4 =	vld [tilespmem:s1+$0xE280]  }
0x163: {  	v5 =	vadd.f32 v6, v5;
	v6 =	vld [tilespmem:s1+$0x6280]  }
0x164: {  	[tilespmem:s1+$0x6000] =	vst v3;
	v3 =	vld [tilespmem:s1+$0xE200]  }
0x165: {  	[tilespmem:s1+$0x6080] =	vst v5;
	v5 =	vld [tilespmem:s1+$0x6180]  }
0x166: {  	v63 =	vld [tilespmem:s1+$0x6100]  }
0x167: {  	v7 =	vadd.f32 v7, v9  }
0x168: {  	v4 =	vadd.f32 v4, v6  }
0x169: {  	[tilespmem:s1+$0x6300] =	vst v7;
	v3 =	vadd.f32 v3, v10  }
0x16a: {  	v5 =	vadd.f32 v8, v5;
	[tilespmem:s1+$0x6280] =	vst v4  }
0x16b: {  	[tilespmem:s1+$0x6200] =	vst v3;
	v3 =	vadd.f32 v11, v63  }
0x16c: {  	[tilespmem:s1+$0x6180] =	vst v5  }
0x16d: {  	s16 =	sor.u32 $0x2380, s16;
	[tilespmem:s1+$0x6100] =	vst v3  }
0x16e: {  	v3 =	vld [tilespmem:s16+$0x4000]  }
0x16f: {  	v4 =	vld [tilespmem:s16+$0xC000];
	_ =	sdelay $0x4  }
0x170: {  	v3 =	vadd.f32 v4, v3;
	_ =	sdelay $0x1  }
0x171: {  	s14 =	simm.s32 $0x0;
	s17 =	rddreg [dreg:$0x5];
	[tilespmem:s16+$0x4000] =	vst v3  }
0x172: {  	[hbm4b:s17+s14] =	stream.linear.scatter [tilespmem:s0], [sflag:$0x6], $0x4000, $0x38;
	[tilespmem:$0x10100] =	vst v63  }
0x173: {  	_ =	swait.ge [sflag:s13], $0x4000  }
0x174: {  	[sflag:s13] =	ssyncset.done $0x0  }
0x175: {  	[sflag:s13] =	ssyncadd.s32 $0xFFFFC000  }
0x176: {  	v3 =	vld [tilespmem:$0x10030];
	_ =	sdelay $0x4  }
0x177: {  	v4 =	vshll.u32 v3, $0x3  }
0x178: {  	v3 =	vand.u32 $0x7, v3;
	v4 =	vand.u32 $0xFFFFFFC0, v4  }
0x179: {  	v3 =	vor.u32 v3, v4  }
0x17a: {  	v4 =	vperm.xlane v3, v0;
	_ =	sdelay $0x1  }
0x17b: {  	v4 =	vadd.s32 v1, v4;
	_ =	sdelay $0x4  }
0x17c: {  	[tilespmem:s0], [sflag:$0x2] =	stream.indirect_vreg.gather [hbm4b:s3+s14], $0x80, v4, vm0, $0xb8;
	[tilespmem:$0x10100] =	vst v63  }
0x17d: {  	s18 =	simm.s32 $0x4800;
	v3 =	vperm.xlane v3, v2  }
0x17e: {  	[tilespmem:s18], [sflag:$0x2] =	stream.indirect_vreg.gather [hbm4b:s6+s14], $0x80, v4, vm0, $0xb8;
	[tilespmem:$0x10100] =	vst v63  }
0x17f: {  	s19 =	simm.s32 $0x5000;
	v3 =	vadd.s32 v1, v3  }
0x180: {  	[tilespmem:s19], [sflag:$0x2] =	stream.indirect_vreg.gather [hbm4b:s7+s14], $0x80, v4, vm0, $0xb8;
	[tilespmem:$0x10100] =	vst v63  }
0x181: {  	s20 =	simm.s32 $0x5800  }
0x182: {  	[tilespmem:s20], [sflag:$0x2] =	stream.indirect_vreg.gather [hbm4b:s8+s14], $0x80, v4, vm0, $0xb8;
	[tilespmem:$0x10100] =	vst v63  }
0x183: {  	s4 =	simm.s32 $0x6000  }
0x184: {  	[tilespmem:s4], [sflag:$0x2] =	stream.indirect_vreg.gather [hbm4b:s3+s14], $0x80, v3, vm0, $0xb8;
	[tilespmem:$0x10100] =	vst v63  }
0x185: {  	s16 =	simm.s32 $0x6800  }
0x186: {  	[tilespmem:s16], [sflag:$0x2] =	stream.indirect_vreg.gather [hbm4b:s6+s14], $0x80, v3, vm0, $0xb8;
	[tilespmem:$0x10100] =	vst v63  }
0x187: {  	s17 =	simm.s32 $0x7000  }
0x188: {  	[tilespmem:s17], [sflag:$0x2] =	stream.indirect_vreg.gather [hbm4b:s7+s14], $0x80, v3, vm0, $0xb8;
	[tilespmem:$0x10100] =	vst v63  }
0x189: {  	s18 =	simm.s32 $0x7800  }
0x18a: {  	[tilespmem:s18], [sflag:$0x2] =	stream.indirect_vreg.gather [hbm4b:s8+s14], $0x80, v3, vm0, $0xb8;
	[tilespmem:$0x10100] =	vst v63  }
0x18b: {  	v3 =	vld [tilespmem:$0x100B0];
	_ =	sdelay $0x4  }
0x18c: {  	v4 =	vshll.u32 v3, $0x3  }
0x18d: {  	v3 =	vand.u32 $0x7, v3;
	v4 =	vand.u32 $0xFFFFFFC0, v4  }
0x18e: {  	v3 =	vor.u32 v3, v4  }
0x18f: {  	v4 =	vperm.xlane v3, v0;
	_ =	sdelay $0x1  }
0x190: {  	v4 =	vadd.s32 v1, v4;
	_ =	sdelay $0x4  }
0x191: {  	[tilespmem:s5], [sflag:$0x4] =	stream.indirect_vreg.gather [hbm4b:s3+s14], $0x80, v4, vm0, $0xb8;
	[tilespmem:$0x10100] =	vst v63  }
0x192: {  	v3 =	vperm.xlane v3, v2  }
0x193: {  	[tilespmem:s21], [sflag:$0x4] =	stream.indirect_vreg.gather [hbm4b:s6+s14], $0x80, v4, vm0, $0xb8;
	[tilespmem:$0x10100] =	vst v63  }
0x194: {  	v3 =	vadd.s32 v1, v3  }
0x195: {  	[tilespmem:s22], [sflag:$0x4] =	stream.indirect_vreg.gather [hbm4b:s7+s14], $0x80, v4, vm0, $0xb8;
	[tilespmem:$0x10100] =	vst v63  }
0x196: {  	_ = 	snop  }
0x197: {  	[tilespmem:s23], [sflag:$0x4] =	stream.indirect_vreg.gather [hbm4b:s8+s14], $0x80, v4, vm0, $0xb8;
	[tilespmem:$0x10100] =	vst v63  }
0x198: {  	_ = 	snop  }
0x199: {  	[tilespmem:s24], [sflag:$0x4] =	stream.indirect_vreg.gather [hbm4b:s3+s14], $0x80, v3, vm0, $0xb8;
	[tilespmem:$0x10100] =	vst v63  }
0x19a: {  	_ = 	snop  }
0x19b: {  	[tilespmem:s25], [sflag:$0x4] =	stream.indirect_vreg.gather [hbm4b:s6+s14], $0x80, v3, vm0, $0xb8;
	[tilespmem:$0x10100] =	vst v63  }
0x19c: {  	_ = 	snop  }
0x19d: {  	[tilespmem:s26], [sflag:$0x4] =	stream.indirect_vreg.gather [hbm4b:s7+s14], $0x80, v3, vm0, $0xb8;
	[tilespmem:$0x10100] =	vst v63  }
0x19e: {  	_ = 	snop  }
0x19f: {  	[tilespmem:s10], [sflag:$0x4] =	stream.indirect_vreg.gather [hbm4b:s8+s14], $0x80, v3, vm0, $0xb8;
	[tilespmem:$0x10100] =	vst v63  }
0x1a0: {  	_ =	swait.ge [sflag:s28], $0x4000  }
0x1a1: {  	[sflag:s28] =	ssyncset.done $0x0  }
0x1a2: {  	[sflag:s28] =	ssyncadd.s32 $0xFFFFC000  }
0x1a3: {  	_ =	swait.ge [sflag:s11], $0x4000  }
0x1a4: {  	s19 =	sand.u32 $0x70, s14;
	s20 =	sand.u32 $0x1C00, s14;
	[sflag:s11] =	ssyncset.done $0x0  }
0x1a5: {  	s1 =	sor.u32 s19, s20;
	[sflag:s11] =	ssyncadd.s32 $0xFFFFC000  }
0x1a6: {  	v3 =	vld [tilespmem:s1+$0x180]  }
0x1a7: {  	v4 =	vld [tilespmem:s1+$0x0]  }
0x1a8: {  	v5 =	vld [tilespmem:s1+$0x300]  }
0x1a9: {  	v6 =	vld [tilespmem:s1+$0x200]  }
0x1aa: {  	v7 =	vld [tilespmem:s1+$0x100]  }
0x1ab: {  	v8 =	vld [tilespmem:s1+$0x280]  }
0x1ac: {  	v9 =	vld [tilespmem:s1+$0x80]  }
0x1ad: {  	v10 =	vld [tilespmem:s1+$0x8080]  }
0x1ae: {  	s16 =	sor.u32 s14, s14;
	s17 =	simm.s32 $0x10;
	v11 =	vld [tilespmem:s1+$0x8280]  }
.LBB2_6:
0x1af: {  	p0 =	sne.s32 s17, $0x3F0  }
0x1b0: {  	v12 =	vld [tilespmem:s1+$0x8180];
	s14 =	sadd.s32 $0x80, s14;
	s4 =	smov.u32 s17;
	s17 =	sadd.s32 $0x10, s17  }
0x1b1: {  	s18 =	sor.u32 s4, s14;
	v13 =	vld [tilespmem:s1+$0x8100]  }
0x1b2: {  	v14 =	vld [tilespmem:s1+$0x8200]  }
0x1b3: {  	v15 =	vld [tilespmem:s1+$0x8300]  }
0x1b4: {  	v9 =	vadd.f32 v10, v9;
	v16 =	vld [tilespmem:s1+$0x8000];
	v8 =	vadd.f32 v11, v8  }
0x1b5: {  	v3 =	vadd.f32 v12, v3  }
0x1b6: {  	v7 =	vadd.f32 v13, v7;
	[tilespmem:s1+$0x280] =	vst v8  }
0x1b7: {  	[tilespmem:s1+$0x180] =	vst v3;
	v3 =	vadd.f32 v14, v6  }
0x1b8: {  	[tilespmem:s1+$0x80] =	vst v9;
	v5 =	vadd.f32 v15, v5  }
0x1b9: {  	v4 =	vadd.f32 v16, v4;
	[tilespmem:s1+$0x100] =	vst v7  }
0x1ba: {  	[tilespmem:s1+$0x300] =	vst v5  }
0x1bb: {  	[tilespmem:s1+$0x200] =	vst v3  }
0x1bc: {  	s19 =	sor.u32 $0x380, s16;
	[tilespmem:s1+$0x0] =	vst v4  }
0x1bd: {  	v3 =	vld [tilespmem:s19+$0x0]  }
0x1be: {  	v4 =	vld [tilespmem:s19+$0x8000];
	_ =	sdelay $0x4  }
0x1bf: {  	v3 =	vadd.f32 v4, v3;
	_ =	sdelay $0x1  }
0x1c0: {  	s4 =	sand.u32 $0x70, s4;
	s20 =	sand.u32 $0x1C00, s14;
	[tilespmem:s19+$0x0] =	vst v3  }
0x1c1: {  	s4 =	sor.u32 s4, s20;
	v3 =	vld [tilespmem:s1+$0x2000]  }
0x1c2: {  	v4 =	vld [tilespmem:s1+$0xA000]  }
0x1c3: {  	v5 =	vld [tilespmem:s1+$0x2080]  }
0x1c4: {  	v6 =	vld [tilespmem:s1+$0xA080]  }
0x1c5: {  	v7 =	vld [tilespmem:s1+$0xA300]  }
0x1c6: {  	v8 =	vld [tilespmem:s1+$0x2300]  }
0x1c7: {  	v3 =	vadd.f32 v4, v3;
	v4 =	vld [tilespmem:s1+$0xA280]  }
0x1c8: {  	v9 =	vld [tilespmem:s1+$0xA180]  }
0x1c9: {  	[tilespmem:s1+$0x2000] =	vst v3;
	v3 =	vadd.f32 v6, v5;
	v5 =	vld [tilespmem:s1+$0xA200]  }
0x1ca: {  	v6 =	vld [tilespmem:s1+$0x2280]  }
0x1cb: {  	[tilespmem:s1+$0x2080] =	vst v3;
	v10 =	vld [tilespmem:s1+$0x2200];
	v3 =	vadd.f32 v7, v8  }
0x1cc: {  	v7 =	vld [tilespmem:s1+$0x2180]  }
0x1cd: {  	v8 =	vld [tilespmem:s1+$0xA100];
	[tilespmem:s1+$0x2300] =	vst v3  }
0x1ce: {  	v11 =	vld [tilespmem:s1+$0x2100]  }
0x1cf: {  	v3 =	vld [tilespmem:s4+$0x180];
	v4 =	vadd.f32 v4, v6  }
0x1d0: {  	v5 =	vadd.f32 v5, v10  }
0x1d1: {  	v6 =	vadd.f32 v9, v7;
	[tilespmem:s1+$0x2280] =	vst v4  }
0x1d2: {  	[tilespmem:s1+$0x2200] =	vst v5  }
0x1d3: {  	v4 =	vadd.f32 v8, v11  }
0x1d4: {  	[tilespmem:s1+$0x2180] =	vst v6  }
0x1d5: {  	s19 =	sor.u32 $0x2380, s16;
	s16 =	smov.u32 s18;
	[tilespmem:s1+$0x2100] =	vst v4;
	s1 =	smov.u32 s4  }
0x1d6: {  	v8 =	vld [tilespmem:s19+$0x0]  }
0x1d7: {  	v9 =	vld [tilespmem:s19+$0x8000];
	_ =	sdelay $0x1  }
0x1d8: {  	v4 =	vld [tilespmem:s1+$0x0]  }
0x1d9: {  	v5 =	vld [tilespmem:s1+$0x300]  }
0x1da: {  	v6 =	vld [tilespmem:s1+$0x200]  }
.Ltmp2:
0x1db: {  	v7 =	vld [tilespmem:s1+$0x100];
	v10 =	vadd.f32 v9, v8;
	(pc) =	sbr.rel @p0 .LBB2_6-.Ltmp2, $4  }
0x1dc: {  	v8 =	vld [tilespmem:s1+$0x280]  }
0x1dd: {  	v9 =	vld [tilespmem:s1+$0x80];
	[tilespmem:s19+$0x0] =	vst v10  }
0x1de: {  	v10 =	vld [tilespmem:s1+$0x8080]  }
0x1df: {  	v11 =	vld [tilespmem:s1+$0x8280]  }
0x1e0: {  	v12 =	vld [tilespmem:s1+$0x8180]  }
0x1e1: {  	v13 =	vld [tilespmem:s1+$0x8100]  }
0x1e2: {  	v14 =	vld [tilespmem:s1+$0x8300]  }
0x1e3: {  	v15 =	vld [tilespmem:s1+$0x8200];
	v9 =	vadd.f32 v10, v9  }
0x1e4: {  	v8 =	vadd.f32 v11, v8;
	v11 =	vld [tilespmem:s1+$0x8000]  }
0x1e5: {  	v3 =	vadd.f32 v12, v3;
	[tilespmem:s1+$0x80] =	vst v9  }
0x1e6: {  	v7 =	vadd.f32 v13, v7;
	[tilespmem:s1+$0x280] =	vst v8  }
0x1e7: {  	[tilespmem:s1+$0x180] =	vst v3;
	v3 =	vadd.f32 v14, v5  }
0x1e8: {  	v5 =	vadd.f32 v15, v6;
	[tilespmem:s1+$0x100] =	vst v7  }
0x1e9: {  	v4 =	vadd.f32 v11, v4;
	[tilespmem:s1+$0x300] =	vst v3  }
0x1ea: {  	[tilespmem:s1+$0x200] =	vst v5  }
0x1eb: {  	s4 =	sor.u32 $0x380, s16;
	[tilespmem:s1+$0x0] =	vst v4  }
0x1ec: {  	v3 =	vld [tilespmem:s4+$0x0]  }
0x1ed: {  	v4 =	vld [tilespmem:s4+$0x8000];
	_ =	sdelay $0x4  }
0x1ee: {  	v3 =	vadd.f32 v4, v3;
	_ =	sdelay $0x1  }
0x1ef: {  	[tilespmem:s4+$0x0] =	vst v3  }
0x1f0: {  	v3 =	vld [tilespmem:s1+$0x2000]  }
0x1f1: {  	v4 =	vld [tilespmem:s1+$0xA000]  }
0x1f2: {  	v5 =	vld [tilespmem:s1+$0x2080]  }
0x1f3: {  	v6 =	vld [tilespmem:s1+$0xA080]  }
0x1f4: {  	v7 =	vld [tilespmem:s1+$0xA300]  }
0x1f5: {  	v8 =	vld [tilespmem:s1+$0xA180]  }
0x1f6: {  	v9 =	vld [tilespmem:s1+$0x2300]  }
0x1f7: {  	v10 =	vld [tilespmem:s1+$0x2200]  }
0x1f8: {  	v11 =	vld [tilespmem:s1+$0xA100]  }
0x1f9: {  	v3 =	vadd.f32 v4, v3;
	v4 =	vld [tilespmem:s1+$0xA280]  }
0x1fa: {  	v5 =	vadd.f32 v6, v5;
	v6 =	vld [tilespmem:s1+$0x2280]  }
0x1fb: {  	[tilespmem:s1+$0x2000] =	vst v3;
	v3 =	vld [tilespmem:s1+$0xA200]  }
0x1fc: {  	[tilespmem:s1+$0x2080] =	vst v5;
	v5 =	vld [tilespmem:s1+$0x2180]  }
0x1fd: {  	v63 =	vld [tilespmem:s1+$0x2100]  }
0x1fe: {  	v7 =	vadd.f32 v7, v9  }
0x1ff: {  	v4 =	vadd.f32 v4, v6  }
0x200: {  	[tilespmem:s1+$0x2300] =	vst v7;
	v3 =	vadd.f32 v3, v10  }
0x201: {  	v5 =	vadd.f32 v8, v5;
	[tilespmem:s1+$0x2280] =	vst v4  }
0x202: {  	[tilespmem:s1+$0x2200] =	vst v3;
	v3 =	vadd.f32 v11, v63  }
0x203: {  	[tilespmem:s1+$0x2180] =	vst v5  }
0x204: {  	s17 =	sor.u32 $0x2380, s16;
	[tilespmem:s1+$0x2100] =	vst v3  }
0x205: {  	v3 =	vld [tilespmem:s17+$0x0]  }
0x206: {  	v4 =	vld [tilespmem:s17+$0x8000];
	_ =	sdelay $0x4  }
0x207: {  	v3 =	vadd.f32 v4, v3;
	_ =	sdelay $0x1  }
0x208: {  	s16 =	simm.s32 $0x0;
	s18 =	rddreg [dreg:$0x6];
	[tilespmem:s17+$0x0] =	vst v3  }
0x209: {  	[hbm4b:s18+s16] =	stream.linear.scatter [tilespmem:s16], [sflag:$0x5], $0x4000, $0x38;
	[tilespmem:$0x10100] =	vst v63  }
0x20a: {  	_ =	swait.ge [sflag:s12], $0x4000  }
0x20b: {  	[sflag:s12] =	ssyncset.done $0x0  }
0x20c: {  	[sflag:s12] =	ssyncadd.s32 $0xFFFFC000  }
0x20d: {  	_ =	swait.ge [sflag:s30], $0x4000  }
0x20e: {  	s19 =	sand.u32 $0x70, s16;
	s20 =	sand.u32 $0x1C00, s16;
	[sflag:s30] =	ssyncset.done $0x0  }
0x20f: {  	s1 =	sor.u32 s19, s20;
	[sflag:s30] =	ssyncadd.s32 $0xFFFFC000  }
0x210: {  	v3 =	vld [tilespmem:s1+$0x4180]  }
0x211: {  	v4 =	vld [tilespmem:s1+$0x4000]  }
0x212: {  	v5 =	vld [tilespmem:s1+$0x4300]  }
0x213: {  	v6 =	vld [tilespmem:s1+$0x4200]  }
0x214: {  	v7 =	vld [tilespmem:s1+$0x4100]  }
0x215: {  	v8 =	vld [tilespmem:s1+$0x4280]  }
0x216: {  	v9 =	vld [tilespmem:s1+$0x4080]  }
0x217: {  	v10 =	vld [tilespmem:s1+$0xC080]  }
0x218: {  	s14 =	sor.u32 s16, s16;
	s17 =	simm.s32 $0x10;
	v11 =	vld [tilespmem:s1+$0xC280]  }
.LBB2_8:
0x219: {  	p0 =	sne.s32 s17, $0x3F0  }
0x21a: {  	v12 =	vld [tilespmem:s1+$0xC180];
	s16 =	sadd.s32 $0x80, s16;
	s4 =	smov.u32 s17;
	s17 =	sadd.s32 $0x10, s17  }
0x21b: {  	s18 =	sor.u32 s4, s16;
	v13 =	vld [tilespmem:s1+$0xC100]  }
0x21c: {  	v14 =	vld [tilespmem:s1+$0xC200]  }
0x21d: {  	v15 =	vld [tilespmem:s1+$0xC300]  }
0x21e: {  	v9 =	vadd.f32 v10, v9;
	v16 =	vld [tilespmem:s1+$0xC000];
	v8 =	vadd.f32 v11, v8  }
0x21f: {  	v3 =	vadd.f32 v12, v3  }
0x220: {  	v7 =	vadd.f32 v13, v7;
	[tilespmem:s1+$0x4280] =	vst v8  }
0x221: {  	[tilespmem:s1+$0x4180] =	vst v3;
	v3 =	vadd.f32 v14, v6  }
0x222: {  	[tilespmem:s1+$0x4080] =	vst v9;
	v5 =	vadd.f32 v15, v5  }
0x223: {  	v4 =	vadd.f32 v16, v4;
	[tilespmem:s1+$0x4100] =	vst v7  }
0x224: {  	[tilespmem:s1+$0x4300] =	vst v5  }
0x225: {  	[tilespmem:s1+$0x4200] =	vst v3  }
0x226: {  	s19 =	sor.u32 $0x380, s14;
	[tilespmem:s1+$0x4000] =	vst v4  }
0x227: {  	v3 =	vld [tilespmem:s19+$0x4000]  }
0x228: {  	v4 =	vld [tilespmem:s19+$0xC000];
	_ =	sdelay $0x4  }
0x229: {  	v3 =	vadd.f32 v4, v3;
	_ =	sdelay $0x1  }
0x22a: {  	s4 =	sand.u32 $0x70, s4;
	s20 =	sand.u32 $0x1C00, s16;
	[tilespmem:s19+$0x4000] =	vst v3  }
0x22b: {  	s4 =	sor.u32 s4, s20;
	v3 =	vld [tilespmem:s1+$0x6000]  }
0x22c: {  	v4 =	vld [tilespmem:s1+$0xE000]  }
0x22d: {  	v5 =	vld [tilespmem:s1+$0x6080]  }
0x22e: {  	v6 =	vld [tilespmem:s1+$0xE080]  }
0x22f: {  	v7 =	vld [tilespmem:s1+$0xE300]  }
0x230: {  	v8 =	vld [tilespmem:s1+$0x6300]  }
0x231: {  	v3 =	vadd.f32 v4, v3;
	v4 =	vld [tilespmem:s1+$0xE280]  }
0x232: {  	v9 =	vld [tilespmem:s1+$0xE180]  }
0x233: {  	[tilespmem:s1+$0x6000] =	vst v3;
	v3 =	vadd.f32 v6, v5;
	v5 =	vld [tilespmem:s1+$0xE200]  }
0x234: {  	v6 =	vld [tilespmem:s1+$0x6280]  }
0x235: {  	[tilespmem:s1+$0x6080] =	vst v3;
	v10 =	vld [tilespmem:s1+$0x6200];
	v3 =	vadd.f32 v7, v8  }
0x236: {  	v7 =	vld [tilespmem:s1+$0x6180]  }
0x237: {  	v8 =	vld [tilespmem:s1+$0xE100];
	[tilespmem:s1+$0x6300] =	vst v3  }
0x238: {  	v11 =	vld [tilespmem:s1+$0x6100]  }
0x239: {  	v3 =	vld [tilespmem:s4+$0x4180];
	v4 =	vadd.f32 v4, v6  }
0x23a: {  	v5 =	vadd.f32 v5, v10  }
0x23b: {  	v6 =	vadd.f32 v9, v7;
	[tilespmem:s1+$0x6280] =	vst v4  }
0x23c: {  	[tilespmem:s1+$0x6200] =	vst v5  }
0x23d: {  	v4 =	vadd.f32 v8, v11  }
0x23e: {  	[tilespmem:s1+$0x6180] =	vst v6  }
0x23f: {  	s19 =	sor.u32 $0x2380, s14;
	s14 =	smov.u32 s18;
	[tilespmem:s1+$0x6100] =	vst v4;
	s1 =	smov.u32 s4  }
0x240: {  	v8 =	vld [tilespmem:s19+$0x4000]  }
0x241: {  	v9 =	vld [tilespmem:s19+$0xC000];
	_ =	sdelay $0x1  }
0x242: {  	v4 =	vld [tilespmem:s1+$0x4000]  }
0x243: {  	v5 =	vld [tilespmem:s1+$0x4300]  }
0x244: {  	v6 =	vld [tilespmem:s1+$0x4200]  }
.Ltmp3:
0x245: {  	v7 =	vld [tilespmem:s1+$0x4100];
	v10 =	vadd.f32 v9, v8;
	(pc) =	sbr.rel @p0 .LBB2_8-.Ltmp3, $4  }
0x246: {  	v8 =	vld [tilespmem:s1+$0x4280]  }
0x247: {  	v9 =	vld [tilespmem:s1+$0x4080];
	[tilespmem:s19+$0x4000] =	vst v10  }
0x248: {  	v10 =	vld [tilespmem:s1+$0xC080]  }
0x249: {  	v11 =	vld [tilespmem:s1+$0xC280]  }
0x24a: {  	v12 =	vld [tilespmem:s1+$0xC180]  }
0x24b: {  	v13 =	vld [tilespmem:s1+$0xC100]  }
0x24c: {  	v15 =	vld [tilespmem:s1+$0xC200]  }
0x24d: {  	v50 =	vld [tilespmem:s1+$0xC000];
	v9 =	vadd.f32 v10, v9  }
0x24e: {  	v14 =	vld [tilespmem:s1+$0xC300];
	v8 =	vadd.f32 v11, v8  }
0x24f: {  	v3 =	vadd.f32 v12, v3;
	[tilespmem:s1+$0x4080] =	vst v9  }
0x250: {  	v7 =	vadd.f32 v13, v7;
	[tilespmem:s1+$0x4280] =	vst v8  }
0x251: {  	v51 =	vadd.f32 v15, v6;
	[tilespmem:s1+$0x4180] =	vst v3  }
0x252: {  	v4 =	vadd.f32 v50, v4;
	[tilespmem:s1+$0x4100] =	vst v7  }
0x253: {  	v3 =	vadd.f32 v14, v5;
	[tilespmem:s1+$0x4200] =	vst v51  }
0x254: {  	[tilespmem:s1+$0x4000] =	vst v4  }
0x255: {  	s4 =	sor.u32 $0x380, s14;
	[tilespmem:s1+$0x4300] =	vst v3  }
0x256: {  	v3 =	vld [tilespmem:s4+$0x4000]  }
0x257: {  	v4 =	vld [tilespmem:s4+$0xC000];
	_ =	sdelay $0x4  }
0x258: {  	v3 =	vadd.f32 v4, v3;
	_ =	sdelay $0x1  }
0x259: {  	[tilespmem:s4+$0x4000] =	vst v3  }
0x25a: {  	v3 =	vld [tilespmem:s1+$0x6000]  }
0x25b: {  	v52 =	vld [tilespmem:s1+$0xE000]  }
0x25c: {  	v53 =	vld [tilespmem:s1+$0x6080]  }
0x25d: {  	v54 =	vld [tilespmem:s1+$0xE080]  }
0x25e: {  	v55 =	vld [tilespmem:s1+$0xE300]  }
0x25f: {  	v56 =	vld [tilespmem:s1+$0xE280]  }
0x260: {  	v57 =	vld [tilespmem:s1+$0xE180]  }
0x261: {  	v58 =	vld [tilespmem:s1+$0x6300]  }
0x262: {  	v59 =	vld [tilespmem:s1+$0x6280]  }
0x263: {  	v60 =	vld [tilespmem:s1+$0x6200];
	v3 =	vadd.f32 v52, v3  }
0x264: {  	v61 =	vld [tilespmem:s1+$0x6180]  }
0x265: {  	[tilespmem:s1+$0x6000] =	vst v3;
	v3 =	vld [tilespmem:s1+$0xE200]  }
0x266: {  	v62 =	vld [tilespmem:s1+$0xE100]  }
0x267: {  	v63 =	vld [tilespmem:s1+$0x6100];
	v5 =	vadd.f32 v54, v53  }
0x268: {  	v7 =	vadd.f32 v55, v58  }
0x269: {  	v4 =	vadd.f32 v56, v59;
	[tilespmem:s1+$0x6080] =	vst v5  }
0x26a: {  	[tilespmem:s1+$0x6300] =	vst v7;
	v3 =	vadd.f32 v3, v60  }
0x26b: {  	v5 =	vadd.f32 v57, v61;
	[tilespmem:s1+$0x6280] =	vst v4  }
0x26c: {  	[tilespmem:s1+$0x6200] =	vst v3;
	v3 =	vadd.f32 v62, v63  }
0x26d: {  	[tilespmem:s1+$0x6180] =	vst v5  }
0x26e: {  	s18 =	sor.u32 $0x2380, s14;
	[tilespmem:s1+$0x6100] =	vst v3  }
0x26f: {  	v3 =	vld [tilespmem:s18+$0x4000]  }
0x270: {  	v4 =	vld [tilespmem:s18+$0xC000];
	_ =	sdelay $0x4  }
0x271: {  	v3 =	vadd.f32 v4, v3;
	_ =	sdelay $0x1  }
0x272: {  	s19 =	rddreg [dreg:$0x7];
	[tilespmem:s18+$0x4000] =	vst v3  }
0x273: {  	[hbm4b:s19+s2] =	stream.linear.scatter [tilespmem:s0], [sflag:$0x6], $0x4000, $0x38;
	[tilespmem:$0x10100] =	vst v63  }
0x274: {  	_ =	swait.ge [sflag:s29], $0x4000  }
0x275: {  	[sflag:s29] =	ssyncset.done $0x0  }
0x276: {  	[sflag:s29] =	ssyncadd.s32 $0xFFFFC000  }
0x277: {  	_ =	swait.ge [sflag:s13], $0x4000  }
0x278: {  	s31 =	sadd.s32 $0x1, s31;
	s20 =	rddreg [dreg:$0x8]  }
0x279: {  	p0 =	sne.s32 s31, s20  }
.Ltmp4:
0x27a: {  	_ = 	snop;
	(pc) =	sbr.rel @p0 .LBB2_1-.Ltmp4, $3  }
0x27b: {  	_ =	sdelay $0x1  }
0x27c: {  	[sflag:s13] =	ssyncset.done $0x0  }
0x27d: {  	[sflag:s13] =	ssyncadd.s32 $0xFFFFC000  }
0x27e: {  	_ =	sfence.sel $0x180000  }
0x27f: {  	[bflag:$0x0] =	sbarrier.arrive $0xFFFF  }
0x280: {  	_ =	strace $0x9000004A  }
0x281: {  	s0 =	stileid.u32;
	[bflag:$0x2] =	sbarrier.arrive $0xFFFF  }
0x282: {  	p0 =	sne.s32 s0, $0x0;
	s0 =	rddreg [dreg:$0x2]  }
0x283: {  	s0 =	sadd.s32 @!p0 $0x100000, s0  }
0x284: {  	[sflag:s0] =	ssyncadd.tile.s32 @!p0 $0x1;
	_ =	shalt  }
.Lfunc_end2:
_tile_overlayer_lowered:
.L_overlay_start_2:
0x285: {  	(tag) =	ssettag $0x2  }
0x286: {  	s0 =	rddreg [dreg:$0x0];
	s2 =	stileid.u32  }
0x287: {  	s1 =	rddreg [dreg:$0x1];
	p0 =	sne.s32 s2, $0x0  }
0x288: {  	s3 =	rddreg [dreg:$0x2];
	[bflag:$0x3] =	sbarrier.arrive $0xFFFF;
	s2 =	simm.s32 @!p0 $0x1C07  }
0x289: {  	[timem:s3], [sflag:s2] =	dma.local @!p0 [hbm:s0], s1  }
0x28a: {  	s0 =	simm.s32 @!p0 $0x7  }
0x28b: {  	_ =	swait.ge @!p0 [sflag:s0], s1  }
0x28c: {  	s1 =	ssub.s32 @!p0 $0x0, s1;
	[sflag:s0] =	ssyncset.done @!p0 $0x0  }
0x28d: {  	[sflag:s0] =	ssyncadd.s32 @!p0 s1  }
0x28e: {  	[bflag:$0x3] =	sbarrier.arrive $0xFFFF  }
0x28f: {  	_ =	shalt  }

</sc_bundles>
